<compile_context>
chip_gen: v7x
topology: tpu7x:2x2x1
jax: 0.10.2.dev20260603
libtpu: 0.0.44.dev20260713+nightly
codegen_flags: <defaults>
</compile_context>

<pallas_src>
import functools

import jax
import jax.numpy as jnp
from jax import lax
from jax.experimental import pallas as pl
from jax.experimental.pallas import tpu as pltpu
from jax.experimental.pallas import tpu_sc as plsc

_N_HEADS = 16
_TOPK = 8
_HT = _N_HEADS * _TOPK


def _sim_body(te_ref, ie_ref, tw_ref, tb_ref, iw_ref, ib_ref, gg_ref,
              gb_ref, mk_ref, sim_ref):
    g = (lax.dot_general(te_ref[...], tw_ref[...], (((1,), (1,)), ((), ())))
         + lax.dot_general(ie_ref[...], iw_ref[...], (((1,), (1,)), ((), ())))
         + tb_ref[...] + ib_ref[...])
    mu = jnp.mean(g, axis=-1, keepdims=True)
    d = g - mu
    var = jnp.mean(d * d, axis=-1, keepdims=True)
    guide = d * lax.rsqrt(var + 1e-5) * gg_ref[...] + gb_ref[...]
    gn = guide / jnp.maximum(
        jnp.sqrt(jnp.sum(guide * guide, axis=-1, keepdims=True)), 1e-8)
    mk = mk_ref[...]
    kn = mk / jnp.maximum(
        jnp.sqrt(jnp.sum(mk * mk, axis=-1, keepdims=True)), 1e-8)
    sim_ref[...] = lax.dot_general(gn, kn, (((1,), (1,)), ((), ())))


def _sim(text_emb, image_emb, text_W, text_b2, img_W, img_b2, gn_g2, gn_b2,
         mem_keys, interpret=False):
    B = text_emb.shape[0]
    M = mem_keys.shape[0]
    return pl.pallas_call(
        _sim_body,
        out_shape=jax.ShapeDtypeStruct((B, M), jnp.float32),
        interpret=interpret,
    )(text_emb, image_emb, text_W, text_b2, img_W, img_b2, gn_g2, gn_b2,
      mem_keys)


def _proj_body(mv_ref, kW_ref, kb_ref, vW_ref, vb_ref, ka_ref, va_ref):
    mv = mv_ref[...]
    ka_ref[...] = lax.dot_general(
        mv, kW_ref[...], (((1,), (1,)), ((), ()))) + kb_ref[...]
    va_ref[...] = lax.dot_general(
        mv, vW_ref[...], (((1,), (1,)), ((), ()))) + vb_ref[...]


def _proj(mem_values, kW, kb2, vW, vb2, interpret=False):
    M, D = mem_values.shape
    return pl.pallas_call(
        _proj_body,
        out_shape=[jax.ShapeDtypeStruct((M, D), jnp.float32),
                   jax.ShapeDtypeStruct((M, D), jnp.float32)],
        interpret=interpret,
    )(mem_values, kW, kb2, vW, vb2)


def _topk(sim):
    B, M = sim.shape
    nchunk = M // 16
    nc = 1
    mesh = plsc.VectorSubcoreMesh(core_axis_name="c", subcore_axis_name="s",
                                  num_cores=1)

    @functools.partial(
        pl.kernel,
        mesh=mesh,
        out_type=jax.ShapeDtypeStruct((B, 16), jnp.int32),
        scratch_types=[
            pltpu.VMEM((M,), jnp.float32),
            pltpu.VMEM((16,), jnp.int32),
        ],
    )
    def k(sim_hbm, out_hbm, sim_v, idx_v):
        cid = lax.axis_index("c")
        sid = lax.axis_index("s")
        wid = sid * nc + cid

        @pl.when(wid < B)
        def _():
            pltpu.sync_copy(sim_hbm.at[wid], sim_v)
            lane = lax.broadcasted_iota(jnp.int32, (16,), 0)
            dnums = lax.GatherDimensionNumbers(
                offset_dims=(), collapsed_slice_dims=(0,),
                start_index_map=(0,))

            def shuffle(v, sh):
                perm = jnp.bitwise_xor(lane, sh).reshape(16, 1)
                return lax.gather(
                    v, perm, dnums, (1,),
                    mode=lax.GatherScatterMode.PROMISE_IN_BOUNDS)

            def butterfly(v, op):
                for sh in (8, 4, 2, 1):
                    v = op(v, shuffle(v, sh))
                return v

            chunks = [sim_v[pl.ds(c * 16, 16)] for c in range(nchunk)]
            gidx = [lane + c * 16 for c in range(nchunk)]
            idxs = jnp.zeros((16,), jnp.int32)
            for it in range(_TOPK):
                m = jnp.full((16,), -3.0e38, jnp.float32)
                mi = jnp.zeros((16,), jnp.int32)
                for c in range(nchunk):
                    upd = chunks[c] > m
                    m = jnp.where(upd, chunks[c], m)
                    mi = jnp.where(upd, gidx[c], mi)
                mmax = butterfly(m, jnp.maximum)
                sel = butterfly(
                    jnp.where(m == mmax, mi, jnp.int32(2 ** 30)), jnp.minimum)
                idxs = jnp.where(lane == it, sel, idxs)
                for c in range(nchunk):
                    chunks[c] = jnp.where(gidx[c] == sel, -3.0e38, chunks[c])
            idx_v[...] = jnp.where(lane < _TOPK, idxs, 0)
            pltpu.sync_copy(idx_v, out_hbm.at[wid])

    return k(sim)


def _fuse_body(idx_ref, ka_ref, va_ref, qW_ref, qb_ref,
               oW_ref, x_ref, ob_ref, ng_ref, nb_ref, o_ref,
               w2_s, vo_s, sb_s, *, D, M, scale):
    @pl.when(pl.program_id(1) == 0)
    def _fold():
        idv = idx_ref[0][:_TOPK]
        onehot = (idv == lax.broadcasted_iota(
            jnp.int32, (_TOPK, M), 1)).astype(jnp.float32)
        K = lax.dot_general(onehot, ka_ref[...], (((1,), (0,)), ((), ())))
        V = lax.dot_general(onehot, va_ref[...], (((1,), (0,)), ((), ())))
        Kt = jnp.concatenate([K] * _N_HEADS, axis=0)
        Vt = jnp.concatenate([V] * _N_HEADS, axis=0)
        r = lax.broadcasted_iota(jnp.int32, (_HT, D), 0)
        dcol = lax.broadcasted_iota(jnp.int32, (_HT, D), 1)
        hm = (r // _TOPK) == (dcol // (D // _N_HEADS))
        Kexp = jnp.where(hm, Kt, 0.0)
        Vexp = jnp.where(hm, Vt, 0.0)
        w2_s[...] = lax.dot_general(
            Kexp, qW_ref[...], (((1,), (0,)), ((), ()))) * scale
        sb_s[...] = lax.dot_general(
            qb_ref[...], Kexp, (((1,), (1,)), ((), ()))) * scale
        vo_s[...] = lax.dot_general(Vexp, oW_ref[...], (((1,), (1,)), ((), ())))

    xb = x_ref[0]
    s = lax.dot_general(xb, w2_s[...], (((1,), (1,)), ((), ()))) + sb_s[...]
    m = jnp.max(s, axis=-1, keepdims=True)
    e = jnp.exp(s - m)
    r = lax.broadcasted_iota(jnp.int32, (_HT, _HT), 0)
    c = lax.broadcasted_iota(jnp.int32, (_HT, _HT), 1)
    G = ((r // _TOPK) == (c // _TOPK)).astype(jnp.float32)
    gs = lax.dot_general(e, G, (((1,), (0,)), ((), ())))
    w = e / jnp.maximum(gs, 1e-37)
    o = lax.dot_general(w, vo_s[...], (((1,), (0,)), ((), ()))) + ob_ref[...]
    y = xb + o
    mu = jnp.mean(y, axis=-1, keepdims=True)
    d = y - mu
    var = jnp.mean(d * d, axis=-1, keepdims=True)
    o_ref[0] = d * lax.rsqrt(var + 1e-5) * ng_ref[...] + nb_ref[...]


def _fuse(idx3, kall, vall, qW, qb2, oW, x, ob2, ng2, nb2,
          sblk=1024, interpret=False):
    B, S, D = x.shape
    M = kall.shape[0]
    scale = 1.0 / float(D // _N_HEADS) ** 0.5
    body = functools.partial(_fuse_body, D=D, M=M, scale=scale)
    wspec = pl.BlockSpec((D, D), lambda b, s: (0, 0))
    mspec = pl.BlockSpec((M, D), lambda b, s: (0, 0))
    bspec = pl.BlockSpec((1, D), lambda b, s: (0, 0))
    return pl.pallas_call(
        body,
        grid=(B, S // sblk),
        in_specs=[
            pl.BlockSpec((1, 16, 1), lambda b, s: (b, 0, 0)),
            mspec, mspec, wspec, bspec, wspec,
            pl.BlockSpec((1, sblk, D), lambda b, s: (b, s, 0)),
            bspec, bspec, bspec,
        ],
        out_specs=pl.BlockSpec((1, sblk, D), lambda b, s: (b, s, 0)),
        out_shape=jax.ShapeDtypeStruct((B, S, D), jnp.float32),
        scratch_shapes=[
            pltpu.VMEM((_HT, D), jnp.float32),
            pltpu.VMEM((_HT, D), jnp.float32),
            pltpu.VMEM((1, _HT), jnp.float32),
        ],
        interpret=interpret,
    )(idx3, kall, vall, qW, qb2, oW, x, ob2, ng2, nb2)


def kernel(x, mem_keys, mem_values, text_emb, image_emb, text_W, text_b,
           img_W, img_b, gn_g, gn_b, qW, qb, kW, kb, vW, vb, oW, ob, n_g,
           n_b):
    row = lambda v: v.reshape(1, -1)
    sim = _sim(text_emb, image_emb, text_W, row(text_b), img_W, row(img_b),
               row(gn_g), row(gn_b), mem_keys)
    idx = _topk(sim)
    kall, vall = _proj(mem_values, kW, row(kb), vW, row(vb))
    return _fuse(idx.reshape(idx.shape[0], 16, 1), kall, vall, qW, row(qb),
                 oW, x, row(ob), row(n_g), row(n_b))

# --- scband reference (transcript-rebuilt; emitter-appended) ---
"""Pipeline reference for scband-semantic-pack-3126736191705 (READ-ONLY COPY).

The authoritative reference and input builder live on the scoring server;
editing this copy changes nothing except your own understanding.
"""

import jax, jax.numpy as jnp
import numpy as np

N_HEADS = 16
TOPK = 8

def _ln(x, g, b, eps=1e-5):
    m = jnp.mean(x, axis=-1, keepdims=True)
    v = jnp.var(x, axis=-1, keepdims=True)
    return (x - m) / jnp.sqrt(v + eps) * g + b

def _lin_init(k, i, o):
    k1, k2 = jax.random.split(k)
    w = jax.random.normal(k1, (o, i), dtype=jnp.float32) / np.sqrt(i)
    b = jnp.zeros((o,), dtype=jnp.float32)
    return w, b

def setup_inputs(seed: int = 0) -> dict:
    key = jax.random.key(seed)
    ks = jax.random.split(key, 16)
    B, S, D = 2, 2048, 1024
    M, TD, ID = 256, 768, 1024
    d = {}
    d['x'] = jax.random.normal(ks[0], (B, S, D), dtype=jnp.float32)
    d['mem_keys'] = jax.random.normal(ks[1], (M, D), dtype=jnp.float32)
    d['mem_values'] = jax.random.normal(ks[2], (M, D), dtype=jnp.float32)
    d['text_emb'] = jax.random.normal(ks[3], (B, TD), dtype=jnp.float32)
    d['image_emb'] = jax.random.normal(ks[4], (B, ID), dtype=jnp.float32)
    d['text_W'], d['text_b'] = _lin_init(ks[5], TD, D)
    d['img_W'], d['img_b'] = _lin_init(ks[6], ID, D)
    d['gn_g'] = jnp.ones((D,), dtype=jnp.float32)
    d['gn_b'] = jnp.zeros((D,), dtype=jnp.float32)
    d['qW'], d['qb'] = _lin_init(ks[7], D, D)
    d['kW'], d['kb'] = _lin_init(ks[8], D, D)
    d['vW'], d['vb'] = _lin_init(ks[9], D, D)
    d['oW'], d['ob'] = _lin_init(ks[10], D, D)
    d['n_g'] = jnp.ones((D,), dtype=jnp.float32)
    d['n_b'] = jnp.zeros((D,), dtype=jnp.float32)
    return d

def reference(x, mem_keys, mem_values, text_emb, image_emb, text_W, text_b, img_W, img_b, gn_g, gn_b, qW, qb, kW, kb, vW, vb, oW, ob, n_g, n_b):
    B, S, D = x.shape
    dh = D // N_HEADS
    # guidance query
    guide = _ln(text_emb @ text_W.T + text_b + image_emb @ img_W.T + img_b, gn_g, gn_b)
    # cosine-similarity retrieval (topk over memory bank, per batch element)
    gn = guide / jnp.clip(jnp.linalg.norm(guide, axis=-1, keepdims=True), 1e-8)
    kn = mem_keys / jnp.clip(jnp.linalg.norm(mem_keys, axis=-1, keepdims=True), 1e-8)
    sim = gn @ kn.T  # [B, M]
    _, idx = jax.lax.top_k(sim, TOPK)  # [B, TOPK]
    mem_tokens = jnp.take(mem_values, idx, axis=0)  # [B, TOPK, D]
    def split_heads(t):
        return t.reshape(t.shape[0], t.shape[1], N_HEADS, dh).transpose(0, 2, 1, 3)
    Q = split_heads(x @ qW.T + qb)
    K = split_heads(mem_tokens @ kW.T + kb)
    V = split_heads(mem_tokens @ vW.T + vb)
    scale = np.sqrt(dh)
    attn = jax.nn.softmax((Q @ K.transpose(0, 1, 3, 2)) / scale, axis=-1)
    out = (attn @ V).transpose(0, 2, 1, 3).reshape(B, S, D)
    out = out @ oW.T + ob
    return _ln(x + out, n_g, n_b)

if __name__ == "__main__":
    import jax
    _d = setup_inputs()
    print(jax.jit(kernel)(*tuple(_d.values())))

</pallas_src>

<mosaic_0001>
#map = affine_map<(d0, d1) -> (0, 0)>
module attributes {stable_mosaic.version = 14 : i64} {
  func.func @k(%arg0: i32, %arg1: i32, %arg2: memref<2x256xf32, #tpu.memory_space<hbm>>, %arg3: memref<2x16xi32, #tpu.memory_space<hbm>>, %arg4: memref<256xf32, #tpu.memory_space<vmem>>, %arg5: memref<16xi32, #tpu.memory_space<vmem>>) attributes {dimension_semantics = [#tpu.dimension_semantics<core_parallel>, #tpu.dimension_semantics<subcore_parallel>], iteration_bounds = array<i64: 1, 16>, scalar_prefetch = 0 : i64, scratch_operands = 2 : i64, tpu.core_type = #tpu.core_type<sc_vector_subcore>, window_params = [{transform_indices = #map}, {transform_indices = #map}]} {
    %mul3A = arith.constant 1 : i32
    %mul3A_0 = arith.muli %arg1, %mul3A : i32
    %add3A = arith.addi %mul3A_0, %arg0 : i32
    %lt3A = arith.constant 2 : i32
    %lt3A_1 = arith.cmpi slt, %add3A, %lt3A : i32
    %convert_element_type3A = arith.extui %lt3A_1 : i1 to i32
    %cond3A = arith.constant 0 : i32
    %cond3A_2 = arith.cmpi ne, %convert_element_type3A, %cond3A : i32
    scf.if %cond3A_2 {
      "tpu.region"() ({
        %run_scoped3A = tpu.sem_alloc : memref<!tpu.dma_semaphore, #tpu.memory_space<semaphore_mem>>
        %dma_start3A = arith.constant 0 : i32
        %dma_start3A_1539 = tpu.memref_slice %arg2[%add3A, %dma_start3A] : memref<2x256xf32, #tpu.memory_space<hbm>> -> memref<1x256xf32, #tpu.memory_space<hbm>>
        %dma_start3A_1540 = tpu.memref_squeeze %dma_start3A_1539 : memref<1x256xf32, #tpu.memory_space<hbm>> -> memref<256xf32, #tpu.memory_space<hbm>>
        %dma_start3A_1541 = arith.constant 0 : i32
        %dma_start3A_1542 = tpu.memref_slice %arg2[%add3A, %dma_start3A_1541] : memref<2x256xf32, #tpu.memory_space<hbm>> -> memref<1x256xf32, #tpu.memory_space<hbm>>
        %dma_start3A_1543 = tpu.memref_squeeze %dma_start3A_1542 : memref<1x256xf32, #tpu.memory_space<hbm>> -> memref<256xf32, #tpu.memory_space<hbm>>
        tpu.enqueue_dma source(%dma_start3A_1543 : memref<256xf32, #tpu.memory_space<hbm>>) target(%arg4 : memref<256xf32, #tpu.memory_space<vmem>>) target_semaphore(%run_scoped3A : memref<!tpu.dma_semaphore, #tpu.memory_space<semaphore_mem>>)
        %dma_wait3A = arith.constant 0 : i32
        %dma_wait3A_1544 = tpu.memref_slice %arg2[%add3A, %dma_wait3A] : memref<2x256xf32, #tpu.memory_space<hbm>> -> memref<1x256xf32, #tpu.memory_space<hbm>>
        %dma_wait3A_1545 = tpu.memref_squeeze %dma_wait3A_1544 : memref<1x256xf32, #tpu.memory_space<hbm>> -> memref<256xf32, #tpu.memory_space<hbm>>
        %dma_wait3A_1546 = arith.constant 0 : i32
        %dma_wait3A_1547 = tpu.memref_slice %arg2[%add3A, %dma_wait3A_1546] : memref<2x256xf32, #tpu.memory_space<hbm>> -> memref<1x256xf32, #tpu.memory_space<hbm>>
        %dma_wait3A_1548 = tpu.memref_squeeze %dma_wait3A_1547 : memref<1x256xf32, #tpu.memory_space<hbm>> -> memref<256xf32, #tpu.memory_space<hbm>>
        tpu.wait_dma2 semaphore(%run_scoped3A : memref<!tpu.dma_semaphore, #tpu.memory_space<semaphore_mem>>) src(%dma_wait3A_1548 : memref<256xf32, #tpu.memory_space<hbm>>) dst(%arg4 : memref<256xf32, #tpu.memory_space<vmem>>)
        tpu.yield
      }) : () -> ()
      %iota3A = tpu.iota {dimensions = array<i32: 0>} : vector<16xi32>
      %get3A = arith.constant 0 : index
      %get3A_3 = tpu.vector_load %arg4[%get3A] {strides = array<i32>} : memref<256xf32, #tpu.memory_space<vmem>>, vector<16xf32>,
      %get3A_4 = vector.shape_cast %get3A_3 : vector<16xf32> to vector<16xf32>
      %get3A_5 = arith.constant 16 : index
      %get3A_6 = tpu.vector_load %arg4[%get3A_5] {strides = array<i32>} : memref<256xf32, #tpu.memory_space<vmem>>, vector<16xf32>,
      %get3A_7 = vector.shape_cast %get3A_6 : vector<16xf32> to vector<16xf32>
      %get3A_8 = arith.constant 32 : index
      %get3A_9 = tpu.vector_load %arg4[%get3A_8] {strides = array<i32>} : memref<256xf32, #tpu.memory_space<vmem>>, vector<16xf32>,
      %get3A_10 = vector.shape_cast %get3A_9 : vector<16xf32> to vector<16xf32>
      %get3A_11 = arith.constant 48 : index
      %get3A_12 = tpu.vector_load %arg4[%get3A_11] {strides = array<i32>} : memref<256xf32, #tpu.memory_space<vmem>>, vector<16xf32>,
      %get3A_13 = vector.shape_cast %get3A_12 : vector<16xf32> to vector<16xf32>
      %get3A_14 = arith.constant 64 : index
      %get3A_15 = tpu.vector_load %arg4[%get3A_14] {strides = array<i32>} : memref<256xf32, #tpu.memory_space<vmem>>, vector<16xf32>,
      %get3A_16 = vector.shape_cast %get3A_15 : vector<16xf32> to vector<16xf32>
      %get3A_17 = arith.constant 80 : index
      %get3A_18 = tpu.vector_load %arg4[%get3A_17] {strides = array<i32>} : memref<256xf32, #tpu.memory_space<vmem>>, vector<16xf32>,
      %get3A_19 = vector.shape_cast %get3A_18 : vector<16xf32> to vector<16xf32>
      %get3A_20 = arith.constant 96 : index
      %get3A_21 = tpu.vector_load %arg4[%get3A_20] {strides = array<i32>} : memref<256xf32, #tpu.memory_space<vmem>>, vector<16xf32>,
      %get3A_22 = vector.shape_cast %get3A_21 : vector<16xf32> to vector<16xf32>
      %get3A_23 = arith.constant 112 : index
      %get3A_24 = tpu.vector_load %arg4[%get3A_23] {strides = array<i32>} : memref<256xf32, #tpu.memory_space<vmem>>, vector<16xf32>,
      %get3A_25 = vector.shape_cast %get3A_24 : vector<16xf32> to vector<16xf32>
      %get3A_26 = arith.constant 128 : index
      %get3A_27 = tpu.vector_load %arg4[%get3A_26] {strides = array<i32>} : memref<256xf32, #tpu.memory_space<vmem>>, vector<16xf32>,
      %get3A_28 = vector.shape_cast %get3A_27 : vector<16xf32> to vector<16xf32>
      %get3A_29 = arith.constant 144 : index
      %get3A_30 = tpu.vector_load %arg4[%get3A_29] {strides = array<i32>} : memref<256xf32, #tpu.memory_space<vmem>>, vector<16xf32>,
      %get3A_31 = vector.shape_cast %get3A_30 : vector<16xf32> to vector<16xf32>
      %get3A_32 = arith.constant 160 : index
      %get3A_33 = tpu.vector_load %arg4[%get3A_32] {strides = array<i32>} : memref<256xf32, #tpu.memory_space<vmem>>, vector<16xf32>,
      %get3A_34 = vector.shape_cast %get3A_33 : vector<16xf32> to vector<16xf32>
      %get3A_35 = arith.constant 176 : index
      %get3A_36 = tpu.vector_load %arg4[%get3A_35] {strides = array<i32>} : memref<256xf32, #tpu.memory_space<vmem>>, vector<16xf32>,
      %get3A_37 = vector.shape_cast %get3A_36 : vector<16xf32> to vector<16xf32>
      %get3A_38 = arith.constant 192 : index
      %get3A_39 = tpu.vector_load %arg4[%get3A_38] {strides = array<i32>} : memref<256xf32, #tpu.memory_space<vmem>>, vector<16xf32>,
      %get3A_40 = vector.shape_cast %get3A_39 : vector<16xf32> to vector<16xf32>
      %get3A_41 = arith.constant 208 : index
      %get3A_42 = tpu.vector_load %arg4[%get3A_41] {strides = array<i32>} : memref<256xf32, #tpu.memory_space<vmem>>, vector<16xf32>,
      %get3A_43 = vector.shape_cast %get3A_42 : vector<16xf32> to vector<16xf32>
      %get3A_44 = arith.constant 224 : index
      %get3A_45 = tpu.vector_load %arg4[%get3A_44] {strides = array<i32>} : memref<256xf32, #tpu.memory_space<vmem>>, vector<16xf32>,
      %get3A_46 = vector.shape_cast %get3A_45 : vector<16xf32> to vector<16xf32>
      %get3A_47 = arith.constant 240 : index
      %get3A_48 = tpu.vector_load %arg4[%get3A_47] {strides = array<i32>} : memref<256xf32, #tpu.memory_space<vmem>>, vector<16xf32>,
      %get3A_49 = vector.shape_cast %get3A_48 : vector<16xf32> to vector<16xf32>
      %add3A_50 = arith.constant 0 : i32
      %add3A_51 = vector.broadcast %add3A_50 : i32 to vector<16xi32>
      %add3A_52 = arith.addi %iota3A, %add3A_51 : vector<16xi32>
      %add3A_53 = arith.constant 16 : i32
      %add3A_54 = vector.broadcast %add3A_53 : i32 to vector<16xi32>
      %add3A_55 = arith.addi %iota3A, %add3A_54 : vector<16xi32>
      %add3A_56 = arith.constant 32 : i32
      %add3A_57 = vector.broadcast %add3A_56 : i32 to vector<16xi32>
      %add3A_58 = arith.addi %iota3A, %add3A_57 : vector<16xi32>
      %add3A_59 = arith.constant 48 : i32
      %add3A_60 = vector.broadcast %add3A_59 : i32 to vector<16xi32>
      %add3A_61 = arith.addi %iota3A, %add3A_60 : vector<16xi32>
      %add3A_62 = arith.constant 64 : i32
      %add3A_63 = vector.broadcast %add3A_62 : i32 to vector<16xi32>
      %add3A_64 = arith.addi %iota3A, %add3A_63 : vector<16xi32>
      %add3A_65 = arith.constant 80 : i32
      %add3A_66 = vector.broadcast %add3A_65 : i32 to vector<16xi32>
      %add3A_67 = arith.addi %iota3A, %add3A_66 : vector<16xi32>
      %add3A_68 = arith.constant 96 : i32
      %add3A_69 = vector.broadcast %add3A_68 : i32 to vector<16xi32>
      %add3A_70 = arith.addi %iota3A, %add3A_69 : vector<16xi32>
      %add3A_71 = arith.constant 112 : i32
      %add3A_72 = vector.broadcast %add3A_71 : i32 to vector<16xi32>
      %add3A_73 = arith.addi %iota3A, %add3A_72 : vector<16xi32>
      %add3A_74 = arith.constant 128 : i32
      %add3A_75 = vector.broadcast %add3A_74 : i32 to vector<16xi32>
      %add3A_76 = arith.addi %iota3A, %add3A_75 : vector<16xi32>
      %add3A_77 = arith.constant 144 : i32
      %add3A_78 = vector.broadcast %add3A_77 : i32 to vector<16xi32>
      %add3A_79 = arith.addi %iota3A, %add3A_78 : vector<16xi32>
      %add3A_80 = arith.constant 160 : i32
      %add3A_81 = vector.broadcast %add3A_80 : i32 to vector<16xi32>
      %add3A_82 = arith.addi %iota3A, %add3A_81 : vector<16xi32>
      %add3A_83 = arith.constant 176 : i32
      %add3A_84 = vector.broadcast %add3A_83 : i32 to vector<16xi32>
      %add3A_85 = arith.addi %iota3A, %add3A_84 : vector<16xi32>
      %add3A_86 = arith.constant 192 : i32
      %add3A_87 = vector.broadcast %add3A_86 : i32 to vector<16xi32>
      %add3A_88 = arith.addi %iota3A, %add3A_87 : vector<16xi32>
      %add3A_89 = arith.constant 208 : i32
      %add3A_90 = vector.broadcast %add3A_89 : i32 to vector<16xi32>
      %add3A_91 = arith.addi %iota3A, %add3A_90 : vector<16xi32>
      %add3A_92 = arith.constant 224 : i32
      %add3A_93 = vector.broadcast %add3A_92 : i32 to vector<16xi32>
      %add3A_94 = arith.addi %iota3A, %add3A_93 : vector<16xi32>
      %add3A_95 = arith.constant 240 : i32
      %add3A_96 = vector.broadcast %add3A_95 : i32 to vector<16xi32>
      %add3A_97 = arith.addi %iota3A, %add3A_96 : vector<16xi32>
      %broadcast_in_dim3A = arith.constant 0 : i32
      %broadcast_in_dim3A_98 = vector.broadcast %broadcast_in_dim3A : i32 to vector<16xi32>
      %broadcast_in_dim3A_99 = arith.constant -3.000000e+38 : f32
      %broadcast_in_dim3A_100 = vector.broadcast %broadcast_in_dim3A_99 : f32 to vector<16xf32>
      %broadcast_in_dim3A_101 = arith.constant 0 : i32
      %broadcast_in_dim3A_102 = vector.broadcast %broadcast_in_dim3A_101 : i32 to vector<16xi32>
      %gt3A = arith.cmpf ogt, %get3A_4, %broadcast_in_dim3A_100 : vector<16xf32>
      %select_n3A = arith.select %gt3A, %get3A_4, %broadcast_in_dim3A_100 : vector<16xi1>, vector<16xf32>
      %select_n3A_103 = arith.select %gt3A, %add3A_52, %broadcast_in_dim3A_102 : vector<16xi1>, vector<16xi32>
      %gt3A_104 = arith.cmpf ogt, %get3A_7, %select_n3A : vector<16xf32>
      %select_n3A_105 = arith.select %gt3A_104, %get3A_7, %select_n3A : vector<16xi1>, vector<16xf32>
      %select_n3A_106 = arith.select %gt3A_104, %add3A_55, %select_n3A_103 : vector<16xi1>, vector<16xi32>
      %gt3A_107 = arith.cmpf ogt, %get3A_10, %select_n3A_105 : vector<16xf32>
      %select_n3A_108 = arith.select %gt3A_107, %get3A_10, %select_n3A_105 : vector<16xi1>, vector<16xf32>
      %select_n3A_109 = arith.select %gt3A_107, %add3A_58, %select_n3A_106 : vector<16xi1>, vector<16xi32>
      %gt3A_110 = arith.cmpf ogt, %get3A_13, %select_n3A_108 : vector<16xf32>
      %select_n3A_111 = arith.select %gt3A_110, %get3A_13, %select_n3A_108 : vector<16xi1>, vector<16xf32>
      %select_n3A_112 = arith.select %gt3A_110, %add3A_61, %select_n3A_109 : vector<16xi1>, vector<16xi32>
      %gt3A_113 = arith.cmpf ogt, %get3A_16, %select_n3A_111 : vector<16xf32>
      %select_n3A_114 = arith.select %gt3A_113, %get3A_16, %select_n3A_111 : vector<16xi1>, vector<16xf32>
      %select_n3A_115 = arith.select %gt3A_113, %add3A_64, %select_n3A_112 : vector<16xi1>, vector<16xi32>
      %gt3A_116 = arith.cmpf ogt, %get3A_19, %select_n3A_114 : vector<16xf32>
      %select_n3A_117 = arith.select %gt3A_116, %get3A_19, %select_n3A_114 : vector<16xi1>, vector<16xf32>
      %select_n3A_118 = arith.select %gt3A_116, %add3A_67, %select_n3A_115 : vector<16xi1>, vector<16xi32>
      %gt3A_119 = arith.cmpf ogt, %get3A_22, %select_n3A_117 : vector<16xf32>
      %select_n3A_120 = arith.select %gt3A_119, %get3A_22, %select_n3A_117 : vector<16xi1>, vector<16xf32>
      %select_n3A_121 = arith.select %gt3A_119, %add3A_70, %select_n3A_118 : vector<16xi1>, vector<16xi32>
      %gt3A_122 = arith.cmpf ogt, %get3A_25, %select_n3A_120 : vector<16xf32>
      %select_n3A_123 = arith.select %gt3A_122, %get3A_25, %select_n3A_120 : vector<16xi1>, vector<16xf32>
      %select_n3A_124 = arith.select %gt3A_122, %add3A_73, %select_n3A_121 : vector<16xi1>, vector<16xi32>
      %gt3A_125 = arith.cmpf ogt, %get3A_28, %select_n3A_123 : vector<16xf32>
      %select_n3A_126 = arith.select %gt3A_125, %get3A_28, %select_n3A_123 : vector<16xi1>, vector<16xf32>
      %select_n3A_127 = arith.select %gt3A_125, %add3A_76, %select_n3A_124 : vector<16xi1>, vector<16xi32>
      %gt3A_128 = arith.cmpf ogt, %get3A_31, %select_n3A_126 : vector<16xf32>
      %select_n3A_129 = arith.select %gt3A_128, %get3A_31, %select_n3A_126 : vector<16xi1>, vector<16xf32>
      %select_n3A_130 = arith.select %gt3A_128, %add3A_79, %select_n3A_127 : vector<16xi1>, vector<16xi32>
      %gt3A_131 = arith.cmpf ogt, %get3A_34, %select_n3A_129 : vector<16xf32>
      %select_n3A_132 = arith.select %gt3A_131, %get3A_34, %select_n3A_129 : vector<16xi1>, vector<16xf32>
      %select_n3A_133 = arith.select %gt3A_131, %add3A_82, %select_n3A_130 : vector<16xi1>, vector<16xi32>
      %gt3A_134 = arith.cmpf ogt, %get3A_37, %select_n3A_132 : vector<16xf32>
      %select_n3A_135 = arith.select %gt3A_134, %get3A_37, %select_n3A_132 : vector<16xi1>, vector<16xf32>
      %select_n3A_136 = arith.select %gt3A_134, %add3A_85, %select_n3A_133 : vector<16xi1>, vector<16xi32>
      %gt3A_137 = arith.cmpf ogt, %get3A_40, %select_n3A_135 : vector<16xf32>
      %select_n3A_138 = arith.select %gt3A_137, %get3A_40, %select_n3A_135 : vector<16xi1>, vector<16xf32>
      %select_n3A_139 = arith.select %gt3A_137, %add3A_88, %select_n3A_136 : vector<16xi1>, vector<16xi32>
      %gt3A_140 = arith.cmpf ogt, %get3A_43, %select_n3A_138 : vector<16xf32>
      %select_n3A_141 = arith.select %gt3A_140, %get3A_43, %select_n3A_138 : vector<16xi1>, vector<16xf32>
      %select_n3A_142 = arith.select %gt3A_140, %add3A_91, %select_n3A_139 : vector<16xi1>, vector<16xi32>
      %gt3A_143 = arith.cmpf ogt, %get3A_46, %select_n3A_141 : vector<16xf32>
      %select_n3A_144 = arith.select %gt3A_143, %get3A_46, %select_n3A_141 : vector<16xi1>, vector<16xf32>
      %select_n3A_145 = arith.select %gt3A_143, %add3A_94, %select_n3A_142 : vector<16xi1>, vector<16xi32>
      %gt3A_146 = arith.cmpf ogt, %get3A_49, %select_n3A_144 : vector<16xf32>
      %select_n3A_147 = arith.select %gt3A_146, %get3A_49, %select_n3A_144 : vector<16xi1>, vector<16xf32>
      %select_n3A_148 = arith.select %gt3A_146, %add3A_97, %select_n3A_145 : vector<16xi1>, vector<16xi32>
      %xor3A = arith.constant 8 : i32
      %xor3A_149 = vector.broadcast %xor3A : i32 to vector<16xi32>
      %xor3A_150 = arith.xori %iota3A, %xor3A_149 : vector<16xi32>
      %reshape3A = vector.shape_cast %xor3A_150 : vector<16xi32> to vector<16x1xi32>
      %gather3A = vector.shape_cast %reshape3A : vector<16x1xi32> to vector<16xi32>
      %gather3A_151 = tpu.dynamic_gather %select_n3A_147[%gather3A] in [0] : vector<16xf32>, vector<16xi32> -> vector<16xf32>
      %max3A = arith.maximumf %select_n3A_147, %gather3A_151 : vector<16xf32>
      %xor3A_152 = arith.constant 4 : i32
      %xor3A_153 = vector.broadcast %xor3A_152 : i32 to vector<16xi32>
      %xor3A_154 = arith.xori %iota3A, %xor3A_153 : vector<16xi32>
      %reshape3A_155 = vector.shape_cast %xor3A_154 : vector<16xi32> to vector<16x1xi32>
      %gather3A_156 = vector.shape_cast %reshape3A_155 : vector<16x1xi32> to vector<16xi32>
      %gather3A_157 = tpu.dynamic_gather %max3A[%gather3A_156] in [0] : vector<16xf32>, vector<16xi32> -> vector<16xf32>
      %max3A_158 = arith.maximumf %max3A, %gather3A_157 : vector<16xf32>
      %xor3A_159 = arith.constant 2 : i32
      %xor3A_160 = vector.broadcast %xor3A_159 : i32 to vector<16xi32>
      %xor3A_161 = arith.xori %iota3A, %xor3A_160 : vector<16xi32>
      %reshape3A_162 = vector.shape_cast %xor3A_161 : vector<16xi32> to vector<16x1xi32>
      %gather3A_163 = vector.shape_cast %reshape3A_162 : vector<16x1xi32> to vector<16xi32>
      %gather3A_164 = tpu.dynamic_gather %max3A_158[%gather3A_163] in [0] : vector<16xf32>, vector<16xi32> -> vector<16xf32>
      %max3A_165 = arith.maximumf %max3A_158, %gather3A_164 : vector<16xf32>
      %xor3A_166 = arith.constant 1 : i32
      %xor3A_167 = vector.broadcast %xor3A_166 : i32 to vector<16xi32>
      %xor3A_168 = arith.xori %iota3A, %xor3A_167 : vector<16xi32>
      %reshape3A_169 = vector.shape_cast %xor3A_168 : vector<16xi32> to vector<16x1xi32>
      %gather3A_170 = vector.shape_cast %reshape3A_169 : vector<16x1xi32> to vector<16xi32>
      %gather3A_171 = tpu.dynamic_gather %max3A_165[%gather3A_170] in [0] : vector<16xf32>, vector<16xi32> -> vector<16xf32>
      %max3A_172 = arith.maximumf %max3A_165, %gather3A_171 : vector<16xf32>
      %eq3A = arith.cmpf oeq, %select_n3A_147, %max3A_172 : vector<16xf32>
      %jit3A = arith.constant 1073741824 : i32
      %broadcast_in_dim3A_173 = vector.broadcast %jit3A : i32 to vector<16xi32>
      %select_n3A_174 = arith.select %eq3A, %select_n3A_148, %broadcast_in_dim3A_173 : vector<16xi1>, vector<16xi32>
      %xor3A_175 = arith.constant 8 : i32
      %xor3A_176 = vector.broadcast %xor3A_175 : i32 to vector<16xi32>
      %xor3A_177 = arith.xori %iota3A, %xor3A_176 : vector<16xi32>
      %reshape3A_178 = vector.shape_cast %xor3A_177 : vector<16xi32> to vector<16x1xi32>
      %gather3A_179 = vector.shape_cast %reshape3A_178 : vector<16x1xi32> to vector<16xi32>
      %gather3A_180 = tpu.dynamic_gather %select_n3A_174[%gather3A_179] in [0] : vector<16xi32>, vector<16xi32> -> vector<16xi32>
      %min3A = arith.minsi %select_n3A_174, %gather3A_180 : vector<16xi32>
      %xor3A_181 = arith.constant 4 : i32
      %xor3A_182 = vector.broadcast %xor3A_181 : i32 to vector<16xi32>
      %xor3A_183 = arith.xori %iota3A, %xor3A_182 : vector<16xi32>
      %reshape3A_184 = vector.shape_cast %xor3A_183 : vector<16xi32> to vector<16x1xi32>
      %gather3A_185 = vector.shape_cast %reshape3A_184 : vector<16x1xi32> to vector<16xi32>
      %gather3A_186 = tpu.dynamic_gather %min3A[%gather3A_185] in [0] : vector<16xi32>, vector<16xi32> -> vector<16xi32>
      %min3A_187 = arith.minsi %min3A, %gather3A_186 : vector<16xi32>
      %xor3A_188 = arith.constant 2 : i32
      %xor3A_189 = vector.broadcast %xor3A_188 : i32 to vector<16xi32>
      %xor3A_190 = arith.xori %iota3A, %xor3A_189 : vector<16xi32>
      %reshape3A_191 = vector.shape_cast %xor3A_190 : vector<16xi32> to vector<16x1xi32>
      %gather3A_192 = vector.shape_cast %reshape3A_191 : vector<16x1xi32> to vector<16xi32>
      %gather3A_193 = tpu.dynamic_gather %min3A_187[%gather3A_192] in [0] : vector<16xi32>, vector<16xi32> -> vector<16xi32>
      %min3A_194 = arith.minsi %min3A_187, %gather3A_193 : vector<16xi32>
      %xor3A_195 = arith.constant 1 : i32
      %xor3A_196 = vector.broadcast %xor3A_195 : i32 to vector<16xi32>
      %xor3A_197 = arith.xori %iota3A, %xor3A_196 : vector<16xi32>
      %reshape3A_198 = vector.shape_cast %xor3A_197 : vector<16xi32> to vector<16x1xi32>
      %gather3A_199 = vector.shape_cast %reshape3A_198 : vector<16x1xi32> to vector<16xi32>
      %gather3A_200 = tpu.dynamic_gather %min3A_194[%gather3A_199] in [0] : vector<16xi32>, vector<16xi32> -> vector<16xi32>
      %min3A_201 = arith.minsi %min3A_194, %gather3A_200 : vector<16xi32>
      %eq3A_202 = arith.constant 0 : i32
      %eq3A_203 = vector.broadcast %eq3A_202 : i32 to vector<16xi32>
      %eq3A_204 = arith.cmpi eq, %iota3A, %eq3A_203 : vector<16xi32>
      %select_n3A_205 = arith.select %eq3A_204, %min3A_201, %broadcast_in_dim3A_98 : vector<16xi1>, vector<16xi32>
      %eq3A_206 = arith.cmpi eq, %add3A_52, %min3A_201 : vector<16xi32>
      %jit3A_207 = arith.constant -3.000000e+38 : f32
      %broadcast_in_dim3A_208 = vector.broadcast %jit3A_207 : f32 to vector<16xf32>
      %select_n3A_209 = arith.select %eq3A_206, %broadcast_in_dim3A_208, %get3A_4 : vector<16xi1>, vector<16xf32>
      %eq3A_210 = arith.cmpi eq, %add3A_55, %min3A_201 : vector<16xi32>
      %jit3A_211 = arith.constant -3.000000e+38 : f32
      %broadcast_in_dim3A_212 = vector.broadcast %jit3A_211 : f32 to vector<16xf32>
      %select_n3A_213 = arith.select %eq3A_210, %broadcast_in_dim3A_212, %get3A_7 : vector<16xi1>, vector<16xf32>
      %eq3A_214 = arith.cmpi eq, %add3A_58, %min3A_201 : vector<16xi32>
      %jit3A_215 = arith.constant -3.000000e+38 : f32
      %broadcast_in_dim3A_216 = vector.broadcast %jit3A_215 : f32 to vector<16xf32>
      %select_n3A_217 = arith.select %eq3A_214, %broadcast_in_dim3A_216, %get3A_10 : vector<16xi1>, vector<16xf32>
      %eq3A_218 = arith.cmpi eq, %add3A_61, %min3A_201 : vector<16xi32>
      %jit3A_219 = arith.constant -3.000000e+38 : f32
      %broadcast_in_dim3A_220 = vector.broadcast %jit3A_219 : f32 to vector<16xf32>
      %select_n3A_221 = arith.select %eq3A_218, %broadcast_in_dim3A_220, %get3A_13 : vector<16xi1>, vector<16xf32>
      %eq3A_222 = arith.cmpi eq, %add3A_64, %min3A_201 : vector<16xi32>
      %jit3A_223 = arith.constant -3.000000e+38 : f32
      %broadcast_in_dim3A_224 = vector.broadcast %jit3A_223 : f32 to vector<16xf32>
      %select_n3A_225 = arith.select %eq3A_222, %broadcast_in_dim3A_224, %get3A_16 : vector<16xi1>, vector<16xf32>
      %eq3A_226 = arith.cmpi eq, %add3A_67, %min3A_201 : vector<16xi32>
      %jit3A_227 = arith.constant -3.000000e+38 : f32
      %broadcast_in_dim3A_228 = vector.broadcast %jit3A_227 : f32 to vector<16xf32>
      %select_n3A_229 = arith.select %eq3A_226, %broadcast_in_dim3A_228, %get3A_19 : vector<16xi1>, vector<16xf32>
      %eq3A_230 = arith.cmpi eq, %add3A_70, %min3A_201 : vector<16xi32>
      %jit3A_231 = arith.constant -3.000000e+38 : f32
      %broadcast_in_dim3A_232 = vector.broadcast %jit3A_231 : f32 to vector<16xf32>
      %select_n3A_233 = arith.select %eq3A_230, %broadcast_in_dim3A_232, %get3A_22 : vector<16xi1>, vector<16xf32>
      %eq3A_234 = arith.cmpi eq, %add3A_73, %min3A_201 : vector<16xi32>
      %jit3A_235 = arith.constant -3.000000e+38 : f32
      %broadcast_in_dim3A_236 = vector.broadcast %jit3A_235 : f32 to vector<16xf32>
      %select_n3A_237 = arith.select %eq3A_234, %broadcast_in_dim3A_236, %get3A_25 : vector<16xi1>, vector<16xf32>
      %eq3A_238 = arith.cmpi eq, %add3A_76, %min3A_201 : vector<16xi32>
      %jit3A_239 = arith.constant -3.000000e+38 : f32
      %broadcast_in_dim3A_240 = vector.broadcast %jit3A_239 : f32 to vector<16xf32>
      %select_n3A_241 = arith.select %eq3A_238, %broadcast_in_dim3A_240, %get3A_28 : vector<16xi1>, vector<16xf32>
      %eq3A_242 = arith.cmpi eq, %add3A_79, %min3A_201 : vector<16xi32>
      %jit3A_243 = arith.constant -3.000000e+38 : f32
      %broadcast_in_dim3A_244 = vector.broadcast %jit3A_243 : f32 to vector<16xf32>
      %select_n3A_245 = arith.select %eq3A_242, %broadcast_in_dim3A_244, %get3A_31 : vector<16xi1>, vector<16xf32>
      %eq3A_246 = arith.cmpi eq, %add3A_82, %min3A_201 : vector<16xi32>
      %jit3A_247 = arith.constant -3.000000e+38 : f32
      %broadcast_in_dim3A_248 = vector.broadcast %jit3A_247 : f32 to vector<16xf32>
      %select_n3A_249 = arith.select %eq3A_246, %broadcast_in_dim3A_248, %get3A_34 : vector<16xi1>, vector<16xf32>
      %eq3A_250 = arith.cmpi eq, %add3A_85, %min3A_201 : vector<16xi32>
      %jit3A_251 = arith.constant -3.000000e+38 : f32
      %broadcast_in_dim3A_252 = vector.broadcast %jit3A_251 : f32 to vector<16xf32>
      %select_n3A_253 = arith.select %eq3A_250, %broadcast_in_dim3A_252, %get3A_37 : vector<16xi1>, vector<16xf32>
      %eq3A_254 = arith.cmpi eq, %add3A_88, %min3A_201 : vector<16xi32>
      %jit3A_255 = arith.constant -3.000000e+38 : f32
      %broadcast_in_dim3A_256 = vector.broadcast %jit3A_255 : f32 to vector<16xf32>
      %select_n3A_257 = arith.select %eq3A_254, %broadcast_in_dim3A_256, %get3A_40 : vector<16xi1>, vector<16xf32>
      %eq3A_258 = arith.cmpi eq, %add3A_91, %min3A_201 : vector<16xi32>
      %jit3A_259 = arith.constant -3.000000e+38 : f32
      %broadcast_in_dim3A_260 = vector.broadcast %jit3A_259 : f32 to vector<16xf32>
      %select_n3A_261 = arith.select %eq3A_258, %broadcast_in_dim3A_260, %get3A_43 : vector<16xi1>, vector<16xf32>
      %eq3A_262 = arith.cmpi eq, %add3A_94, %min3A_201 : vector<16xi32>
      %jit3A_263 = arith.constant -3.000000e+38 : f32
      %broadcast_in_dim3A_264 = vector.broadcast %jit3A_263 : f32 to vector<16xf32>
      %select_n3A_265 = arith.select %eq3A_262, %broadcast_in_dim3A_264, %get3A_46 : vector<16xi1>, vector<16xf32>
      %eq3A_266 = arith.cmpi eq, %add3A_97, %min3A_201 : vector<16xi32>
      %jit3A_267 = arith.constant -3.000000e+38 : f32
      %broadcast_in_dim3A_268 = vector.broadcast %jit3A_267 : f32 to vector<16xf32>
      %select_n3A_269 = arith.select %eq3A_266, %broadcast_in_dim3A_268, %get3A_49 : vector<16xi1>, vector<16xf32>
      %broadcast_in_dim3A_270 = arith.constant -3.000000e+38 : f32
      %broadcast_in_dim3A_271 = vector.broadcast %broadcast_in_dim3A_270 : f32 to vector<16xf32>
      %broadcast_in_dim3A_272 = arith.constant 0 : i32
      %broadcast_in_dim3A_273 = vector.broadcast %broadcast_in_dim3A_272 : i32 to vector<16xi32>
      %gt3A_274 = arith.cmpf ogt, %select_n3A_209, %broadcast_in_dim3A_271 : vector<16xf32>
      %select_n3A_275 = arith.select %gt3A_274, %select_n3A_209, %broadcast_in_dim3A_271 : vector<16xi1>, vector<16xf32>
      %select_n3A_276 = arith.select %gt3A_274, %add3A_52, %broadcast_in_dim3A_273 : vector<16xi1>, vector<16xi32>
      %gt3A_277 = arith.cmpf ogt, %select_n3A_213, %select_n3A_275 : vector<16xf32>
      %select_n3A_278 = arith.select %gt3A_277, %select_n3A_213, %select_n3A_275 : vector<16xi1>, vector<16xf32>
      %select_n3A_279 = arith.select %gt3A_277, %add3A_55, %select_n3A_276 : vector<16xi1>, vector<16xi32>
      %gt3A_280 = arith.cmpf ogt, %select_n3A_217, %select_n3A_278 : vector<16xf32>
      %select_n3A_281 = arith.select %gt3A_280, %select_n3A_217, %select_n3A_278 : vector<16xi1>, vector<16xf32>
      %select_n3A_282 = arith.select %gt3A_280, %add3A_58, %select_n3A_279 : vector<16xi1>, vector<16xi32>
      %gt3A_283 = arith.cmpf ogt, %select_n3A_221, %select_n3A_281 : vector<16xf32>
      %select_n3A_284 = arith.select %gt3A_283, %select_n3A_221, %select_n3A_281 : vector<16xi1>, vector<16xf32>
      %select_n3A_285 = arith.select %gt3A_283, %add3A_61, %select_n3A_282 : vector<16xi1>, vector<16xi32>
      %gt3A_286 = arith.cmpf ogt, %select_n3A_225, %select_n3A_284 : vector<16xf32>
      %select_n3A_287 = arith.select %gt3A_286, %select_n3A_225, %select_n3A_284 : vector<16xi1>, vector<16xf32>
      %select_n3A_288 = arith.select %gt3A_286, %add3A_64, %select_n3A_285 : vector<16xi1>, vector<16xi32>
      %gt3A_289 = arith.cmpf ogt, %select_n3A_229, %select_n3A_287 : vector<16xf32>
      %select_n3A_290 = arith.select %gt3A_289, %select_n3A_229, %select_n3A_287 : vector<16xi1>, vector<16xf32>
      %select_n3A_291 = arith.select %gt3A_289, %add3A_67, %select_n3A_288 : vector<16xi1>, vector<16xi32>
      %gt3A_292 = arith.cmpf ogt, %select_n3A_233, %select_n3A_290 : vector<16xf32>
      %select_n3A_293 = arith.select %gt3A_292, %select_n3A_233, %select_n3A_290 : vector<16xi1>, vector<16xf32>
      %select_n3A_294 = arith.select %gt3A_292, %add3A_70, %select_n3A_291 : vector<16xi1>, vector<16xi32>
      %gt3A_295 = arith.cmpf ogt, %select_n3A_237, %select_n3A_293 : vector<16xf32>
      %select_n3A_296 = arith.select %gt3A_295, %select_n3A_237, %select_n3A_293 : vector<16xi1>, vector<16xf32>
      %select_n3A_297 = arith.select %gt3A_295, %add3A_73, %select_n3A_294 : vector<16xi1>, vector<16xi32>
      %gt3A_298 = arith.cmpf ogt, %select_n3A_241, %select_n3A_296 : vector<16xf32>
      %select_n3A_299 = arith.select %gt3A_298, %select_n3A_241, %select_n3A_296 : vector<16xi1>, vector<16xf32>
      %select_n3A_300 = arith.select %gt3A_298, %add3A_76, %select_n3A_297 : vector<16xi1>, vector<16xi32>
      %gt3A_301 = arith.cmpf ogt, %select_n3A_245, %select_n3A_299 : vector<16xf32>
      %select_n3A_302 = arith.select %gt3A_301, %select_n3A_245, %select_n3A_299 : vector<16xi1>, vector<16xf32>
      %select_n3A_303 = arith.select %gt3A_301, %add3A_79, %select_n3A_300 : vector<16xi1>, vector<16xi32>
      %gt3A_304 = arith.cmpf ogt, %select_n3A_249, %select_n3A_302 : vector<16xf32>
      %select_n3A_305 = arith.select %gt3A_304, %select_n3A_249, %select_n3A_302 : vector<16xi1>, vector<16xf32>
      %select_n3A_306 = arith.select %gt3A_304, %add3A_82, %select_n3A_303 : vector<16xi1>, vector<16xi32>
      %gt3A_307 = arith.cmpf ogt, %select_n3A_253, %select_n3A_305 : vector<16xf32>
      %select_n3A_308 = arith.select %gt3A_307, %select_n3A_253, %select_n3A_305 : vector<16xi1>, vector<16xf32>
      %select_n3A_309 = arith.select %gt3A_307, %add3A_85, %select_n3A_306 : vector<16xi1>, vector<16xi32>
      %gt3A_310 = arith.cmpf ogt, %select_n3A_257, %select_n3A_308 : vector<16xf32>
      %select_n3A_311 = arith.select %gt3A_310, %select_n3A_257, %select_n3A_308 : vector<16xi1>, vector<16xf32>
      %select_n3A_312 = arith.select %gt3A_310, %add3A_88, %select_n3A_309 : vector<16xi1>, vector<16xi32>
      %gt3A_313 = arith.cmpf ogt, %select_n3A_261, %select_n3A_311 : vector<16xf32>
      %select_n3A_314 = arith.select %gt3A_313, %select_n3A_261, %select_n3A_311 : vector<16xi1>, vector<16xf32>
      %select_n3A_315 = arith.select %gt3A_313, %add3A_91, %select_n3A_312 : vector<16xi1>, vector<16xi32>
      %gt3A_316 = arith.cmpf ogt, %select_n3A_265, %select_n3A_314 : vector<16xf32>
      %select_n3A_317 = arith.select %gt3A_316, %select_n3A_265, %select_n3A_314 : vector<16xi1>, vector<16xf32>
      %select_n3A_318 = arith.select %gt3A_316, %add3A_94, %select_n3A_315 : vector<16xi1>, vector<16xi32>
      %gt3A_319 = arith.cmpf ogt, %select_n3A_269, %select_n3A_317 : vector<16xf32>
      %select_n3A_320 = arith.select %gt3A_319, %select_n3A_269, %select_n3A_317 : vector<16xi1>, vector<16xf32>
      %select_n3A_321 = arith.select %gt3A_319, %add3A_97, %select_n3A_318 : vector<16xi1>, vector<16xi32>
      %xor3A_322 = arith.constant 8 : i32
      %xor3A_323 = vector.broadcast %xor3A_322 : i32 to vector<16xi32>
      %xor3A_324 = arith.xori %iota3A, %xor3A_323 : vector<16xi32>
      %reshape3A_325 = vector.shape_cast %xor3A_324 : vector<16xi32> to vector<16x1xi32>
      %gather3A_326 = vector.shape_cast %reshape3A_325 : vector<16x1xi32> to vector<16xi32>
      %gather3A_327 = tpu.dynamic_gather %select_n3A_320[%gather3A_326] in [0] : vector<16xf32>, vector<16xi32> -> vector<16xf32>
      %max3A_328 = arith.maximumf %select_n3A_320, %gather3A_327 : vector<16xf32>
      %xor3A_329 = arith.constant 4 : i32
      %xor3A_330 = vector.broadcast %xor3A_329 : i32 to vector<16xi32>
      %xor3A_331 = arith.xori %iota3A, %xor3A_330 : vector<16xi32>
      %reshape3A_332 = vector.shape_cast %xor3A_331 : vector<16xi32> to vector<16x1xi32>
      %gather3A_333 = vector.shape_cast %reshape3A_332 : vector<16x1xi32> to vector<16xi32>
      %gather3A_334 = tpu.dynamic_gather %max3A_328[%gather3A_333] in [0] : vector<16xf32>, vector<16xi32> -> vector<16xf32>
      %max3A_335 = arith.maximumf %max3A_328, %gather3A_334 : vector<16xf32>
      %xor3A_336 = arith.constant 2 : i32
      %xor3A_337 = vector.broadcast %xor3A_336 : i32 to vector<16xi32>
      %xor3A_338 = arith.xori %iota3A, %xor3A_337 : vector<16xi32>
      %reshape3A_339 = vector.shape_cast %xor3A_338 : vector<16xi32> to vector<16x1xi32>
      %gather3A_340 = vector.shape_cast %reshape3A_339 : vector<16x1xi32> to vector<16xi32>
      %gather3A_341 = tpu.dynamic_gather %max3A_335[%gather3A_340] in [0] : vector<16xf32>, vector<16xi32> -> vector<16xf32>
      %max3A_342 = arith.maximumf %max3A_335, %gather3A_341 : vector<16xf32>
      %xor3A_343 = arith.constant 1 : i32
      %xor3A_344 = vector.broadcast %xor3A_343 : i32 to vector<16xi32>
      %xor3A_345 = arith.xori %iota3A, %xor3A_344 : vector<16xi32>
      %reshape3A_346 = vector.shape_cast %xor3A_345 : vector<16xi32> to vector<16x1xi32>
      %gather3A_347 = vector.shape_cast %reshape3A_346 : vector<16x1xi32> to vector<16xi32>
      %gather3A_348 = tpu.dynamic_gather %max3A_342[%gather3A_347] in [0] : vector<16xf32>, vector<16xi32> -> vector<16xf32>
      %max3A_349 = arith.maximumf %max3A_342, %gather3A_348 : vector<16xf32>
      %eq3A_350 = arith.cmpf oeq, %select_n3A_320, %max3A_349 : vector<16xf32>
      %jit3A_351 = arith.constant 1073741824 : i32
      %broadcast_in_dim3A_352 = vector.broadcast %jit3A_351 : i32 to vector<16xi32>
      %select_n3A_353 = arith.select %eq3A_350, %select_n3A_321, %broadcast_in_dim3A_352 : vector<16xi1>, vector<16xi32>
      %xor3A_354 = arith.constant 8 : i32
      %xor3A_355 = vector.broadcast %xor3A_354 : i32 to vector<16xi32>
      %xor3A_356 = arith.xori %iota3A, %xor3A_355 : vector<16xi32>
      %reshape3A_357 = vector.shape_cast %xor3A_356 : vector<16xi32> to vector<16x1xi32>
      %gather3A_358 = vector.shape_cast %reshape3A_357 : vector<16x1xi32> to vector<16xi32>
      %gather3A_359 = tpu.dynamic_gather %select_n3A_353[%gather3A_358] in [0] : vector<16xi32>, vector<16xi32> -> vector<16xi32>
      %min3A_360 = arith.minsi %select_n3A_353, %gather3A_359 : vector<16xi32>
      %xor3A_361 = arith.constant 4 : i32
      %xor3A_362 = vector.broadcast %xor3A_361 : i32 to vector<16xi32>
      %xor3A_363 = arith.xori %iota3A, %xor3A_362 : vector<16xi32>
      %reshape3A_364 = vector.shape_cast %xor3A_363 : vector<16xi32> to vector<16x1xi32>
      %gather3A_365 = vector.shape_cast %reshape3A_364 : vector<16x1xi32> to vector<16xi32>
      %gather3A_366 = tpu.dynamic_gather %min3A_360[%gather3A_365] in [0] : vector<16xi32>, vector<16xi32> -> vector<16xi32>
      %min3A_367 = arith.minsi %min3A_360, %gather3A_366 : vector<16xi32>
      %xor3A_368 = arith.constant 2 : i32
      %xor3A_369 = vector.broadcast %xor3A_368 : i32 to vector<16xi32>
      %xor3A_370 = arith.xori %iota3A, %xor3A_369 : vector<16xi32>
      %reshape3A_371 = vector.shape_cast %xor3A_370 : vector<16xi32> to vector<16x1xi32>
      %gather3A_372 = vector.shape_cast %reshape3A_371 : vector<16x1xi32> to vector<16xi32>
      %gather3A_373 = tpu.dynamic_gather %min3A_367[%gather3A_372] in [0] : vector<16xi32>, vector<16xi32> -> vector<16xi32>
      %min3A_374 = arith.minsi %min3A_367, %gather3A_373 : vector<16xi32>
      %xor3A_375 = arith.constant 1 : i32
      %xor3A_376 = vector.broadcast %xor3A_375 : i32 to vector<16xi32>
      %xor3A_377 = arith.xori %iota3A, %xor3A_376 : vector<16xi32>
      %reshape3A_378 = vector.shape_cast %xor3A_377 : vector<16xi32> to vector<16x1xi32>
      %gather3A_379 = vector.shape_cast %reshape3A_378 : vector<16x1xi32> to vector<16xi32>
      %gather3A_380 = tpu.dynamic_gather %min3A_374[%gather3A_379] in [0] : vector<16xi32>, vector<16xi32> -> vector<16xi32>
      %min3A_381 = arith.minsi %min3A_374, %gather3A_380 : vector<16xi32>
      %eq3A_382 = arith.constant 1 : i32
      %eq3A_383 = vector.broadcast %eq3A_382 : i32 to vector<16xi32>
      %eq3A_384 = arith.cmpi eq, %iota3A, %eq3A_383 : vector<16xi32>
      %select_n3A_385 = arith.select %eq3A_384, %min3A_381, %select_n3A_205 : vector<16xi1>, vector<16xi32>
      %eq3A_386 = arith.cmpi eq, %add3A_52, %min3A_381 : vector<16xi32>
      %jit3A_387 = arith.constant -3.000000e+38 : f32
      %broadcast_in_dim3A_388 = vector.broadcast %jit3A_387 : f32 to vector<16xf32>
      %select_n3A_389 = arith.select %eq3A_386, %broadcast_in_dim3A_388, %select_n3A_209 : vector<16xi1>, vector<16xf32>
      %eq3A_390 = arith.cmpi eq, %add3A_55, %min3A_381 : vector<16xi32>
      %jit3A_391 = arith.constant -3.000000e+38 : f32
      %broadcast_in_dim3A_392 = vector.broadcast %jit3A_391 : f32 to vector<16xf32>
      %select_n3A_393 = arith.select %eq3A_390, %broadcast_in_dim3A_392, %select_n3A_213 : vector<16xi1>, vector<16xf32>
      %eq3A_394 = arith.cmpi eq, %add3A_58, %min3A_381 : vector<16xi32>
      %jit3A_395 = arith.constant -3.000000e+38 : f32
      %broadcast_in_dim3A_396 = vector.broadcast %jit3A_395 : f32 to vector<16xf32>
      %select_n3A_397 = arith.select %eq3A_394, %broadcast_in_dim3A_396, %select_n3A_217 : vector<16xi1>, vector<16xf32>
      %eq3A_398 = arith.cmpi eq, %add3A_61, %min3A_381 : vector<16xi32>
      %jit3A_399 = arith.constant -3.000000e+38 : f32
      %broadcast_in_dim3A_400 = vector.broadcast %jit3A_399 : f32 to vector<16xf32>
      %select_n3A_401 = arith.select %eq3A_398, %broadcast_in_dim3A_400, %select_n3A_221 : vector<16xi1>, vector<16xf32>
      %eq3A_402 = arith.cmpi eq, %add3A_64, %min3A_381 : vector<16xi32>
      %jit3A_403 = arith.constant -3.000000e+38 : f32
      %broadcast_in_dim3A_404 = vector.broadcast %jit3A_403 : f32 to vector<16xf32>
      %select_n3A_405 = arith.select %eq3A_402, %broadcast_in_dim3A_404, %select_n3A_225 : vector<16xi1>, vector<16xf32>
      %eq3A_406 = arith.cmpi eq, %add3A_67, %min3A_381 : vector<16xi32>
      %jit3A_407 = arith.constant -3.000000e+38 : f32
      %broadcast_in_dim3A_408 = vector.broadcast %jit3A_407 : f32 to vector<16xf32>
      %select_n3A_409 = arith.select %eq3A_406, %broadcast_in_dim3A_408, %select_n3A_229 : vector<16xi1>, vector<16xf32>
      %eq3A_410 = arith.cmpi eq, %add3A_70, %min3A_381 : vector<16xi32>
      %jit3A_411 = arith.constant -3.000000e+38 : f32
      %broadcast_in_dim3A_412 = vector.broadcast %jit3A_411 : f32 to vector<16xf32>
      %select_n3A_413 = arith.select %eq3A_410, %broadcast_in_dim3A_412, %select_n3A_233 : vector<16xi1>, vector<16xf32>
      %eq3A_414 = arith.cmpi eq, %add3A_73, %min3A_381 : vector<16xi32>
      %jit3A_415 = arith.constant -3.000000e+38 : f32
      %broadcast_in_dim3A_416 = vector.broadcast %jit3A_415 : f32 to vector<16xf32>
      %select_n3A_417 = arith.select %eq3A_414, %broadcast_in_dim3A_416, %select_n3A_237 : vector<16xi1>, vector<16xf32>
      %eq3A_418 = arith.cmpi eq, %add3A_76, %min3A_381 : vector<16xi32>
      %jit3A_419 = arith.constant -3.000000e+38 : f32
      %broadcast_in_dim3A_420 = vector.broadcast %jit3A_419 : f32 to vector<16xf32>
      %select_n3A_421 = arith.select %eq3A_418, %broadcast_in_dim3A_420, %select_n3A_241 : vector<16xi1>, vector<16xf32>
      %eq3A_422 = arith.cmpi eq, %add3A_79, %min3A_381 : vector<16xi32>
      %jit3A_423 = arith.constant -3.000000e+38 : f32
      %broadcast_in_dim3A_424 = vector.broadcast %jit3A_423 : f32 to vector<16xf32>
      %select_n3A_425 = arith.select %eq3A_422, %broadcast_in_dim3A_424, %select_n3A_245 : vector<16xi1>, vector<16xf32>
      %eq3A_426 = arith.cmpi eq, %add3A_82, %min3A_381 : vector<16xi32>
      %jit3A_427 = arith.constant -3.000000e+38 : f32
      %broadcast_in_dim3A_428 = vector.broadcast %jit3A_427 : f32 to vector<16xf32>
      %select_n3A_429 = arith.select %eq3A_426, %broadcast_in_dim3A_428, %select_n3A_249 : vector<16xi1>, vector<16xf32>
      %eq3A_430 = arith.cmpi eq, %add3A_85, %min3A_381 : vector<16xi32>
      %jit3A_431 = arith.constant -3.000000e+38 : f32
      %broadcast_in_dim3A_432 = vector.broadcast %jit3A_431 : f32 to vector<16xf32>
      %select_n3A_433 = arith.select %eq3A_430, %broadcast_in_dim3A_432, %select_n3A_253 : vector<16xi1>, vector<16xf32>
      %eq3A_434 = arith.cmpi eq, %add3A_88, %min3A_381 : vector<16xi32>
      %jit3A_435 = arith.constant -3.000000e+38 : f32
      %broadcast_in_dim3A_436 = vector.broadcast %jit3A_435 : f32 to vector<16xf32>
      %select_n3A_437 = arith.select %eq3A_434, %broadcast_in_dim3A_436, %select_n3A_257 : vector<16xi1>, vector<16xf32>
      %eq3A_438 = arith.cmpi eq, %add3A_91, %min3A_381 : vector<16xi32>
      %jit3A_439 = arith.constant -3.000000e+38 : f32
      %broadcast_in_dim3A_440 = vector.broadcast %jit3A_439 : f32 to vector<16xf32>
      %select_n3A_441 = arith.select %eq3A_438, %broadcast_in_dim3A_440, %select_n3A_261 : vector<16xi1>, vector<16xf32>
      %eq3A_442 = arith.cmpi eq, %add3A_94, %min3A_381 : vector<16xi32>
      %jit3A_443 = arith.constant -3.000000e+38 : f32
      %broadcast_in_dim3A_444 = vector.broadcast %jit3A_443 : f32 to vector<16xf32>
      %select_n3A_445 = arith.select %eq3A_442, %broadcast_in_dim3A_444, %select_n3A_265 : vector<16xi1>, vector<16xf32>
      %eq3A_446 = arith.cmpi eq, %add3A_97, %min3A_381 : vector<16xi32>
      %jit3A_447 = arith.constant -3.000000e+38 : f32
      %broadcast_in_dim3A_448 = vector.broadcast %jit3A_447 : f32 to vector<16xf32>
      %select_n3A_449 = arith.select %eq3A_446, %broadcast_in_dim3A_448, %select_n3A_269 : vector<16xi1>, vector<16xf32>
      %broadcast_in_dim3A_450 = arith.constant -3.000000e+38 : f32
      %broadcast_in_dim3A_451 = vector.broadcast %broadcast_in_dim3A_450 : f32 to vector<16xf32>
      %broadcast_in_dim3A_452 = arith.constant 0 : i32
      %broadcast_in_dim3A_453 = vector.broadcast %broadcast_in_dim3A_452 : i32 to vector<16xi32>
      %gt3A_454 = arith.cmpf ogt, %select_n3A_389, %broadcast_in_dim3A_451 : vector<16xf32>
      %select_n3A_455 = arith.select %gt3A_454, %select_n3A_389, %broadcast_in_dim3A_451 : vector<16xi1>, vector<16xf32>
      %select_n3A_456 = arith.select %gt3A_454, %add3A_52, %broadcast_in_dim3A_453 : vector<16xi1>, vector<16xi32>
      %gt3A_457 = arith.cmpf ogt, %select_n3A_393, %select_n3A_455 : vector<16xf32>
      %select_n3A_458 = arith.select %gt3A_457, %select_n3A_393, %select_n3A_455 : vector<16xi1>, vector<16xf32>
      %select_n3A_459 = arith.select %gt3A_457, %add3A_55, %select_n3A_456 : vector<16xi1>, vector<16xi32>
      %gt3A_460 = arith.cmpf ogt, %select_n3A_397, %select_n3A_458 : vector<16xf32>
      %select_n3A_461 = arith.select %gt3A_460, %select_n3A_397, %select_n3A_458 : vector<16xi1>, vector<16xf32>
      %select_n3A_462 = arith.select %gt3A_460, %add3A_58, %select_n3A_459 : vector<16xi1>, vector<16xi32>
      %gt3A_463 = arith.cmpf ogt, %select_n3A_401, %select_n3A_461 : vector<16xf32>
      %select_n3A_464 = arith.select %gt3A_463, %select_n3A_401, %select_n3A_461 : vector<16xi1>, vector<16xf32>
      %select_n3A_465 = arith.select %gt3A_463, %add3A_61, %select_n3A_462 : vector<16xi1>, vector<16xi32>
      %gt3A_466 = arith.cmpf ogt, %select_n3A_405, %select_n3A_464 : vector<16xf32>
      %select_n3A_467 = arith.select %gt3A_466, %select_n3A_405, %select_n3A_464 : vector<16xi1>, vector<16xf32>
      %select_n3A_468 = arith.select %gt3A_466, %add3A_64, %select_n3A_465 : vector<16xi1>, vector<16xi32>
      %gt3A_469 = arith.cmpf ogt, %select_n3A_409, %select_n3A_467 : vector<16xf32>
      %select_n3A_470 = arith.select %gt3A_469, %select_n3A_409, %select_n3A_467 : vector<16xi1>, vector<16xf32>
      %select_n3A_471 = arith.select %gt3A_469, %add3A_67, %select_n3A_468 : vector<16xi1>, vector<16xi32>
      %gt3A_472 = arith.cmpf ogt, %select_n3A_413, %select_n3A_470 : vector<16xf32>
      %select_n3A_473 = arith.select %gt3A_472, %select_n3A_413, %select_n3A_470 : vector<16xi1>, vector<16xf32>
      %select_n3A_474 = arith.select %gt3A_472, %add3A_70, %select_n3A_471 : vector<16xi1>, vector<16xi32>
      %gt3A_475 = arith.cmpf ogt, %select_n3A_417, %select_n3A_473 : vector<16xf32>
      %select_n3A_476 = arith.select %gt3A_475, %select_n3A_417, %select_n3A_473 : vector<16xi1>, vector<16xf32>
      %select_n3A_477 = arith.select %gt3A_475, %add3A_73, %select_n3A_474 : vector<16xi1>, vector<16xi32>
      %gt3A_478 = arith.cmpf ogt, %select_n3A_421, %select_n3A_476 : vector<16xf32>
      %select_n3A_479 = arith.select %gt3A_478, %select_n3A_421, %select_n3A_476 : vector<16xi1>, vector<16xf32>
      %select_n3A_480 = arith.select %gt3A_478, %add3A_76, %select_n3A_477 : vector<16xi1>, vector<16xi32>
      %gt3A_481 = arith.cmpf ogt, %select_n3A_425, %select_n3A_479 : vector<16xf32>
      %select_n3A_482 = arith.select %gt3A_481, %select_n3A_425, %select_n3A_479 : vector<16xi1>, vector<16xf32>
      %select_n3A_483 = arith.select %gt3A_481, %add3A_79, %select_n3A_480 : vector<16xi1>, vector<16xi32>
      %gt3A_484 = arith.cmpf ogt, %select_n3A_429, %select_n3A_482 : vector<16xf32>
      %select_n3A_485 = arith.select %gt3A_484, %select_n3A_429, %select_n3A_482 : vector<16xi1>, vector<16xf32>
      %select_n3A_486 = arith.select %gt3A_484, %add3A_82, %select_n3A_483 : vector<16xi1>, vector<16xi32>
      %gt3A_487 = arith.cmpf ogt, %select_n3A_433, %select_n3A_485 : vector<16xf32>
      %select_n3A_488 = arith.select %gt3A_487, %select_n3A_433, %select_n3A_485 : vector<16xi1>, vector<16xf32>
      %select_n3A_489 = arith.select %gt3A_487, %add3A_85, %select_n3A_486 : vector<16xi1>, vector<16xi32>
      %gt3A_490 = arith.cmpf ogt, %select_n3A_437, %select_n3A_488 : vector<16xf32>
      %select_n3A_491 = arith.select %gt3A_490, %select_n3A_437, %select_n3A_488 : vector<16xi1>, vector<16xf32>
      %select_n3A_492 = arith.select %gt3A_490, %add3A_88, %select_n3A_489 : vector<16xi1>, vector<16xi32>
      %gt3A_493 = arith.cmpf ogt, %select_n3A_441, %select_n3A_491 : vector<16xf32>
      %select_n3A_494 = arith.select %gt3A_493, %select_n3A_441, %select_n3A_491 : vector<16xi1>, vector<16xf32>
      %select_n3A_495 = arith.select %gt3A_493, %add3A_91, %select_n3A_492 : vector<16xi1>, vector<16xi32>
      %gt3A_496 = arith.cmpf ogt, %select_n3A_445, %select_n3A_494 : vector<16xf32>
      %select_n3A_497 = arith.select %gt3A_496, %select_n3A_445, %select_n3A_494 : vector<16xi1>, vector<16xf32>
      %select_n3A_498 = arith.select %gt3A_496, %add3A_94, %select_n3A_495 : vector<16xi1>, vector<16xi32>
      %gt3A_499 = arith.cmpf ogt, %select_n3A_449, %select_n3A_497 : vector<16xf32>
      %select_n3A_500 = arith.select %gt3A_499, %select_n3A_449, %select_n3A_497 : vector<16xi1>, vector<16xf32>
      %select_n3A_501 = arith.select %gt3A_499, %add3A_97, %select_n3A_498 : vector<16xi1>, vector<16xi32>
      %xor3A_502 = arith.constant 8 : i32
      %xor3A_503 = vector.broadcast %xor3A_502 : i32 to vector<16xi32>
      %xor3A_504 = arith.xori %iota3A, %xor3A_503 : vector<16xi32>
      %reshape3A_505 = vector.shape_cast %xor3A_504 : vector<16xi32> to vector<16x1xi32>
      %gather3A_506 = vector.shape_cast %reshape3A_505 : vector<16x1xi32> to vector<16xi32>
      %gather3A_507 = tpu.dynamic_gather %select_n3A_500[%gather3A_506] in [0] : vector<16xf32>, vector<16xi32> -> vector<16xf32>
      %max3A_508 = arith.maximumf %select_n3A_500, %gather3A_507 : vector<16xf32>
      %xor3A_509 = arith.constant 4 : i32
      %xor3A_510 = vector.broadcast %xor3A_509 : i32 to vector<16xi32>
      %xor3A_511 = arith.xori %iota3A, %xor3A_510 : vector<16xi32>
      %reshape3A_512 = vector.shape_cast %xor3A_511 : vector<16xi32> to vector<16x1xi32>
      %gather3A_513 = vector.shape_cast %reshape3A_512 : vector<16x1xi32> to vector<16xi32>
      %gather3A_514 = tpu.dynamic_gather %max3A_508[%gather3A_513] in [0] : vector<16xf32>, vector<16xi32> -> vector<16xf32>
      %max3A_515 = arith.maximumf %max3A_508, %gather3A_514 : vector<16xf32>
      %xor3A_516 = arith.constant 2 : i32
      %xor3A_517 = vector.broadcast %xor3A_516 : i32 to vector<16xi32>
      %xor3A_518 = arith.xori %iota3A, %xor3A_517 : vector<16xi32>
      %reshape3A_519 = vector.shape_cast %xor3A_518 : vector<16xi32> to vector<16x1xi32>
      %gather3A_520 = vector.shape_cast %reshape3A_519 : vector<16x1xi32> to vector<16xi32>
      %gather3A_521 = tpu.dynamic_gather %max3A_515[%gather3A_520] in [0] : vector<16xf32>, vector<16xi32> -> vector<16xf32>
      %max3A_522 = arith.maximumf %max3A_515, %gather3A_521 : vector<16xf32>
      %xor3A_523 = arith.constant 1 : i32
      %xor3A_524 = vector.broadcast %xor3A_523 : i32 to vector<16xi32>
      %xor3A_525 = arith.xori %iota3A, %xor3A_524 : vector<16xi32>
      %reshape3A_526 = vector.shape_cast %xor3A_525 : vector<16xi32> to vector<16x1xi32>
      %gather3A_527 = vector.shape_cast %reshape3A_526 : vector<16x1xi32> to vector<16xi32>
      %gather3A_528 = tpu.dynamic_gather %max3A_522[%gather3A_527] in [0] : vector<16xf32>, vector<16xi32> -> vector<16xf32>
      %max3A_529 = arith.maximumf %max3A_522, %gather3A_528 : vector<16xf32>
      %eq3A_530 = arith.cmpf oeq, %select_n3A_500, %max3A_529 : vector<16xf32>
      %jit3A_531 = arith.constant 1073741824 : i32
      %broadcast_in_dim3A_532 = vector.broadcast %jit3A_531 : i32 to vector<16xi32>
      %select_n3A_533 = arith.select %eq3A_530, %select_n3A_501, %broadcast_in_dim3A_532 : vector<16xi1>, vector<16xi32>
      %xor3A_534 = arith.constant 8 : i32
      %xor3A_535 = vector.broadcast %xor3A_534 : i32 to vector<16xi32>
      %xor3A_536 = arith.xori %iota3A, %xor3A_535 : vector<16xi32>
      %reshape3A_537 = vector.shape_cast %xor3A_536 : vector<16xi32> to vector<16x1xi32>
      %gather3A_538 = vector.shape_cast %reshape3A_537 : vector<16x1xi32> to vector<16xi32>
      %gather3A_539 = tpu.dynamic_gather %select_n3A_533[%gather3A_538] in [0] : vector<16xi32>, vector<16xi32> -> vector<16xi32>
      %min3A_540 = arith.minsi %select_n3A_533, %gather3A_539 : vector<16xi32>
      %xor3A_541 = arith.constant 4 : i32
      %xor3A_542 = vector.broadcast %xor3A_541 : i32 to vector<16xi32>
      %xor3A_543 = arith.xori %iota3A, %xor3A_542 : vector<16xi32>
      %reshape3A_544 = vector.shape_cast %xor3A_543 : vector<16xi32> to vector<16x1xi32>
      %gather3A_545 = vector.shape_cast %reshape3A_544 : vector<16x1xi32> to vector<16xi32>
      %gather3A_546 = tpu.dynamic_gather %min3A_540[%gather3A_545] in [0] : vector<16xi32>, vector<16xi32> -> vector<16xi32>
      %min3A_547 = arith.minsi %min3A_540, %gather3A_546 : vector<16xi32>
      %xor3A_548 = arith.constant 2 : i32
      %xor3A_549 = vector.broadcast %xor3A_548 : i32 to vector<16xi32>
      %xor3A_550 = arith.xori %iota3A, %xor3A_549 : vector<16xi32>
      %reshape3A_551 = vector.shape_cast %xor3A_550 : vector<16xi32> to vector<16x1xi32>
      %gather3A_552 = vector.shape_cast %reshape3A_551 : vector<16x1xi32> to vector<16xi32>
      %gather3A_553 = tpu.dynamic_gather %min3A_547[%gather3A_552] in [0] : vector<16xi32>, vector<16xi32> -> vector<16xi32>
      %min3A_554 = arith.minsi %min3A_547, %gather3A_553 : vector<16xi32>
      %xor3A_555 = arith.constant 1 : i32
      %xor3A_556 = vector.broadcast %xor3A_555 : i32 to vector<16xi32>
      %xor3A_557 = arith.xori %iota3A, %xor3A_556 : vector<16xi32>
      %reshape3A_558 = vector.shape_cast %xor3A_557 : vector<16xi32> to vector<16x1xi32>
      %gather3A_559 = vector.shape_cast %reshape3A_558 : vector<16x1xi32> to vector<16xi32>
      %gather3A_560 = tpu.dynamic_gather %min3A_554[%gather3A_559] in [0] : vector<16xi32>, vector<16xi32> -> vector<16xi32>
      %min3A_561 = arith.minsi %min3A_554, %gather3A_560 : vector<16xi32>
      %eq3A_562 = arith.constant 2 : i32
      %eq3A_563 = vector.broadcast %eq3A_562 : i32 to vector<16xi32>
      %eq3A_564 = arith.cmpi eq, %iota3A, %eq3A_563 : vector<16xi32>
      %select_n3A_565 = arith.select %eq3A_564, %min3A_561, %select_n3A_385 : vector<16xi1>, vector<16xi32>
      %eq3A_566 = arith.cmpi eq, %add3A_52, %min3A_561 : vector<16xi32>
      %jit3A_567 = arith.constant -3.000000e+38 : f32
      %broadcast_in_dim3A_568 = vector.broadcast %jit3A_567 : f32 to vector<16xf32>
      %select_n3A_569 = arith.select %eq3A_566, %broadcast_in_dim3A_568, %select_n3A_389 : vector<16xi1>, vector<16xf32>
      %eq3A_570 = arith.cmpi eq, %add3A_55, %min3A_561 : vector<16xi32>
      %jit3A_571 = arith.constant -3.000000e+38 : f32
      %broadcast_in_dim3A_572 = vector.broadcast %jit3A_571 : f32 to vector<16xf32>
      %select_n3A_573 = arith.select %eq3A_570, %broadcast_in_dim3A_572, %select_n3A_393 : vector<16xi1>, vector<16xf32>
      %eq3A_574 = arith.cmpi eq, %add3A_58, %min3A_561 : vector<16xi32>
      %jit3A_575 = arith.constant -3.000000e+38 : f32
      %broadcast_in_dim3A_576 = vector.broadcast %jit3A_575 : f32 to vector<16xf32>
      %select_n3A_577 = arith.select %eq3A_574, %broadcast_in_dim3A_576, %select_n3A_397 : vector<16xi1>, vector<16xf32>
      %eq3A_578 = arith.cmpi eq, %add3A_61, %min3A_561 : vector<16xi32>
      %jit3A_579 = arith.constant -3.000000e+38 : f32
      %broadcast_in_dim3A_580 = vector.broadcast %jit3A_579 : f32 to vector<16xf32>
      %select_n3A_581 = arith.select %eq3A_578, %broadcast_in_dim3A_580, %select_n3A_401 : vector<16xi1>, vector<16xf32>
      %eq3A_582 = arith.cmpi eq, %add3A_64, %min3A_561 : vector<16xi32>
      %jit3A_583 = arith.constant -3.000000e+38 : f32
      %broadcast_in_dim3A_584 = vector.broadcast %jit3A_583 : f32 to vector<16xf32>
      %select_n3A_585 = arith.select %eq3A_582, %broadcast_in_dim3A_584, %select_n3A_405 : vector<16xi1>, vector<16xf32>
      %eq3A_586 = arith.cmpi eq, %add3A_67, %min3A_561 : vector<16xi32>
      %jit3A_587 = arith.constant -3.000000e+38 : f32
      %broadcast_in_dim3A_588 = vector.broadcast %jit3A_587 : f32 to vector<16xf32>
      %select_n3A_589 = arith.select %eq3A_586, %broadcast_in_dim3A_588, %select_n3A_409 : vector<16xi1>, vector<16xf32>
      %eq3A_590 = arith.cmpi eq, %add3A_70, %min3A_561 : vector<16xi32>
      %jit3A_591 = arith.constant -3.000000e+38 : f32
      %broadcast_in_dim3A_592 = vector.broadcast %jit3A_591 : f32 to vector<16xf32>
      %select_n3A_593 = arith.select %eq3A_590, %broadcast_in_dim3A_592, %select_n3A_413 : vector<16xi1>, vector<16xf32>
      %eq3A_594 = arith.cmpi eq, %add3A_73, %min3A_561 : vector<16xi32>
      %jit3A_595 = arith.constant -3.000000e+38 : f32
      %broadcast_in_dim3A_596 = vector.broadcast %jit3A_595 : f32 to vector<16xf32>
      %select_n3A_597 = arith.select %eq3A_594, %broadcast_in_dim3A_596, %select_n3A_417 : vector<16xi1>, vector<16xf32>
      %eq3A_598 = arith.cmpi eq, %add3A_76, %min3A_561 : vector<16xi32>
      %jit3A_599 = arith.constant -3.000000e+38 : f32
      %broadcast_in_dim3A_600 = vector.broadcast %jit3A_599 : f32 to vector<16xf32>
      %select_n3A_601 = arith.select %eq3A_598, %broadcast_in_dim3A_600, %select_n3A_421 : vector<16xi1>, vector<16xf32>
      %eq3A_602 = arith.cmpi eq, %add3A_79, %min3A_561 : vector<16xi32>
      %jit3A_603 = arith.constant -3.000000e+38 : f32
      %broadcast_in_dim3A_604 = vector.broadcast %jit3A_603 : f32 to vector<16xf32>
      %select_n3A_605 = arith.select %eq3A_602, %broadcast_in_dim3A_604, %select_n3A_425 : vector<16xi1>, vector<16xf32>
      %eq3A_606 = arith.cmpi eq, %add3A_82, %min3A_561 : vector<16xi32>
      %jit3A_607 = arith.constant -3.000000e+38 : f32
      %broadcast_in_dim3A_608 = vector.broadcast %jit3A_607 : f32 to vector<16xf32>
      %select_n3A_609 = arith.select %eq3A_606, %broadcast_in_dim3A_608, %select_n3A_429 : vector<16xi1>, vector<16xf32>
      %eq3A_610 = arith.cmpi eq, %add3A_85, %min3A_561 : vector<16xi32>
      %jit3A_611 = arith.constant -3.000000e+38 : f32
      %broadcast_in_dim3A_612 = vector.broadcast %jit3A_611 : f32 to vector<16xf32>
      %select_n3A_613 = arith.select %eq3A_610, %broadcast_in_dim3A_612, %select_n3A_433 : vector<16xi1>, vector<16xf32>
      %eq3A_614 = arith.cmpi eq, %add3A_88, %min3A_561 : vector<16xi32>
      %jit3A_615 = arith.constant -3.000000e+38 : f32
      %broadcast_in_dim3A_616 = vector.broadcast %jit3A_615 : f32 to vector<16xf32>
      %select_n3A_617 = arith.select %eq3A_614, %broadcast_in_dim3A_616, %select_n3A_437 : vector<16xi1>, vector<16xf32>
      %eq3A_618 = arith.cmpi eq, %add3A_91, %min3A_561 : vector<16xi32>
      %jit3A_619 = arith.constant -3.000000e+38 : f32
      %broadcast_in_dim3A_620 = vector.broadcast %jit3A_619 : f32 to vector<16xf32>
      %select_n3A_621 = arith.select %eq3A_618, %broadcast_in_dim3A_620, %select_n3A_441 : vector<16xi1>, vector<16xf32>
      %eq3A_622 = arith.cmpi eq, %add3A_94, %min3A_561 : vector<16xi32>
      %jit3A_623 = arith.constant -3.000000e+38 : f32
      %broadcast_in_dim3A_624 = vector.broadcast %jit3A_623 : f32 to vector<16xf32>
      %select_n3A_625 = arith.select %eq3A_622, %broadcast_in_dim3A_624, %select_n3A_445 : vector<16xi1>, vector<16xf32>
      %eq3A_626 = arith.cmpi eq, %add3A_97, %min3A_561 : vector<16xi32>
      %jit3A_627 = arith.constant -3.000000e+38 : f32
      %broadcast_in_dim3A_628 = vector.broadcast %jit3A_627 : f32 to vector<16xf32>
      %select_n3A_629 = arith.select %eq3A_626, %broadcast_in_dim3A_628, %select_n3A_449 : vector<16xi1>, vector<16xf32>
      %broadcast_in_dim3A_630 = arith.constant -3.000000e+38 : f32
      %broadcast_in_dim3A_631 = vector.broadcast %broadcast_in_dim3A_630 : f32 to vector<16xf32>
      %broadcast_in_dim3A_632 = arith.constant 0 : i32
      %broadcast_in_dim3A_633 = vector.broadcast %broadcast_in_dim3A_632 : i32 to vector<16xi32>
      %gt3A_634 = arith.cmpf ogt, %select_n3A_569, %broadcast_in_dim3A_631 : vector<16xf32>
      %select_n3A_635 = arith.select %gt3A_634, %select_n3A_569, %broadcast_in_dim3A_631 : vector<16xi1>, vector<16xf32>
      %select_n3A_636 = arith.select %gt3A_634, %add3A_52, %broadcast_in_dim3A_633 : vector<16xi1>, vector<16xi32>
      %gt3A_637 = arith.cmpf ogt, %select_n3A_573, %select_n3A_635 : vector<16xf32>
      %select_n3A_638 = arith.select %gt3A_637, %select_n3A_573, %select_n3A_635 : vector<16xi1>, vector<16xf32>
      %select_n3A_639 = arith.select %gt3A_637, %add3A_55, %select_n3A_636 : vector<16xi1>, vector<16xi32>
      %gt3A_640 = arith.cmpf ogt, %select_n3A_577, %select_n3A_638 : vector<16xf32>
      %select_n3A_641 = arith.select %gt3A_640, %select_n3A_577, %select_n3A_638 : vector<16xi1>, vector<16xf32>
      %select_n3A_642 = arith.select %gt3A_640, %add3A_58, %select_n3A_639 : vector<16xi1>, vector<16xi32>
      %gt3A_643 = arith.cmpf ogt, %select_n3A_581, %select_n3A_641 : vector<16xf32>
      %select_n3A_644 = arith.select %gt3A_643, %select_n3A_581, %select_n3A_641 : vector<16xi1>, vector<16xf32>
      %select_n3A_645 = arith.select %gt3A_643, %add3A_61, %select_n3A_642 : vector<16xi1>, vector<16xi32>
      %gt3A_646 = arith.cmpf ogt, %select_n3A_585, %select_n3A_644 : vector<16xf32>
      %select_n3A_647 = arith.select %gt3A_646, %select_n3A_585, %select_n3A_644 : vector<16xi1>, vector<16xf32>
      %select_n3A_648 = arith.select %gt3A_646, %add3A_64, %select_n3A_645 : vector<16xi1>, vector<16xi32>
      %gt3A_649 = arith.cmpf ogt, %select_n3A_589, %select_n3A_647 : vector<16xf32>
      %select_n3A_650 = arith.select %gt3A_649, %select_n3A_589, %select_n3A_647 : vector<16xi1>, vector<16xf32>
      %select_n3A_651 = arith.select %gt3A_649, %add3A_67, %select_n3A_648 : vector<16xi1>, vector<16xi32>
      %gt3A_652 = arith.cmpf ogt, %select_n3A_593, %select_n3A_650 : vector<16xf32>
      %select_n3A_653 = arith.select %gt3A_652, %select_n3A_593, %select_n3A_650 : vector<16xi1>, vector<16xf32>
      %select_n3A_654 = arith.select %gt3A_652, %add3A_70, %select_n3A_651 : vector<16xi1>, vector<16xi32>
      %gt3A_655 = arith.cmpf ogt, %select_n3A_597, %select_n3A_653 : vector<16xf32>
      %select_n3A_656 = arith.select %gt3A_655, %select_n3A_597, %select_n3A_653 : vector<16xi1>, vector<16xf32>
      %select_n3A_657 = arith.select %gt3A_655, %add3A_73, %select_n3A_654 : vector<16xi1>, vector<16xi32>
      %gt3A_658 = arith.cmpf ogt, %select_n3A_601, %select_n3A_656 : vector<16xf32>
      %select_n3A_659 = arith.select %gt3A_658, %select_n3A_601, %select_n3A_656 : vector<16xi1>, vector<16xf32>
      %select_n3A_660 = arith.select %gt3A_658, %add3A_76, %select_n3A_657 : vector<16xi1>, vector<16xi32>
      %gt3A_661 = arith.cmpf ogt, %select_n3A_605, %select_n3A_659 : vector<16xf32>
      %select_n3A_662 = arith.select %gt3A_661, %select_n3A_605, %select_n3A_659 : vector<16xi1>, vector<16xf32>
      %select_n3A_663 = arith.select %gt3A_661, %add3A_79, %select_n3A_660 : vector<16xi1>, vector<16xi32>
      %gt3A_664 = arith.cmpf ogt, %select_n3A_609, %select_n3A_662 : vector<16xf32>
      %select_n3A_665 = arith.select %gt3A_664, %select_n3A_609, %select_n3A_662 : vector<16xi1>, vector<16xf32>
      %select_n3A_666 = arith.select %gt3A_664, %add3A_82, %select_n3A_663 : vector<16xi1>, vector<16xi32>
      %gt3A_667 = arith.cmpf ogt, %select_n3A_613, %select_n3A_665 : vector<16xf32>
      %select_n3A_668 = arith.select %gt3A_667, %select_n3A_613, %select_n3A_665 : vector<16xi1>, vector<16xf32>
      %select_n3A_669 = arith.select %gt3A_667, %add3A_85, %select_n3A_666 : vector<16xi1>, vector<16xi32>
      %gt3A_670 = arith.cmpf ogt, %select_n3A_617, %select_n3A_668 : vector<16xf32>
      %select_n3A_671 = arith.select %gt3A_670, %select_n3A_617, %select_n3A_668 : vector<16xi1>, vector<16xf32>
      %select_n3A_672 = arith.select %gt3A_670, %add3A_88, %select_n3A_669 : vector<16xi1>, vector<16xi32>
      %gt3A_673 = arith.cmpf ogt, %select_n3A_621, %select_n3A_671 : vector<16xf32>
      %select_n3A_674 = arith.select %gt3A_673, %select_n3A_621, %select_n3A_671 : vector<16xi1>, vector<16xf32>
      %select_n3A_675 = arith.select %gt3A_673, %add3A_91, %select_n3A_672 : vector<16xi1>, vector<16xi32>
      %gt3A_676 = arith.cmpf ogt, %select_n3A_625, %select_n3A_674 : vector<16xf32>
      %select_n3A_677 = arith.select %gt3A_676, %select_n3A_625, %select_n3A_674 : vector<16xi1>, vector<16xf32>
      %select_n3A_678 = arith.select %gt3A_676, %add3A_94, %select_n3A_675 : vector<16xi1>, vector<16xi32>
      %gt3A_679 = arith.cmpf ogt, %select_n3A_629, %select_n3A_677 : vector<16xf32>
      %select_n3A_680 = arith.select %gt3A_679, %select_n3A_629, %select_n3A_677 : vector<16xi1>, vector<16xf32>
      %select_n3A_681 = arith.select %gt3A_679, %add3A_97, %select_n3A_678 : vector<16xi1>, vector<16xi32>
      %xor3A_682 = arith.constant 8 : i32
      %xor3A_683 = vector.broadcast %xor3A_682 : i32 to vector<16xi32>
      %xor3A_684 = arith.xori %iota3A, %xor3A_683 : vector<16xi32>
      %reshape3A_685 = vector.shape_cast %xor3A_684 : vector<16xi32> to vector<16x1xi32>
      %gather3A_686 = vector.shape_cast %reshape3A_685 : vector<16x1xi32> to vector<16xi32>
      %gather3A_687 = tpu.dynamic_gather %select_n3A_680[%gather3A_686] in [0] : vector<16xf32>, vector<16xi32> -> vector<16xf32>
      %max3A_688 = arith.maximumf %select_n3A_680, %gather3A_687 : vector<16xf32>
      %xor3A_689 = arith.constant 4 : i32
      %xor3A_690 = vector.broadcast %xor3A_689 : i32 to vector<16xi32>
      %xor3A_691 = arith.xori %iota3A, %xor3A_690 : vector<16xi32>
      %reshape3A_692 = vector.shape_cast %xor3A_691 : vector<16xi32> to vector<16x1xi32>
      %gather3A_693 = vector.shape_cast %reshape3A_692 : vector<16x1xi32> to vector<16xi32>
      %gather3A_694 = tpu.dynamic_gather %max3A_688[%gather3A_693] in [0] : vector<16xf32>, vector<16xi32> -> vector<16xf32>
      %max3A_695 = arith.maximumf %max3A_688, %gather3A_694 : vector<16xf32>
      %xor3A_696 = arith.constant 2 : i32
      %xor3A_697 = vector.broadcast %xor3A_696 : i32 to vector<16xi32>
      %xor3A_698 = arith.xori %iota3A, %xor3A_697 : vector<16xi32>
      %reshape3A_699 = vector.shape_cast %xor3A_698 : vector<16xi32> to vector<16x1xi32>
      %gather3A_700 = vector.shape_cast %reshape3A_699 : vector<16x1xi32> to vector<16xi32>
      %gather3A_701 = tpu.dynamic_gather %max3A_695[%gather3A_700] in [0] : vector<16xf32>, vector<16xi32> -> vector<16xf32>
      %max3A_702 = arith.maximumf %max3A_695, %gather3A_701 : vector<16xf32>
      %xor3A_703 = arith.constant 1 : i32
      %xor3A_704 = vector.broadcast %xor3A_703 : i32 to vector<16xi32>
      %xor3A_705 = arith.xori %iota3A, %xor3A_704 : vector<16xi32>
      %reshape3A_706 = vector.shape_cast %xor3A_705 : vector<16xi32> to vector<16x1xi32>
      %gather3A_707 = vector.shape_cast %reshape3A_706 : vector<16x1xi32> to vector<16xi32>
      %gather3A_708 = tpu.dynamic_gather %max3A_702[%gather3A_707] in [0] : vector<16xf32>, vector<16xi32> -> vector<16xf32>
      %max3A_709 = arith.maximumf %max3A_702, %gather3A_708 : vector<16xf32>
      %eq3A_710 = arith.cmpf oeq, %select_n3A_680, %max3A_709 : vector<16xf32>
      %jit3A_711 = arith.constant 1073741824 : i32
      %broadcast_in_dim3A_712 = vector.broadcast %jit3A_711 : i32 to vector<16xi32>
      %select_n3A_713 = arith.select %eq3A_710, %select_n3A_681, %broadcast_in_dim3A_712 : vector<16xi1>, vector<16xi32>
      %xor3A_714 = arith.constant 8 : i32
      %xor3A_715 = vector.broadcast %xor3A_714 : i32 to vector<16xi32>
      %xor3A_716 = arith.xori %iota3A, %xor3A_715 : vector<16xi32>
      %reshape3A_717 = vector.shape_cast %xor3A_716 : vector<16xi32> to vector<16x1xi32>
      %gather3A_718 = vector.shape_cast %reshape3A_717 : vector<16x1xi32> to vector<16xi32>
      %gather3A_719 = tpu.dynamic_gather %select_n3A_713[%gather3A_718] in [0] : vector<16xi32>, vector<16xi32> -> vector<16xi32>
      %min3A_720 = arith.minsi %select_n3A_713, %gather3A_719 : vector<16xi32>
      %xor3A_721 = arith.constant 4 : i32
      %xor3A_722 = vector.broadcast %xor3A_721 : i32 to vector<16xi32>
      %xor3A_723 = arith.xori %iota3A, %xor3A_722 : vector<16xi32>
      %reshape3A_724 = vector.shape_cast %xor3A_723 : vector<16xi32> to vector<16x1xi32>
      %gather3A_725 = vector.shape_cast %reshape3A_724 : vector<16x1xi32> to vector<16xi32>
      %gather3A_726 = tpu.dynamic_gather %min3A_720[%gather3A_725] in [0] : vector<16xi32>, vector<16xi32> -> vector<16xi32>
      %min3A_727 = arith.minsi %min3A_720, %gather3A_726 : vector<16xi32>
      %xor3A_728 = arith.constant 2 : i32
      %xor3A_729 = vector.broadcast %xor3A_728 : i32 to vector<16xi32>
      %xor3A_730 = arith.xori %iota3A, %xor3A_729 : vector<16xi32>
      %reshape3A_731 = vector.shape_cast %xor3A_730 : vector<16xi32> to vector<16x1xi32>
      %gather3A_732 = vector.shape_cast %reshape3A_731 : vector<16x1xi32> to vector<16xi32>
      %gather3A_733 = tpu.dynamic_gather %min3A_727[%gather3A_732] in [0] : vector<16xi32>, vector<16xi32> -> vector<16xi32>
      %min3A_734 = arith.minsi %min3A_727, %gather3A_733 : vector<16xi32>
      %xor3A_735 = arith.constant 1 : i32
      %xor3A_736 = vector.broadcast %xor3A_735 : i32 to vector<16xi32>
      %xor3A_737 = arith.xori %iota3A, %xor3A_736 : vector<16xi32>
      %reshape3A_738 = vector.shape_cast %xor3A_737 : vector<16xi32> to vector<16x1xi32>
      %gather3A_739 = vector.shape_cast %reshape3A_738 : vector<16x1xi32> to vector<16xi32>
      %gather3A_740 = tpu.dynamic_gather %min3A_734[%gather3A_739] in [0] : vector<16xi32>, vector<16xi32> -> vector<16xi32>
      %min3A_741 = arith.minsi %min3A_734, %gather3A_740 : vector<16xi32>
      %eq3A_742 = arith.constant 3 : i32
      %eq3A_743 = vector.broadcast %eq3A_742 : i32 to vector<16xi32>
      %eq3A_744 = arith.cmpi eq, %iota3A, %eq3A_743 : vector<16xi32>
      %select_n3A_745 = arith.select %eq3A_744, %min3A_741, %select_n3A_565 : vector<16xi1>, vector<16xi32>
      %eq3A_746 = arith.cmpi eq, %add3A_52, %min3A_741 : vector<16xi32>
      %jit3A_747 = arith.constant -3.000000e+38 : f32
      %broadcast_in_dim3A_748 = vector.broadcast %jit3A_747 : f32 to vector<16xf32>
      %select_n3A_749 = arith.select %eq3A_746, %broadcast_in_dim3A_748, %select_n3A_569 : vector<16xi1>, vector<16xf32>
      %eq3A_750 = arith.cmpi eq, %add3A_55, %min3A_741 : vector<16xi32>
      %jit3A_751 = arith.constant -3.000000e+38 : f32
      %broadcast_in_dim3A_752 = vector.broadcast %jit3A_751 : f32 to vector<16xf32>
      %select_n3A_753 = arith.select %eq3A_750, %broadcast_in_dim3A_752, %select_n3A_573 : vector<16xi1>, vector<16xf32>
      %eq3A_754 = arith.cmpi eq, %add3A_58, %min3A_741 : vector<16xi32>
      %jit3A_755 = arith.constant -3.000000e+38 : f32
      %broadcast_in_dim3A_756 = vector.broadcast %jit3A_755 : f32 to vector<16xf32>
      %select_n3A_757 = arith.select %eq3A_754, %broadcast_in_dim3A_756, %select_n3A_577 : vector<16xi1>, vector<16xf32>
      %eq3A_758 = arith.cmpi eq, %add3A_61, %min3A_741 : vector<16xi32>
      %jit3A_759 = arith.constant -3.000000e+38 : f32
      %broadcast_in_dim3A_760 = vector.broadcast %jit3A_759 : f32 to vector<16xf32>
      %select_n3A_761 = arith.select %eq3A_758, %broadcast_in_dim3A_760, %select_n3A_581 : vector<16xi1>, vector<16xf32>
      %eq3A_762 = arith.cmpi eq, %add3A_64, %min3A_741 : vector<16xi32>
      %jit3A_763 = arith.constant -3.000000e+38 : f32
      %broadcast_in_dim3A_764 = vector.broadcast %jit3A_763 : f32 to vector<16xf32>
      %select_n3A_765 = arith.select %eq3A_762, %broadcast_in_dim3A_764, %select_n3A_585 : vector<16xi1>, vector<16xf32>
      %eq3A_766 = arith.cmpi eq, %add3A_67, %min3A_741 : vector<16xi32>
      %jit3A_767 = arith.constant -3.000000e+38 : f32
      %broadcast_in_dim3A_768 = vector.broadcast %jit3A_767 : f32 to vector<16xf32>
      %select_n3A_769 = arith.select %eq3A_766, %broadcast_in_dim3A_768, %select_n3A_589 : vector<16xi1>, vector<16xf32>
      %eq3A_770 = arith.cmpi eq, %add3A_70, %min3A_741 : vector<16xi32>
      %jit3A_771 = arith.constant -3.000000e+38 : f32
      %broadcast_in_dim3A_772 = vector.broadcast %jit3A_771 : f32 to vector<16xf32>
      %select_n3A_773 = arith.select %eq3A_770, %broadcast_in_dim3A_772, %select_n3A_593 : vector<16xi1>, vector<16xf32>
      %eq3A_774 = arith.cmpi eq, %add3A_73, %min3A_741 : vector<16xi32>
      %jit3A_775 = arith.constant -3.000000e+38 : f32
      %broadcast_in_dim3A_776 = vector.broadcast %jit3A_775 : f32 to vector<16xf32>
      %select_n3A_777 = arith.select %eq3A_774, %broadcast_in_dim3A_776, %select_n3A_597 : vector<16xi1>, vector<16xf32>
      %eq3A_778 = arith.cmpi eq, %add3A_76, %min3A_741 : vector<16xi32>
      %jit3A_779 = arith.constant -3.000000e+38 : f32
      %broadcast_in_dim3A_780 = vector.broadcast %jit3A_779 : f32 to vector<16xf32>
      %select_n3A_781 = arith.select %eq3A_778, %broadcast_in_dim3A_780, %select_n3A_601 : vector<16xi1>, vector<16xf32>
      %eq3A_782 = arith.cmpi eq, %add3A_79, %min3A_741 : vector<16xi32>
      %jit3A_783 = arith.constant -3.000000e+38 : f32
      %broadcast_in_dim3A_784 = vector.broadcast %jit3A_783 : f32 to vector<16xf32>
      %select_n3A_785 = arith.select %eq3A_782, %broadcast_in_dim3A_784, %select_n3A_605 : vector<16xi1>, vector<16xf32>
      %eq3A_786 = arith.cmpi eq, %add3A_82, %min3A_741 : vector<16xi32>
      %jit3A_787 = arith.constant -3.000000e+38 : f32
      %broadcast_in_dim3A_788 = vector.broadcast %jit3A_787 : f32 to vector<16xf32>
      %select_n3A_789 = arith.select %eq3A_786, %broadcast_in_dim3A_788, %select_n3A_609 : vector<16xi1>, vector<16xf32>
      %eq3A_790 = arith.cmpi eq, %add3A_85, %min3A_741 : vector<16xi32>
      %jit3A_791 = arith.constant -3.000000e+38 : f32
      %broadcast_in_dim3A_792 = vector.broadcast %jit3A_791 : f32 to vector<16xf32>
      %select_n3A_793 = arith.select %eq3A_790, %broadcast_in_dim3A_792, %select_n3A_613 : vector<16xi1>, vector<16xf32>
      %eq3A_794 = arith.cmpi eq, %add3A_88, %min3A_741 : vector<16xi32>
      %jit3A_795 = arith.constant -3.000000e+38 : f32
      %broadcast_in_dim3A_796 = vector.broadcast %jit3A_795 : f32 to vector<16xf32>
      %select_n3A_797 = arith.select %eq3A_794, %broadcast_in_dim3A_796, %select_n3A_617 : vector<16xi1>, vector<16xf32>
      %eq3A_798 = arith.cmpi eq, %add3A_91, %min3A_741 : vector<16xi32>
      %jit3A_799 = arith.constant -3.000000e+38 : f32
      %broadcast_in_dim3A_800 = vector.broadcast %jit3A_799 : f32 to vector<16xf32>
      %select_n3A_801 = arith.select %eq3A_798, %broadcast_in_dim3A_800, %select_n3A_621 : vector<16xi1>, vector<16xf32>
      %eq3A_802 = arith.cmpi eq, %add3A_94, %min3A_741 : vector<16xi32>
      %jit3A_803 = arith.constant -3.000000e+38 : f32
      %broadcast_in_dim3A_804 = vector.broadcast %jit3A_803 : f32 to vector<16xf32>
      %select_n3A_805 = arith.select %eq3A_802, %broadcast_in_dim3A_804, %select_n3A_625 : vector<16xi1>, vector<16xf32>
      %eq3A_806 = arith.cmpi eq, %add3A_97, %min3A_741 : vector<16xi32>
      %jit3A_807 = arith.constant -3.000000e+38 : f32
      %broadcast_in_dim3A_808 = vector.broadcast %jit3A_807 : f32 to vector<16xf32>
      %select_n3A_809 = arith.select %eq3A_806, %broadcast_in_dim3A_808, %select_n3A_629 : vector<16xi1>, vector<16xf32>
      %broadcast_in_dim3A_810 = arith.constant -3.000000e+38 : f32
      %broadcast_in_dim3A_811 = vector.broadcast %broadcast_in_dim3A_810 : f32 to vector<16xf32>
      %broadcast_in_dim3A_812 = arith.constant 0 : i32
      %broadcast_in_dim3A_813 = vector.broadcast %broadcast_in_dim3A_812 : i32 to vector<16xi32>
      %gt3A_814 = arith.cmpf ogt, %select_n3A_749, %broadcast_in_dim3A_811 : vector<16xf32>
      %select_n3A_815 = arith.select %gt3A_814, %select_n3A_749, %broadcast_in_dim3A_811 : vector<16xi1>, vector<16xf32>
      %select_n3A_816 = arith.select %gt3A_814, %add3A_52, %broadcast_in_dim3A_813 : vector<16xi1>, vector<16xi32>
      %gt3A_817 = arith.cmpf ogt, %select_n3A_753, %select_n3A_815 : vector<16xf32>
      %select_n3A_818 = arith.select %gt3A_817, %select_n3A_753, %select_n3A_815 : vector<16xi1>, vector<16xf32>
      %select_n3A_819 = arith.select %gt3A_817, %add3A_55, %select_n3A_816 : vector<16xi1>, vector<16xi32>
      %gt3A_820 = arith.cmpf ogt, %select_n3A_757, %select_n3A_818 : vector<16xf32>
      %select_n3A_821 = arith.select %gt3A_820, %select_n3A_757, %select_n3A_818 : vector<16xi1>, vector<16xf32>
      %select_n3A_822 = arith.select %gt3A_820, %add3A_58, %select_n3A_819 : vector<16xi1>, vector<16xi32>
      %gt3A_823 = arith.cmpf ogt, %select_n3A_761, %select_n3A_821 : vector<16xf32>
      %select_n3A_824 = arith.select %gt3A_823, %select_n3A_761, %select_n3A_821 : vector<16xi1>, vector<16xf32>
      %select_n3A_825 = arith.select %gt3A_823, %add3A_61, %select_n3A_822 : vector<16xi1>, vector<16xi32>
      %gt3A_826 = arith.cmpf ogt, %select_n3A_765, %select_n3A_824 : vector<16xf32>
      %select_n3A_827 = arith.select %gt3A_826, %select_n3A_765, %select_n3A_824 : vector<16xi1>, vector<16xf32>
      %select_n3A_828 = arith.select %gt3A_826, %add3A_64, %select_n3A_825 : vector<16xi1>, vector<16xi32>
      %gt3A_829 = arith.cmpf ogt, %select_n3A_769, %select_n3A_827 : vector<16xf32>
      %select_n3A_830 = arith.select %gt3A_829, %select_n3A_769, %select_n3A_827 : vector<16xi1>, vector<16xf32>
      %select_n3A_831 = arith.select %gt3A_829, %add3A_67, %select_n3A_828 : vector<16xi1>, vector<16xi32>
      %gt3A_832 = arith.cmpf ogt, %select_n3A_773, %select_n3A_830 : vector<16xf32>
      %select_n3A_833 = arith.select %gt3A_832, %select_n3A_773, %select_n3A_830 : vector<16xi1>, vector<16xf32>
      %select_n3A_834 = arith.select %gt3A_832, %add3A_70, %select_n3A_831 : vector<16xi1>, vector<16xi32>
      %gt3A_835 = arith.cmpf ogt, %select_n3A_777, %select_n3A_833 : vector<16xf32>
      %select_n3A_836 = arith.select %gt3A_835, %select_n3A_777, %select_n3A_833 : vector<16xi1>, vector<16xf32>
      %select_n3A_837 = arith.select %gt3A_835, %add3A_73, %select_n3A_834 : vector<16xi1>, vector<16xi32>
      %gt3A_838 = arith.cmpf ogt, %select_n3A_781, %select_n3A_836 : vector<16xf32>
      %select_n3A_839 = arith.select %gt3A_838, %select_n3A_781, %select_n3A_836 : vector<16xi1>, vector<16xf32>
      %select_n3A_840 = arith.select %gt3A_838, %add3A_76, %select_n3A_837 : vector<16xi1>, vector<16xi32>
      %gt3A_841 = arith.cmpf ogt, %select_n3A_785, %select_n3A_839 : vector<16xf32>
      %select_n3A_842 = arith.select %gt3A_841, %select_n3A_785, %select_n3A_839 : vector<16xi1>, vector<16xf32>
      %select_n3A_843 = arith.select %gt3A_841, %add3A_79, %select_n3A_840 : vector<16xi1>, vector<16xi32>
      %gt3A_844 = arith.cmpf ogt, %select_n3A_789, %select_n3A_842 : vector<16xf32>
      %select_n3A_845 = arith.select %gt3A_844, %select_n3A_789, %select_n3A_842 : vector<16xi1>, vector<16xf32>
      %select_n3A_846 = arith.select %gt3A_844, %add3A_82, %select_n3A_843 : vector<16xi1>, vector<16xi32>
      %gt3A_847 = arith.cmpf ogt, %select_n3A_793, %select_n3A_845 : vector<16xf32>
      %select_n3A_848 = arith.select %gt3A_847, %select_n3A_793, %select_n3A_845 : vector<16xi1>, vector<16xf32>
      %select_n3A_849 = arith.select %gt3A_847, %add3A_85, %select_n3A_846 : vector<16xi1>, vector<16xi32>
      %gt3A_850 = arith.cmpf ogt, %select_n3A_797, %select_n3A_848 : vector<16xf32>
      %select_n3A_851 = arith.select %gt3A_850, %select_n3A_797, %select_n3A_848 : vector<16xi1>, vector<16xf32>
      %select_n3A_852 = arith.select %gt3A_850, %add3A_88, %select_n3A_849 : vector<16xi1>, vector<16xi32>
      %gt3A_853 = arith.cmpf ogt, %select_n3A_801, %select_n3A_851 : vector<16xf32>
      %select_n3A_854 = arith.select %gt3A_853, %select_n3A_801, %select_n3A_851 : vector<16xi1>, vector<16xf32>
      %select_n3A_855 = arith.select %gt3A_853, %add3A_91, %select_n3A_852 : vector<16xi1>, vector<16xi32>
      %gt3A_856 = arith.cmpf ogt, %select_n3A_805, %select_n3A_854 : vector<16xf32>
      %select_n3A_857 = arith.select %gt3A_856, %select_n3A_805, %select_n3A_854 : vector<16xi1>, vector<16xf32>
      %select_n3A_858 = arith.select %gt3A_856, %add3A_94, %select_n3A_855 : vector<16xi1>, vector<16xi32>
      %gt3A_859 = arith.cmpf ogt, %select_n3A_809, %select_n3A_857 : vector<16xf32>
      %select_n3A_860 = arith.select %gt3A_859, %select_n3A_809, %select_n3A_857 : vector<16xi1>, vector<16xf32>
      %select_n3A_861 = arith.select %gt3A_859, %add3A_97, %select_n3A_858 : vector<16xi1>, vector<16xi32>
      %xor3A_862 = arith.constant 8 : i32
      %xor3A_863 = vector.broadcast %xor3A_862 : i32 to vector<16xi32>
      %xor3A_864 = arith.xori %iota3A, %xor3A_863 : vector<16xi32>
      %reshape3A_865 = vector.shape_cast %xor3A_864 : vector<16xi32> to vector<16x1xi32>
      %gather3A_866 = vector.shape_cast %reshape3A_865 : vector<16x1xi32> to vector<16xi32>
      %gather3A_867 = tpu.dynamic_gather %select_n3A_860[%gather3A_866] in [0] : vector<16xf32>, vector<16xi32> -> vector<16xf32>
      %max3A_868 = arith.maximumf %select_n3A_860, %gather3A_867 : vector<16xf32>
      %xor3A_869 = arith.constant 4 : i32
      %xor3A_870 = vector.broadcast %xor3A_869 : i32 to vector<16xi32>
      %xor3A_871 = arith.xori %iota3A, %xor3A_870 : vector<16xi32>
      %reshape3A_872 = vector.shape_cast %xor3A_871 : vector<16xi32> to vector<16x1xi32>
      %gather3A_873 = vector.shape_cast %reshape3A_872 : vector<16x1xi32> to vector<16xi32>
      %gather3A_874 = tpu.dynamic_gather %max3A_868[%gather3A_873] in [0] : vector<16xf32>, vector<16xi32> -> vector<16xf32>
      %max3A_875 = arith.maximumf %max3A_868, %gather3A_874 : vector<16xf32>
      %xor3A_876 = arith.constant 2 : i32
      %xor3A_877 = vector.broadcast %xor3A_876 : i32 to vector<16xi32>
      %xor3A_878 = arith.xori %iota3A, %xor3A_877 : vector<16xi32>
      %reshape3A_879 = vector.shape_cast %xor3A_878 : vector<16xi32> to vector<16x1xi32>
      %gather3A_880 = vector.shape_cast %reshape3A_879 : vector<16x1xi32> to vector<16xi32>
      %gather3A_881 = tpu.dynamic_gather %max3A_875[%gather3A_880] in [0] : vector<16xf32>, vector<16xi32> -> vector<16xf32>
      %max3A_882 = arith.maximumf %max3A_875, %gather3A_881 : vector<16xf32>
      %xor3A_883 = arith.constant 1 : i32
      %xor3A_884 = vector.broadcast %xor3A_883 : i32 to vector<16xi32>
      %xor3A_885 = arith.xori %iota3A, %xor3A_884 : vector<16xi32>
      %reshape3A_886 = vector.shape_cast %xor3A_885 : vector<16xi32> to vector<16x1xi32>
      %gather3A_887 = vector.shape_cast %reshape3A_886 : vector<16x1xi32> to vector<16xi32>
      %gather3A_888 = tpu.dynamic_gather %max3A_882[%gather3A_887] in [0] : vector<16xf32>, vector<16xi32> -> vector<16xf32>
      %max3A_889 = arith.maximumf %max3A_882, %gather3A_888 : vector<16xf32>
      %eq3A_890 = arith.cmpf oeq, %select_n3A_860, %max3A_889 : vector<16xf32>
      %jit3A_891 = arith.constant 1073741824 : i32
      %broadcast_in_dim3A_892 = vector.broadcast %jit3A_891 : i32 to vector<16xi32>
      %select_n3A_893 = arith.select %eq3A_890, %select_n3A_861, %broadcast_in_dim3A_892 : vector<16xi1>, vector<16xi32>
      %xor3A_894 = arith.constant 8 : i32
      %xor3A_895 = vector.broadcast %xor3A_894 : i32 to vector<16xi32>
      %xor3A_896 = arith.xori %iota3A, %xor3A_895 : vector<16xi32>
      %reshape3A_897 = vector.shape_cast %xor3A_896 : vector<16xi32> to vector<16x1xi32>
      %gather3A_898 = vector.shape_cast %reshape3A_897 : vector<16x1xi32> to vector<16xi32>
      %gather3A_899 = tpu.dynamic_gather %select_n3A_893[%gather3A_898] in [0] : vector<16xi32>, vector<16xi32> -> vector<16xi32>
      %min3A_900 = arith.minsi %select_n3A_893, %gather3A_899 : vector<16xi32>
      %xor3A_901 = arith.constant 4 : i32
      %xor3A_902 = vector.broadcast %xor3A_901 : i32 to vector<16xi32>
      %xor3A_903 = arith.xori %iota3A, %xor3A_902 : vector<16xi32>
      %reshape3A_904 = vector.shape_cast %xor3A_903 : vector<16xi32> to vector<16x1xi32>
      %gather3A_905 = vector.shape_cast %reshape3A_904 : vector<16x1xi32> to vector<16xi32>
      %gather3A_906 = tpu.dynamic_gather %min3A_900[%gather3A_905] in [0] : vector<16xi32>, vector<16xi32> -> vector<16xi32>
      %min3A_907 = arith.minsi %min3A_900, %gather3A_906 : vector<16xi32>
      %xor3A_908 = arith.constant 2 : i32
      %xor3A_909 = vector.broadcast %xor3A_908 : i32 to vector<16xi32>
      %xor3A_910 = arith.xori %iota3A, %xor3A_909 : vector<16xi32>
      %reshape3A_911 = vector.shape_cast %xor3A_910 : vector<16xi32> to vector<16x1xi32>
      %gather3A_912 = vector.shape_cast %reshape3A_911 : vector<16x1xi32> to vector<16xi32>
      %gather3A_913 = tpu.dynamic_gather %min3A_907[%gather3A_912] in [0] : vector<16xi32>, vector<16xi32> -> vector<16xi32>
      %min3A_914 = arith.minsi %min3A_907, %gather3A_913 : vector<16xi32>
      %xor3A_915 = arith.constant 1 : i32
      %xor3A_916 = vector.broadcast %xor3A_915 : i32 to vector<16xi32>
      %xor3A_917 = arith.xori %iota3A, %xor3A_916 : vector<16xi32>
      %reshape3A_918 = vector.shape_cast %xor3A_917 : vector<16xi32> to vector<16x1xi32>
      %gather3A_919 = vector.shape_cast %reshape3A_918 : vector<16x1xi32> to vector<16xi32>
      %gather3A_920 = tpu.dynamic_gather %min3A_914[%gather3A_919] in [0] : vector<16xi32>, vector<16xi32> -> vector<16xi32>
      %min3A_921 = arith.minsi %min3A_914, %gather3A_920 : vector<16xi32>
      %eq3A_922 = arith.constant 4 : i32
      %eq3A_923 = vector.broadcast %eq3A_922 : i32 to vector<16xi32>
      %eq3A_924 = arith.cmpi eq, %iota3A, %eq3A_923 : vector<16xi32>
      %select_n3A_925 = arith.select %eq3A_924, %min3A_921, %select_n3A_745 : vector<16xi1>, vector<16xi32>
      %eq3A_926 = arith.cmpi eq, %add3A_52, %min3A_921 : vector<16xi32>
      %jit3A_927 = arith.constant -3.000000e+38 : f32
      %broadcast_in_dim3A_928 = vector.broadcast %jit3A_927 : f32 to vector<16xf32>
      %select_n3A_929 = arith.select %eq3A_926, %broadcast_in_dim3A_928, %select_n3A_749 : vector<16xi1>, vector<16xf32>
      %eq3A_930 = arith.cmpi eq, %add3A_55, %min3A_921 : vector<16xi32>
      %jit3A_931 = arith.constant -3.000000e+38 : f32
      %broadcast_in_dim3A_932 = vector.broadcast %jit3A_931 : f32 to vector<16xf32>
      %select_n3A_933 = arith.select %eq3A_930, %broadcast_in_dim3A_932, %select_n3A_753 : vector<16xi1>, vector<16xf32>
      %eq3A_934 = arith.cmpi eq, %add3A_58, %min3A_921 : vector<16xi32>
      %jit3A_935 = arith.constant -3.000000e+38 : f32
      %broadcast_in_dim3A_936 = vector.broadcast %jit3A_935 : f32 to vector<16xf32>
      %select_n3A_937 = arith.select %eq3A_934, %broadcast_in_dim3A_936, %select_n3A_757 : vector<16xi1>, vector<16xf32>
      %eq3A_938 = arith.cmpi eq, %add3A_61, %min3A_921 : vector<16xi32>
      %jit3A_939 = arith.constant -3.000000e+38 : f32
      %broadcast_in_dim3A_940 = vector.broadcast %jit3A_939 : f32 to vector<16xf32>
      %select_n3A_941 = arith.select %eq3A_938, %broadcast_in_dim3A_940, %select_n3A_761 : vector<16xi1>, vector<16xf32>
      %eq3A_942 = arith.cmpi eq, %add3A_64, %min3A_921 : vector<16xi32>
      %jit3A_943 = arith.constant -3.000000e+38 : f32
      %broadcast_in_dim3A_944 = vector.broadcast %jit3A_943 : f32 to vector<16xf32>
      %select_n3A_945 = arith.select %eq3A_942, %broadcast_in_dim3A_944, %select_n3A_765 : vector<16xi1>, vector<16xf32>
      %eq3A_946 = arith.cmpi eq, %add3A_67, %min3A_921 : vector<16xi32>
      %jit3A_947 = arith.constant -3.000000e+38 : f32
      %broadcast_in_dim3A_948 = vector.broadcast %jit3A_947 : f32 to vector<16xf32>
      %select_n3A_949 = arith.select %eq3A_946, %broadcast_in_dim3A_948, %select_n3A_769 : vector<16xi1>, vector<16xf32>
      %eq3A_950 = arith.cmpi eq, %add3A_70, %min3A_921 : vector<16xi32>
      %jit3A_951 = arith.constant -3.000000e+38 : f32
      %broadcast_in_dim3A_952 = vector.broadcast %jit3A_951 : f32 to vector<16xf32>
      %select_n3A_953 = arith.select %eq3A_950, %broadcast_in_dim3A_952, %select_n3A_773 : vector<16xi1>, vector<16xf32>
      %eq3A_954 = arith.cmpi eq, %add3A_73, %min3A_921 : vector<16xi32>
      %jit3A_955 = arith.constant -3.000000e+38 : f32
      %broadcast_in_dim3A_956 = vector.broadcast %jit3A_955 : f32 to vector<16xf32>
      %select_n3A_957 = arith.select %eq3A_954, %broadcast_in_dim3A_956, %select_n3A_777 : vector<16xi1>, vector<16xf32>
      %eq3A_958 = arith.cmpi eq, %add3A_76, %min3A_921 : vector<16xi32>
      %jit3A_959 = arith.constant -3.000000e+38 : f32
      %broadcast_in_dim3A_960 = vector.broadcast %jit3A_959 : f32 to vector<16xf32>
      %select_n3A_961 = arith.select %eq3A_958, %broadcast_in_dim3A_960, %select_n3A_781 : vector<16xi1>, vector<16xf32>
      %eq3A_962 = arith.cmpi eq, %add3A_79, %min3A_921 : vector<16xi32>
      %jit3A_963 = arith.constant -3.000000e+38 : f32
      %broadcast_in_dim3A_964 = vector.broadcast %jit3A_963 : f32 to vector<16xf32>
      %select_n3A_965 = arith.select %eq3A_962, %broadcast_in_dim3A_964, %select_n3A_785 : vector<16xi1>, vector<16xf32>
      %eq3A_966 = arith.cmpi eq, %add3A_82, %min3A_921 : vector<16xi32>
      %jit3A_967 = arith.constant -3.000000e+38 : f32
      %broadcast_in_dim3A_968 = vector.broadcast %jit3A_967 : f32 to vector<16xf32>
      %select_n3A_969 = arith.select %eq3A_966, %broadcast_in_dim3A_968, %select_n3A_789 : vector<16xi1>, vector<16xf32>
      %eq3A_970 = arith.cmpi eq, %add3A_85, %min3A_921 : vector<16xi32>
      %jit3A_971 = arith.constant -3.000000e+38 : f32
      %broadcast_in_dim3A_972 = vector.broadcast %jit3A_971 : f32 to vector<16xf32>
      %select_n3A_973 = arith.select %eq3A_970, %broadcast_in_dim3A_972, %select_n3A_793 : vector<16xi1>, vector<16xf32>
      %eq3A_974 = arith.cmpi eq, %add3A_88, %min3A_921 : vector<16xi32>
      %jit3A_975 = arith.constant -3.000000e+38 : f32
      %broadcast_in_dim3A_976 = vector.broadcast %jit3A_975 : f32 to vector<16xf32>
      %select_n3A_977 = arith.select %eq3A_974, %broadcast_in_dim3A_976, %select_n3A_797 : vector<16xi1>, vector<16xf32>
      %eq3A_978 = arith.cmpi eq, %add3A_91, %min3A_921 : vector<16xi32>
      %jit3A_979 = arith.constant -3.000000e+38 : f32
      %broadcast_in_dim3A_980 = vector.broadcast %jit3A_979 : f32 to vector<16xf32>
      %select_n3A_981 = arith.select %eq3A_978, %broadcast_in_dim3A_980, %select_n3A_801 : vector<16xi1>, vector<16xf32>
      %eq3A_982 = arith.cmpi eq, %add3A_94, %min3A_921 : vector<16xi32>
      %jit3A_983 = arith.constant -3.000000e+38 : f32
      %broadcast_in_dim3A_984 = vector.broadcast %jit3A_983 : f32 to vector<16xf32>
      %select_n3A_985 = arith.select %eq3A_982, %broadcast_in_dim3A_984, %select_n3A_805 : vector<16xi1>, vector<16xf32>
      %eq3A_986 = arith.cmpi eq, %add3A_97, %min3A_921 : vector<16xi32>
      %jit3A_987 = arith.constant -3.000000e+38 : f32
      %broadcast_in_dim3A_988 = vector.broadcast %jit3A_987 : f32 to vector<16xf32>
      %select_n3A_989 = arith.select %eq3A_986, %broadcast_in_dim3A_988, %select_n3A_809 : vector<16xi1>, vector<16xf32>
      %broadcast_in_dim3A_990 = arith.constant -3.000000e+38 : f32
      %broadcast_in_dim3A_991 = vector.broadcast %broadcast_in_dim3A_990 : f32 to vector<16xf32>
      %broadcast_in_dim3A_992 = arith.constant 0 : i32
      %broadcast_in_dim3A_993 = vector.broadcast %broadcast_in_dim3A_992 : i32 to vector<16xi32>
      %gt3A_994 = arith.cmpf ogt, %select_n3A_929, %broadcast_in_dim3A_991 : vector<16xf32>
      %select_n3A_995 = arith.select %gt3A_994, %select_n3A_929, %broadcast_in_dim3A_991 : vector<16xi1>, vector<16xf32>
      %select_n3A_996 = arith.select %gt3A_994, %add3A_52, %broadcast_in_dim3A_993 : vector<16xi1>, vector<16xi32>
      %gt3A_997 = arith.cmpf ogt, %select_n3A_933, %select_n3A_995 : vector<16xf32>
      %select_n3A_998 = arith.select %gt3A_997, %select_n3A_933, %select_n3A_995 : vector<16xi1>, vector<16xf32>
      %select_n3A_999 = arith.select %gt3A_997, %add3A_55, %select_n3A_996 : vector<16xi1>, vector<16xi32>
      %gt3A_1000 = arith.cmpf ogt, %select_n3A_937, %select_n3A_998 : vector<16xf32>
      %select_n3A_1001 = arith.select %gt3A_1000, %select_n3A_937, %select_n3A_998 : vector<16xi1>, vector<16xf32>
      %select_n3A_1002 = arith.select %gt3A_1000, %add3A_58, %select_n3A_999 : vector<16xi1>, vector<16xi32>
      %gt3A_1003 = arith.cmpf ogt, %select_n3A_941, %select_n3A_1001 : vector<16xf32>
      %select_n3A_1004 = arith.select %gt3A_1003, %select_n3A_941, %select_n3A_1001 : vector<16xi1>, vector<16xf32>
      %select_n3A_1005 = arith.select %gt3A_1003, %add3A_61, %select_n3A_1002 : vector<16xi1>, vector<16xi32>
      %gt3A_1006 = arith.cmpf ogt, %select_n3A_945, %select_n3A_1004 : vector<16xf32>
      %select_n3A_1007 = arith.select %gt3A_1006, %select_n3A_945, %select_n3A_1004 : vector<16xi1>, vector<16xf32>
      %select_n3A_1008 = arith.select %gt3A_1006, %add3A_64, %select_n3A_1005 : vector<16xi1>, vector<16xi32>
      %gt3A_1009 = arith.cmpf ogt, %select_n3A_949, %select_n3A_1007 : vector<16xf32>
      %select_n3A_1010 = arith.select %gt3A_1009, %select_n3A_949, %select_n3A_1007 : vector<16xi1>, vector<16xf32>
      %select_n3A_1011 = arith.select %gt3A_1009, %add3A_67, %select_n3A_1008 : vector<16xi1>, vector<16xi32>
      %gt3A_1012 = arith.cmpf ogt, %select_n3A_953, %select_n3A_1010 : vector<16xf32>
      %select_n3A_1013 = arith.select %gt3A_1012, %select_n3A_953, %select_n3A_1010 : vector<16xi1>, vector<16xf32>
      %select_n3A_1014 = arith.select %gt3A_1012, %add3A_70, %select_n3A_1011 : vector<16xi1>, vector<16xi32>
      %gt3A_1015 = arith.cmpf ogt, %select_n3A_957, %select_n3A_1013 : vector<16xf32>
      %select_n3A_1016 = arith.select %gt3A_1015, %select_n3A_957, %select_n3A_1013 : vector<16xi1>, vector<16xf32>
      %select_n3A_1017 = arith.select %gt3A_1015, %add3A_73, %select_n3A_1014 : vector<16xi1>, vector<16xi32>
      %gt3A_1018 = arith.cmpf ogt, %select_n3A_961, %select_n3A_1016 : vector<16xf32>
      %select_n3A_1019 = arith.select %gt3A_1018, %select_n3A_961, %select_n3A_1016 : vector<16xi1>, vector<16xf32>
      %select_n3A_1020 = arith.select %gt3A_1018, %add3A_76, %select_n3A_1017 : vector<16xi1>, vector<16xi32>
      %gt3A_1021 = arith.cmpf ogt, %select_n3A_965, %select_n3A_1019 : vector<16xf32>
      %select_n3A_1022 = arith.select %gt3A_1021, %select_n3A_965, %select_n3A_1019 : vector<16xi1>, vector<16xf32>
      %select_n3A_1023 = arith.select %gt3A_1021, %add3A_79, %select_n3A_1020 : vector<16xi1>, vector<16xi32>
      %gt3A_1024 = arith.cmpf ogt, %select_n3A_969, %select_n3A_1022 : vector<16xf32>
      %select_n3A_1025 = arith.select %gt3A_1024, %select_n3A_969, %select_n3A_1022 : vector<16xi1>, vector<16xf32>
      %select_n3A_1026 = arith.select %gt3A_1024, %add3A_82, %select_n3A_1023 : vector<16xi1>, vector<16xi32>
      %gt3A_1027 = arith.cmpf ogt, %select_n3A_973, %select_n3A_1025 : vector<16xf32>
      %select_n3A_1028 = arith.select %gt3A_1027, %select_n3A_973, %select_n3A_1025 : vector<16xi1>, vector<16xf32>
      %select_n3A_1029 = arith.select %gt3A_1027, %add3A_85, %select_n3A_1026 : vector<16xi1>, vector<16xi32>
      %gt3A_1030 = arith.cmpf ogt, %select_n3A_977, %select_n3A_1028 : vector<16xf32>
      %select_n3A_1031 = arith.select %gt3A_1030, %select_n3A_977, %select_n3A_1028 : vector<16xi1>, vector<16xf32>
      %select_n3A_1032 = arith.select %gt3A_1030, %add3A_88, %select_n3A_1029 : vector<16xi1>, vector<16xi32>
      %gt3A_1033 = arith.cmpf ogt, %select_n3A_981, %select_n3A_1031 : vector<16xf32>
      %select_n3A_1034 = arith.select %gt3A_1033, %select_n3A_981, %select_n3A_1031 : vector<16xi1>, vector<16xf32>
      %select_n3A_1035 = arith.select %gt3A_1033, %add3A_91, %select_n3A_1032 : vector<16xi1>, vector<16xi32>
      %gt3A_1036 = arith.cmpf ogt, %select_n3A_985, %select_n3A_1034 : vector<16xf32>
      %select_n3A_1037 = arith.select %gt3A_1036, %select_n3A_985, %select_n3A_1034 : vector<16xi1>, vector<16xf32>
      %select_n3A_1038 = arith.select %gt3A_1036, %add3A_94, %select_n3A_1035 : vector<16xi1>, vector<16xi32>
      %gt3A_1039 = arith.cmpf ogt, %select_n3A_989, %select_n3A_1037 : vector<16xf32>
      %select_n3A_1040 = arith.select %gt3A_1039, %select_n3A_989, %select_n3A_1037 : vector<16xi1>, vector<16xf32>
      %select_n3A_1041 = arith.select %gt3A_1039, %add3A_97, %select_n3A_1038 : vector<16xi1>, vector<16xi32>
      %xor3A_1042 = arith.constant 8 : i32
      %xor3A_1043 = vector.broadcast %xor3A_1042 : i32 to vector<16xi32>
      %xor3A_1044 = arith.xori %iota3A, %xor3A_1043 : vector<16xi32>
      %reshape3A_1045 = vector.shape_cast %xor3A_1044 : vector<16xi32> to vector<16x1xi32>
      %gather3A_1046 = vector.shape_cast %reshape3A_1045 : vector<16x1xi32> to vector<16xi32>
      %gather3A_1047 = tpu.dynamic_gather %select_n3A_1040[%gather3A_1046] in [0] : vector<16xf32>, vector<16xi32> -> vector<16xf32>
      %max3A_1048 = arith.maximumf %select_n3A_1040, %gather3A_1047 : vector<16xf32>
      %xor3A_1049 = arith.constant 4 : i32
      %xor3A_1050 = vector.broadcast %xor3A_1049 : i32 to vector<16xi32>
      %xor3A_1051 = arith.xori %iota3A, %xor3A_1050 : vector<16xi32>
      %reshape3A_1052 = vector.shape_cast %xor3A_1051 : vector<16xi32> to vector<16x1xi32>
      %gather3A_1053 = vector.shape_cast %reshape3A_1052 : vector<16x1xi32> to vector<16xi32>
      %gather3A_1054 = tpu.dynamic_gather %max3A_1048[%gather3A_1053] in [0] : vector<16xf32>, vector<16xi32> -> vector<16xf32>
      %max3A_1055 = arith.maximumf %max3A_1048, %gather3A_1054 : vector<16xf32>
      %xor3A_1056 = arith.constant 2 : i32
      %xor3A_1057 = vector.broadcast %xor3A_1056 : i32 to vector<16xi32>
      %xor3A_1058 = arith.xori %iota3A, %xor3A_1057 : vector<16xi32>
      %reshape3A_1059 = vector.shape_cast %xor3A_1058 : vector<16xi32> to vector<16x1xi32>
      %gather3A_1060 = vector.shape_cast %reshape3A_1059 : vector<16x1xi32> to vector<16xi32>
      %gather3A_1061 = tpu.dynamic_gather %max3A_1055[%gather3A_1060] in [0] : vector<16xf32>, vector<16xi32> -> vector<16xf32>
      %max3A_1062 = arith.maximumf %max3A_1055, %gather3A_1061 : vector<16xf32>
      %xor3A_1063 = arith.constant 1 : i32
      %xor3A_1064 = vector.broadcast %xor3A_1063 : i32 to vector<16xi32>
      %xor3A_1065 = arith.xori %iota3A, %xor3A_1064 : vector<16xi32>
      %reshape3A_1066 = vector.shape_cast %xor3A_1065 : vector<16xi32> to vector<16x1xi32>
      %gather3A_1067 = vector.shape_cast %reshape3A_1066 : vector<16x1xi32> to vector<16xi32>
      %gather3A_1068 = tpu.dynamic_gather %max3A_1062[%gather3A_1067] in [0] : vector<16xf32>, vector<16xi32> -> vector<16xf32>
      %max3A_1069 = arith.maximumf %max3A_1062, %gather3A_1068 : vector<16xf32>
      %eq3A_1070 = arith.cmpf oeq, %select_n3A_1040, %max3A_1069 : vector<16xf32>
      %jit3A_1071 = arith.constant 1073741824 : i32
      %broadcast_in_dim3A_1072 = vector.broadcast %jit3A_1071 : i32 to vector<16xi32>
      %select_n3A_1073 = arith.select %eq3A_1070, %select_n3A_1041, %broadcast_in_dim3A_1072 : vector<16xi1>, vector<16xi32>
      %xor3A_1074 = arith.constant 8 : i32
      %xor3A_1075 = vector.broadcast %xor3A_1074 : i32 to vector<16xi32>
      %xor3A_1076 = arith.xori %iota3A, %xor3A_1075 : vector<16xi32>
      %reshape3A_1077 = vector.shape_cast %xor3A_1076 : vector<16xi32> to vector<16x1xi32>
      %gather3A_1078 = vector.shape_cast %reshape3A_1077 : vector<16x1xi32> to vector<16xi32>
      %gather3A_1079 = tpu.dynamic_gather %select_n3A_1073[%gather3A_1078] in [0] : vector<16xi32>, vector<16xi32> -> vector<16xi32>
      %min3A_1080 = arith.minsi %select_n3A_1073, %gather3A_1079 : vector<16xi32>
      %xor3A_1081 = arith.constant 4 : i32
      %xor3A_1082 = vector.broadcast %xor3A_1081 : i32 to vector<16xi32>
      %xor3A_1083 = arith.xori %iota3A, %xor3A_1082 : vector<16xi32>
      %reshape3A_1084 = vector.shape_cast %xor3A_1083 : vector<16xi32> to vector<16x1xi32>
      %gather3A_1085 = vector.shape_cast %reshape3A_1084 : vector<16x1xi32> to vector<16xi32>
      %gather3A_1086 = tpu.dynamic_gather %min3A_1080[%gather3A_1085] in [0] : vector<16xi32>, vector<16xi32> -> vector<16xi32>
      %min3A_1087 = arith.minsi %min3A_1080, %gather3A_1086 : vector<16xi32>
      %xor3A_1088 = arith.constant 2 : i32
      %xor3A_1089 = vector.broadcast %xor3A_1088 : i32 to vector<16xi32>
      %xor3A_1090 = arith.xori %iota3A, %xor3A_1089 : vector<16xi32>
      %reshape3A_1091 = vector.shape_cast %xor3A_1090 : vector<16xi32> to vector<16x1xi32>
      %gather3A_1092 = vector.shape_cast %reshape3A_1091 : vector<16x1xi32> to vector<16xi32>
      %gather3A_1093 = tpu.dynamic_gather %min3A_1087[%gather3A_1092] in [0] : vector<16xi32>, vector<16xi32> -> vector<16xi32>
      %min3A_1094 = arith.minsi %min3A_1087, %gather3A_1093 : vector<16xi32>
      %xor3A_1095 = arith.constant 1 : i32
      %xor3A_1096 = vector.broadcast %xor3A_1095 : i32 to vector<16xi32>
      %xor3A_1097 = arith.xori %iota3A, %xor3A_1096 : vector<16xi32>
      %reshape3A_1098 = vector.shape_cast %xor3A_1097 : vector<16xi32> to vector<16x1xi32>
      %gather3A_1099 = vector.shape_cast %reshape3A_1098 : vector<16x1xi32> to vector<16xi32>
      %gather3A_1100 = tpu.dynamic_gather %min3A_1094[%gather3A_1099] in [0] : vector<16xi32>, vector<16xi32> -> vector<16xi32>
      %min3A_1101 = arith.minsi %min3A_1094, %gather3A_1100 : vector<16xi32>
      %eq3A_1102 = arith.constant 5 : i32
      %eq3A_1103 = vector.broadcast %eq3A_1102 : i32 to vector<16xi32>
      %eq3A_1104 = arith.cmpi eq, %iota3A, %eq3A_1103 : vector<16xi32>
      %select_n3A_1105 = arith.select %eq3A_1104, %min3A_1101, %select_n3A_925 : vector<16xi1>, vector<16xi32>
      %eq3A_1106 = arith.cmpi eq, %add3A_52, %min3A_1101 : vector<16xi32>
      %jit3A_1107 = arith.constant -3.000000e+38 : f32
      %broadcast_in_dim3A_1108 = vector.broadcast %jit3A_1107 : f32 to vector<16xf32>
      %select_n3A_1109 = arith.select %eq3A_1106, %broadcast_in_dim3A_1108, %select_n3A_929 : vector<16xi1>, vector<16xf32>
      %eq3A_1110 = arith.cmpi eq, %add3A_55, %min3A_1101 : vector<16xi32>
      %jit3A_1111 = arith.constant -3.000000e+38 : f32
      %broadcast_in_dim3A_1112 = vector.broadcast %jit3A_1111 : f32 to vector<16xf32>
      %select_n3A_1113 = arith.select %eq3A_1110, %broadcast_in_dim3A_1112, %select_n3A_933 : vector<16xi1>, vector<16xf32>
      %eq3A_1114 = arith.cmpi eq, %add3A_58, %min3A_1101 : vector<16xi32>
      %jit3A_1115 = arith.constant -3.000000e+38 : f32
      %broadcast_in_dim3A_1116 = vector.broadcast %jit3A_1115 : f32 to vector<16xf32>
      %select_n3A_1117 = arith.select %eq3A_1114, %broadcast_in_dim3A_1116, %select_n3A_937 : vector<16xi1>, vector<16xf32>
      %eq3A_1118 = arith.cmpi eq, %add3A_61, %min3A_1101 : vector<16xi32>
      %jit3A_1119 = arith.constant -3.000000e+38 : f32
      %broadcast_in_dim3A_1120 = vector.broadcast %jit3A_1119 : f32 to vector<16xf32>
      %select_n3A_1121 = arith.select %eq3A_1118, %broadcast_in_dim3A_1120, %select_n3A_941 : vector<16xi1>, vector<16xf32>
      %eq3A_1122 = arith.cmpi eq, %add3A_64, %min3A_1101 : vector<16xi32>
      %jit3A_1123 = arith.constant -3.000000e+38 : f32
      %broadcast_in_dim3A_1124 = vector.broadcast %jit3A_1123 : f32 to vector<16xf32>
      %select_n3A_1125 = arith.select %eq3A_1122, %broadcast_in_dim3A_1124, %select_n3A_945 : vector<16xi1>, vector<16xf32>
      %eq3A_1126 = arith.cmpi eq, %add3A_67, %min3A_1101 : vector<16xi32>
      %jit3A_1127 = arith.constant -3.000000e+38 : f32
      %broadcast_in_dim3A_1128 = vector.broadcast %jit3A_1127 : f32 to vector<16xf32>
      %select_n3A_1129 = arith.select %eq3A_1126, %broadcast_in_dim3A_1128, %select_n3A_949 : vector<16xi1>, vector<16xf32>
      %eq3A_1130 = arith.cmpi eq, %add3A_70, %min3A_1101 : vector<16xi32>
      %jit3A_1131 = arith.constant -3.000000e+38 : f32
      %broadcast_in_dim3A_1132 = vector.broadcast %jit3A_1131 : f32 to vector<16xf32>
      %select_n3A_1133 = arith.select %eq3A_1130, %broadcast_in_dim3A_1132, %select_n3A_953 : vector<16xi1>, vector<16xf32>
      %eq3A_1134 = arith.cmpi eq, %add3A_73, %min3A_1101 : vector<16xi32>
      %jit3A_1135 = arith.constant -3.000000e+38 : f32
      %broadcast_in_dim3A_1136 = vector.broadcast %jit3A_1135 : f32 to vector<16xf32>
      %select_n3A_1137 = arith.select %eq3A_1134, %broadcast_in_dim3A_1136, %select_n3A_957 : vector<16xi1>, vector<16xf32>
      %eq3A_1138 = arith.cmpi eq, %add3A_76, %min3A_1101 : vector<16xi32>
      %jit3A_1139 = arith.constant -3.000000e+38 : f32
      %broadcast_in_dim3A_1140 = vector.broadcast %jit3A_1139 : f32 to vector<16xf32>
      %select_n3A_1141 = arith.select %eq3A_1138, %broadcast_in_dim3A_1140, %select_n3A_961 : vector<16xi1>, vector<16xf32>
      %eq3A_1142 = arith.cmpi eq, %add3A_79, %min3A_1101 : vector<16xi32>
      %jit3A_1143 = arith.constant -3.000000e+38 : f32
      %broadcast_in_dim3A_1144 = vector.broadcast %jit3A_1143 : f32 to vector<16xf32>
      %select_n3A_1145 = arith.select %eq3A_1142, %broadcast_in_dim3A_1144, %select_n3A_965 : vector<16xi1>, vector<16xf32>
      %eq3A_1146 = arith.cmpi eq, %add3A_82, %min3A_1101 : vector<16xi32>
      %jit3A_1147 = arith.constant -3.000000e+38 : f32
      %broadcast_in_dim3A_1148 = vector.broadcast %jit3A_1147 : f32 to vector<16xf32>
      %select_n3A_1149 = arith.select %eq3A_1146, %broadcast_in_dim3A_1148, %select_n3A_969 : vector<16xi1>, vector<16xf32>
      %eq3A_1150 = arith.cmpi eq, %add3A_85, %min3A_1101 : vector<16xi32>
      %jit3A_1151 = arith.constant -3.000000e+38 : f32
      %broadcast_in_dim3A_1152 = vector.broadcast %jit3A_1151 : f32 to vector<16xf32>
      %select_n3A_1153 = arith.select %eq3A_1150, %broadcast_in_dim3A_1152, %select_n3A_973 : vector<16xi1>, vector<16xf32>
      %eq3A_1154 = arith.cmpi eq, %add3A_88, %min3A_1101 : vector<16xi32>
      %jit3A_1155 = arith.constant -3.000000e+38 : f32
      %broadcast_in_dim3A_1156 = vector.broadcast %jit3A_1155 : f32 to vector<16xf32>
      %select_n3A_1157 = arith.select %eq3A_1154, %broadcast_in_dim3A_1156, %select_n3A_977 : vector<16xi1>, vector<16xf32>
      %eq3A_1158 = arith.cmpi eq, %add3A_91, %min3A_1101 : vector<16xi32>
      %jit3A_1159 = arith.constant -3.000000e+38 : f32
      %broadcast_in_dim3A_1160 = vector.broadcast %jit3A_1159 : f32 to vector<16xf32>
      %select_n3A_1161 = arith.select %eq3A_1158, %broadcast_in_dim3A_1160, %select_n3A_981 : vector<16xi1>, vector<16xf32>
      %eq3A_1162 = arith.cmpi eq, %add3A_94, %min3A_1101 : vector<16xi32>
      %jit3A_1163 = arith.constant -3.000000e+38 : f32
      %broadcast_in_dim3A_1164 = vector.broadcast %jit3A_1163 : f32 to vector<16xf32>
      %select_n3A_1165 = arith.select %eq3A_1162, %broadcast_in_dim3A_1164, %select_n3A_985 : vector<16xi1>, vector<16xf32>
      %eq3A_1166 = arith.cmpi eq, %add3A_97, %min3A_1101 : vector<16xi32>
      %jit3A_1167 = arith.constant -3.000000e+38 : f32
      %broadcast_in_dim3A_1168 = vector.broadcast %jit3A_1167 : f32 to vector<16xf32>
      %select_n3A_1169 = arith.select %eq3A_1166, %broadcast_in_dim3A_1168, %select_n3A_989 : vector<16xi1>, vector<16xf32>
      %broadcast_in_dim3A_1170 = arith.constant -3.000000e+38 : f32
      %broadcast_in_dim3A_1171 = vector.broadcast %broadcast_in_dim3A_1170 : f32 to vector<16xf32>
      %broadcast_in_dim3A_1172 = arith.constant 0 : i32
      %broadcast_in_dim3A_1173 = vector.broadcast %broadcast_in_dim3A_1172 : i32 to vector<16xi32>
      %gt3A_1174 = arith.cmpf ogt, %select_n3A_1109, %broadcast_in_dim3A_1171 : vector<16xf32>
      %select_n3A_1175 = arith.select %gt3A_1174, %select_n3A_1109, %broadcast_in_dim3A_1171 : vector<16xi1>, vector<16xf32>
      %select_n3A_1176 = arith.select %gt3A_1174, %add3A_52, %broadcast_in_dim3A_1173 : vector<16xi1>, vector<16xi32>
      %gt3A_1177 = arith.cmpf ogt, %select_n3A_1113, %select_n3A_1175 : vector<16xf32>
      %select_n3A_1178 = arith.select %gt3A_1177, %select_n3A_1113, %select_n3A_1175 : vector<16xi1>, vector<16xf32>
      %select_n3A_1179 = arith.select %gt3A_1177, %add3A_55, %select_n3A_1176 : vector<16xi1>, vector<16xi32>
      %gt3A_1180 = arith.cmpf ogt, %select_n3A_1117, %select_n3A_1178 : vector<16xf32>
      %select_n3A_1181 = arith.select %gt3A_1180, %select_n3A_1117, %select_n3A_1178 : vector<16xi1>, vector<16xf32>
      %select_n3A_1182 = arith.select %gt3A_1180, %add3A_58, %select_n3A_1179 : vector<16xi1>, vector<16xi32>
      %gt3A_1183 = arith.cmpf ogt, %select_n3A_1121, %select_n3A_1181 : vector<16xf32>
      %select_n3A_1184 = arith.select %gt3A_1183, %select_n3A_1121, %select_n3A_1181 : vector<16xi1>, vector<16xf32>
      %select_n3A_1185 = arith.select %gt3A_1183, %add3A_61, %select_n3A_1182 : vector<16xi1>, vector<16xi32>
      %gt3A_1186 = arith.cmpf ogt, %select_n3A_1125, %select_n3A_1184 : vector<16xf32>
      %select_n3A_1187 = arith.select %gt3A_1186, %select_n3A_1125, %select_n3A_1184 : vector<16xi1>, vector<16xf32>
      %select_n3A_1188 = arith.select %gt3A_1186, %add3A_64, %select_n3A_1185 : vector<16xi1>, vector<16xi32>
      %gt3A_1189 = arith.cmpf ogt, %select_n3A_1129, %select_n3A_1187 : vector<16xf32>
      %select_n3A_1190 = arith.select %gt3A_1189, %select_n3A_1129, %select_n3A_1187 : vector<16xi1>, vector<16xf32>
      %select_n3A_1191 = arith.select %gt3A_1189, %add3A_67, %select_n3A_1188 : vector<16xi1>, vector<16xi32>
      %gt3A_1192 = arith.cmpf ogt, %select_n3A_1133, %select_n3A_1190 : vector<16xf32>
      %select_n3A_1193 = arith.select %gt3A_1192, %select_n3A_1133, %select_n3A_1190 : vector<16xi1>, vector<16xf32>
      %select_n3A_1194 = arith.select %gt3A_1192, %add3A_70, %select_n3A_1191 : vector<16xi1>, vector<16xi32>
      %gt3A_1195 = arith.cmpf ogt, %select_n3A_1137, %select_n3A_1193 : vector<16xf32>
      %select_n3A_1196 = arith.select %gt3A_1195, %select_n3A_1137, %select_n3A_1193 : vector<16xi1>, vector<16xf32>
      %select_n3A_1197 = arith.select %gt3A_1195, %add3A_73, %select_n3A_1194 : vector<16xi1>, vector<16xi32>
      %gt3A_1198 = arith.cmpf ogt, %select_n3A_1141, %select_n3A_1196 : vector<16xf32>
      %select_n3A_1199 = arith.select %gt3A_1198, %select_n3A_1141, %select_n3A_1196 : vector<16xi1>, vector<16xf32>
      %select_n3A_1200 = arith.select %gt3A_1198, %add3A_76, %select_n3A_1197 : vector<16xi1>, vector<16xi32>
      %gt3A_1201 = arith.cmpf ogt, %select_n3A_1145, %select_n3A_1199 : vector<16xf32>
      %select_n3A_1202 = arith.select %gt3A_1201, %select_n3A_1145, %select_n3A_1199 : vector<16xi1>, vector<16xf32>
      %select_n3A_1203 = arith.select %gt3A_1201, %add3A_79, %select_n3A_1200 : vector<16xi1>, vector<16xi32>
      %gt3A_1204 = arith.cmpf ogt, %select_n3A_1149, %select_n3A_1202 : vector<16xf32>
      %select_n3A_1205 = arith.select %gt3A_1204, %select_n3A_1149, %select_n3A_1202 : vector<16xi1>, vector<16xf32>
      %select_n3A_1206 = arith.select %gt3A_1204, %add3A_82, %select_n3A_1203 : vector<16xi1>, vector<16xi32>
      %gt3A_1207 = arith.cmpf ogt, %select_n3A_1153, %select_n3A_1205 : vector<16xf32>
      %select_n3A_1208 = arith.select %gt3A_1207, %select_n3A_1153, %select_n3A_1205 : vector<16xi1>, vector<16xf32>
      %select_n3A_1209 = arith.select %gt3A_1207, %add3A_85, %select_n3A_1206 : vector<16xi1>, vector<16xi32>
      %gt3A_1210 = arith.cmpf ogt, %select_n3A_1157, %select_n3A_1208 : vector<16xf32>
      %select_n3A_1211 = arith.select %gt3A_1210, %select_n3A_1157, %select_n3A_1208 : vector<16xi1>, vector<16xf32>
      %select_n3A_1212 = arith.select %gt3A_1210, %add3A_88, %select_n3A_1209 : vector<16xi1>, vector<16xi32>
      %gt3A_1213 = arith.cmpf ogt, %select_n3A_1161, %select_n3A_1211 : vector<16xf32>
      %select_n3A_1214 = arith.select %gt3A_1213, %select_n3A_1161, %select_n3A_1211 : vector<16xi1>, vector<16xf32>
      %select_n3A_1215 = arith.select %gt3A_1213, %add3A_91, %select_n3A_1212 : vector<16xi1>, vector<16xi32>
      %gt3A_1216 = arith.cmpf ogt, %select_n3A_1165, %select_n3A_1214 : vector<16xf32>
      %select_n3A_1217 = arith.select %gt3A_1216, %select_n3A_1165, %select_n3A_1214 : vector<16xi1>, vector<16xf32>
      %select_n3A_1218 = arith.select %gt3A_1216, %add3A_94, %select_n3A_1215 : vector<16xi1>, vector<16xi32>
      %gt3A_1219 = arith.cmpf ogt, %select_n3A_1169, %select_n3A_1217 : vector<16xf32>
      %select_n3A_1220 = arith.select %gt3A_1219, %select_n3A_1169, %select_n3A_1217 : vector<16xi1>, vector<16xf32>
      %select_n3A_1221 = arith.select %gt3A_1219, %add3A_97, %select_n3A_1218 : vector<16xi1>, vector<16xi32>
      %xor3A_1222 = arith.constant 8 : i32
      %xor3A_1223 = vector.broadcast %xor3A_1222 : i32 to vector<16xi32>
      %xor3A_1224 = arith.xori %iota3A, %xor3A_1223 : vector<16xi32>
      %reshape3A_1225 = vector.shape_cast %xor3A_1224 : vector<16xi32> to vector<16x1xi32>
      %gather3A_1226 = vector.shape_cast %reshape3A_1225 : vector<16x1xi32> to vector<16xi32>
      %gather3A_1227 = tpu.dynamic_gather %select_n3A_1220[%gather3A_1226] in [0] : vector<16xf32>, vector<16xi32> -> vector<16xf32>
      %max3A_1228 = arith.maximumf %select_n3A_1220, %gather3A_1227 : vector<16xf32>
      %xor3A_1229 = arith.constant 4 : i32
      %xor3A_1230 = vector.broadcast %xor3A_1229 : i32 to vector<16xi32>
      %xor3A_1231 = arith.xori %iota3A, %xor3A_1230 : vector<16xi32>
      %reshape3A_1232 = vector.shape_cast %xor3A_1231 : vector<16xi32> to vector<16x1xi32>
      %gather3A_1233 = vector.shape_cast %reshape3A_1232 : vector<16x1xi32> to vector<16xi32>
      %gather3A_1234 = tpu.dynamic_gather %max3A_1228[%gather3A_1233] in [0] : vector<16xf32>, vector<16xi32> -> vector<16xf32>
      %max3A_1235 = arith.maximumf %max3A_1228, %gather3A_1234 : vector<16xf32>
      %xor3A_1236 = arith.constant 2 : i32
      %xor3A_1237 = vector.broadcast %xor3A_1236 : i32 to vector<16xi32>
      %xor3A_1238 = arith.xori %iota3A, %xor3A_1237 : vector<16xi32>
      %reshape3A_1239 = vector.shape_cast %xor3A_1238 : vector<16xi32> to vector<16x1xi32>
      %gather3A_1240 = vector.shape_cast %reshape3A_1239 : vector<16x1xi32> to vector<16xi32>
      %gather3A_1241 = tpu.dynamic_gather %max3A_1235[%gather3A_1240] in [0] : vector<16xf32>, vector<16xi32> -> vector<16xf32>
      %max3A_1242 = arith.maximumf %max3A_1235, %gather3A_1241 : vector<16xf32>
      %xor3A_1243 = arith.constant 1 : i32
      %xor3A_1244 = vector.broadcast %xor3A_1243 : i32 to vector<16xi32>
      %xor3A_1245 = arith.xori %iota3A, %xor3A_1244 : vector<16xi32>
      %reshape3A_1246 = vector.shape_cast %xor3A_1245 : vector<16xi32> to vector<16x1xi32>
      %gather3A_1247 = vector.shape_cast %reshape3A_1246 : vector<16x1xi32> to vector<16xi32>
      %gather3A_1248 = tpu.dynamic_gather %max3A_1242[%gather3A_1247] in [0] : vector<16xf32>, vector<16xi32> -> vector<16xf32>
      %max3A_1249 = arith.maximumf %max3A_1242, %gather3A_1248 : vector<16xf32>
      %eq3A_1250 = arith.cmpf oeq, %select_n3A_1220, %max3A_1249 : vector<16xf32>
      %jit3A_1251 = arith.constant 1073741824 : i32
      %broadcast_in_dim3A_1252 = vector.broadcast %jit3A_1251 : i32 to vector<16xi32>
      %select_n3A_1253 = arith.select %eq3A_1250, %select_n3A_1221, %broadcast_in_dim3A_1252 : vector<16xi1>, vector<16xi32>
      %xor3A_1254 = arith.constant 8 : i32
      %xor3A_1255 = vector.broadcast %xor3A_1254 : i32 to vector<16xi32>
      %xor3A_1256 = arith.xori %iota3A, %xor3A_1255 : vector<16xi32>
      %reshape3A_1257 = vector.shape_cast %xor3A_1256 : vector<16xi32> to vector<16x1xi32>
      %gather3A_1258 = vector.shape_cast %reshape3A_1257 : vector<16x1xi32> to vector<16xi32>
      %gather3A_1259 = tpu.dynamic_gather %select_n3A_1253[%gather3A_1258] in [0] : vector<16xi32>, vector<16xi32> -> vector<16xi32>
      %min3A_1260 = arith.minsi %select_n3A_1253, %gather3A_1259 : vector<16xi32>
      %xor3A_1261 = arith.constant 4 : i32
      %xor3A_1262 = vector.broadcast %xor3A_1261 : i32 to vector<16xi32>
      %xor3A_1263 = arith.xori %iota3A, %xor3A_1262 : vector<16xi32>
      %reshape3A_1264 = vector.shape_cast %xor3A_1263 : vector<16xi32> to vector<16x1xi32>
      %gather3A_1265 = vector.shape_cast %reshape3A_1264 : vector<16x1xi32> to vector<16xi32>
      %gather3A_1266 = tpu.dynamic_gather %min3A_1260[%gather3A_1265] in [0] : vector<16xi32>, vector<16xi32> -> vector<16xi32>
      %min3A_1267 = arith.minsi %min3A_1260, %gather3A_1266 : vector<16xi32>
      %xor3A_1268 = arith.constant 2 : i32
      %xor3A_1269 = vector.broadcast %xor3A_1268 : i32 to vector<16xi32>
      %xor3A_1270 = arith.xori %iota3A, %xor3A_1269 : vector<16xi32>
      %reshape3A_1271 = vector.shape_cast %xor3A_1270 : vector<16xi32> to vector<16x1xi32>
      %gather3A_1272 = vector.shape_cast %reshape3A_1271 : vector<16x1xi32> to vector<16xi32>
      %gather3A_1273 = tpu.dynamic_gather %min3A_1267[%gather3A_1272] in [0] : vector<16xi32>, vector<16xi32> -> vector<16xi32>
      %min3A_1274 = arith.minsi %min3A_1267, %gather3A_1273 : vector<16xi32>
      %xor3A_1275 = arith.constant 1 : i32
      %xor3A_1276 = vector.broadcast %xor3A_1275 : i32 to vector<16xi32>
      %xor3A_1277 = arith.xori %iota3A, %xor3A_1276 : vector<16xi32>
      %reshape3A_1278 = vector.shape_cast %xor3A_1277 : vector<16xi32> to vector<16x1xi32>
      %gather3A_1279 = vector.shape_cast %reshape3A_1278 : vector<16x1xi32> to vector<16xi32>
      %gather3A_1280 = tpu.dynamic_gather %min3A_1274[%gather3A_1279] in [0] : vector<16xi32>, vector<16xi32> -> vector<16xi32>
      %min3A_1281 = arith.minsi %min3A_1274, %gather3A_1280 : vector<16xi32>
      %eq3A_1282 = arith.constant 6 : i32
      %eq3A_1283 = vector.broadcast %eq3A_1282 : i32 to vector<16xi32>
      %eq3A_1284 = arith.cmpi eq, %iota3A, %eq3A_1283 : vector<16xi32>
      %select_n3A_1285 = arith.select %eq3A_1284, %min3A_1281, %select_n3A_1105 : vector<16xi1>, vector<16xi32>
      %eq3A_1286 = arith.cmpi eq, %add3A_52, %min3A_1281 : vector<16xi32>
      %jit3A_1287 = arith.constant -3.000000e+38 : f32
      %broadcast_in_dim3A_1288 = vector.broadcast %jit3A_1287 : f32 to vector<16xf32>
      %select_n3A_1289 = arith.select %eq3A_1286, %broadcast_in_dim3A_1288, %select_n3A_1109 : vector<16xi1>, vector<16xf32>
      %eq3A_1290 = arith.cmpi eq, %add3A_55, %min3A_1281 : vector<16xi32>
      %jit3A_1291 = arith.constant -3.000000e+38 : f32
      %broadcast_in_dim3A_1292 = vector.broadcast %jit3A_1291 : f32 to vector<16xf32>
      %select_n3A_1293 = arith.select %eq3A_1290, %broadcast_in_dim3A_1292, %select_n3A_1113 : vector<16xi1>, vector<16xf32>
      %eq3A_1294 = arith.cmpi eq, %add3A_58, %min3A_1281 : vector<16xi32>
      %jit3A_1295 = arith.constant -3.000000e+38 : f32
      %broadcast_in_dim3A_1296 = vector.broadcast %jit3A_1295 : f32 to vector<16xf32>
      %select_n3A_1297 = arith.select %eq3A_1294, %broadcast_in_dim3A_1296, %select_n3A_1117 : vector<16xi1>, vector<16xf32>
      %eq3A_1298 = arith.cmpi eq, %add3A_61, %min3A_1281 : vector<16xi32>
      %jit3A_1299 = arith.constant -3.000000e+38 : f32
      %broadcast_in_dim3A_1300 = vector.broadcast %jit3A_1299 : f32 to vector<16xf32>
      %select_n3A_1301 = arith.select %eq3A_1298, %broadcast_in_dim3A_1300, %select_n3A_1121 : vector<16xi1>, vector<16xf32>
      %eq3A_1302 = arith.cmpi eq, %add3A_64, %min3A_1281 : vector<16xi32>
      %jit3A_1303 = arith.constant -3.000000e+38 : f32
      %broadcast_in_dim3A_1304 = vector.broadcast %jit3A_1303 : f32 to vector<16xf32>
      %select_n3A_1305 = arith.select %eq3A_1302, %broadcast_in_dim3A_1304, %select_n3A_1125 : vector<16xi1>, vector<16xf32>
      %eq3A_1306 = arith.cmpi eq, %add3A_67, %min3A_1281 : vector<16xi32>
      %jit3A_1307 = arith.constant -3.000000e+38 : f32
      %broadcast_in_dim3A_1308 = vector.broadcast %jit3A_1307 : f32 to vector<16xf32>
      %select_n3A_1309 = arith.select %eq3A_1306, %broadcast_in_dim3A_1308, %select_n3A_1129 : vector<16xi1>, vector<16xf32>
      %eq3A_1310 = arith.cmpi eq, %add3A_70, %min3A_1281 : vector<16xi32>
      %jit3A_1311 = arith.constant -3.000000e+38 : f32
      %broadcast_in_dim3A_1312 = vector.broadcast %jit3A_1311 : f32 to vector<16xf32>
      %select_n3A_1313 = arith.select %eq3A_1310, %broadcast_in_dim3A_1312, %select_n3A_1133 : vector<16xi1>, vector<16xf32>
      %eq3A_1314 = arith.cmpi eq, %add3A_73, %min3A_1281 : vector<16xi32>
      %jit3A_1315 = arith.constant -3.000000e+38 : f32
      %broadcast_in_dim3A_1316 = vector.broadcast %jit3A_1315 : f32 to vector<16xf32>
      %select_n3A_1317 = arith.select %eq3A_1314, %broadcast_in_dim3A_1316, %select_n3A_1137 : vector<16xi1>, vector<16xf32>
      %eq3A_1318 = arith.cmpi eq, %add3A_76, %min3A_1281 : vector<16xi32>
      %jit3A_1319 = arith.constant -3.000000e+38 : f32
      %broadcast_in_dim3A_1320 = vector.broadcast %jit3A_1319 : f32 to vector<16xf32>
      %select_n3A_1321 = arith.select %eq3A_1318, %broadcast_in_dim3A_1320, %select_n3A_1141 : vector<16xi1>, vector<16xf32>
      %eq3A_1322 = arith.cmpi eq, %add3A_79, %min3A_1281 : vector<16xi32>
      %jit3A_1323 = arith.constant -3.000000e+38 : f32
      %broadcast_in_dim3A_1324 = vector.broadcast %jit3A_1323 : f32 to vector<16xf32>
      %select_n3A_1325 = arith.select %eq3A_1322, %broadcast_in_dim3A_1324, %select_n3A_1145 : vector<16xi1>, vector<16xf32>
      %eq3A_1326 = arith.cmpi eq, %add3A_82, %min3A_1281 : vector<16xi32>
      %jit3A_1327 = arith.constant -3.000000e+38 : f32
      %broadcast_in_dim3A_1328 = vector.broadcast %jit3A_1327 : f32 to vector<16xf32>
      %select_n3A_1329 = arith.select %eq3A_1326, %broadcast_in_dim3A_1328, %select_n3A_1149 : vector<16xi1>, vector<16xf32>
      %eq3A_1330 = arith.cmpi eq, %add3A_85, %min3A_1281 : vector<16xi32>
      %jit3A_1331 = arith.constant -3.000000e+38 : f32
      %broadcast_in_dim3A_1332 = vector.broadcast %jit3A_1331 : f32 to vector<16xf32>
      %select_n3A_1333 = arith.select %eq3A_1330, %broadcast_in_dim3A_1332, %select_n3A_1153 : vector<16xi1>, vector<16xf32>
      %eq3A_1334 = arith.cmpi eq, %add3A_88, %min3A_1281 : vector<16xi32>
      %jit3A_1335 = arith.constant -3.000000e+38 : f32
      %broadcast_in_dim3A_1336 = vector.broadcast %jit3A_1335 : f32 to vector<16xf32>
      %select_n3A_1337 = arith.select %eq3A_1334, %broadcast_in_dim3A_1336, %select_n3A_1157 : vector<16xi1>, vector<16xf32>
      %eq3A_1338 = arith.cmpi eq, %add3A_91, %min3A_1281 : vector<16xi32>
      %jit3A_1339 = arith.constant -3.000000e+38 : f32
      %broadcast_in_dim3A_1340 = vector.broadcast %jit3A_1339 : f32 to vector<16xf32>
      %select_n3A_1341 = arith.select %eq3A_1338, %broadcast_in_dim3A_1340, %select_n3A_1161 : vector<16xi1>, vector<16xf32>
      %eq3A_1342 = arith.cmpi eq, %add3A_94, %min3A_1281 : vector<16xi32>
      %jit3A_1343 = arith.constant -3.000000e+38 : f32
      %broadcast_in_dim3A_1344 = vector.broadcast %jit3A_1343 : f32 to vector<16xf32>
      %select_n3A_1345 = arith.select %eq3A_1342, %broadcast_in_dim3A_1344, %select_n3A_1165 : vector<16xi1>, vector<16xf32>
      %eq3A_1346 = arith.cmpi eq, %add3A_97, %min3A_1281 : vector<16xi32>
      %jit3A_1347 = arith.constant -3.000000e+38 : f32
      %broadcast_in_dim3A_1348 = vector.broadcast %jit3A_1347 : f32 to vector<16xf32>
      %select_n3A_1349 = arith.select %eq3A_1346, %broadcast_in_dim3A_1348, %select_n3A_1169 : vector<16xi1>, vector<16xf32>
      %broadcast_in_dim3A_1350 = arith.constant -3.000000e+38 : f32
      %broadcast_in_dim3A_1351 = vector.broadcast %broadcast_in_dim3A_1350 : f32 to vector<16xf32>
      %broadcast_in_dim3A_1352 = arith.constant 0 : i32
      %broadcast_in_dim3A_1353 = vector.broadcast %broadcast_in_dim3A_1352 : i32 to vector<16xi32>
      %gt3A_1354 = arith.cmpf ogt, %select_n3A_1289, %broadcast_in_dim3A_1351 : vector<16xf32>
      %select_n3A_1355 = arith.select %gt3A_1354, %select_n3A_1289, %broadcast_in_dim3A_1351 : vector<16xi1>, vector<16xf32>
      %select_n3A_1356 = arith.select %gt3A_1354, %add3A_52, %broadcast_in_dim3A_1353 : vector<16xi1>, vector<16xi32>
      %gt3A_1357 = arith.cmpf ogt, %select_n3A_1293, %select_n3A_1355 : vector<16xf32>
      %select_n3A_1358 = arith.select %gt3A_1357, %select_n3A_1293, %select_n3A_1355 : vector<16xi1>, vector<16xf32>
      %select_n3A_1359 = arith.select %gt3A_1357, %add3A_55, %select_n3A_1356 : vector<16xi1>, vector<16xi32>
      %gt3A_1360 = arith.cmpf ogt, %select_n3A_1297, %select_n3A_1358 : vector<16xf32>
      %select_n3A_1361 = arith.select %gt3A_1360, %select_n3A_1297, %select_n3A_1358 : vector<16xi1>, vector<16xf32>
      %select_n3A_1362 = arith.select %gt3A_1360, %add3A_58, %select_n3A_1359 : vector<16xi1>, vector<16xi32>
      %gt3A_1363 = arith.cmpf ogt, %select_n3A_1301, %select_n3A_1361 : vector<16xf32>
      %select_n3A_1364 = arith.select %gt3A_1363, %select_n3A_1301, %select_n3A_1361 : vector<16xi1>, vector<16xf32>
      %select_n3A_1365 = arith.select %gt3A_1363, %add3A_61, %select_n3A_1362 : vector<16xi1>, vector<16xi32>
      %gt3A_1366 = arith.cmpf ogt, %select_n3A_1305, %select_n3A_1364 : vector<16xf32>
      %select_n3A_1367 = arith.select %gt3A_1366, %select_n3A_1305, %select_n3A_1364 : vector<16xi1>, vector<16xf32>
      %select_n3A_1368 = arith.select %gt3A_1366, %add3A_64, %select_n3A_1365 : vector<16xi1>, vector<16xi32>
      %gt3A_1369 = arith.cmpf ogt, %select_n3A_1309, %select_n3A_1367 : vector<16xf32>
      %select_n3A_1370 = arith.select %gt3A_1369, %select_n3A_1309, %select_n3A_1367 : vector<16xi1>, vector<16xf32>
      %select_n3A_1371 = arith.select %gt3A_1369, %add3A_67, %select_n3A_1368 : vector<16xi1>, vector<16xi32>
      %gt3A_1372 = arith.cmpf ogt, %select_n3A_1313, %select_n3A_1370 : vector<16xf32>
      %select_n3A_1373 = arith.select %gt3A_1372, %select_n3A_1313, %select_n3A_1370 : vector<16xi1>, vector<16xf32>
      %select_n3A_1374 = arith.select %gt3A_1372, %add3A_70, %select_n3A_1371 : vector<16xi1>, vector<16xi32>
      %gt3A_1375 = arith.cmpf ogt, %select_n3A_1317, %select_n3A_1373 : vector<16xf32>
      %select_n3A_1376 = arith.select %gt3A_1375, %select_n3A_1317, %select_n3A_1373 : vector<16xi1>, vector<16xf32>
      %select_n3A_1377 = arith.select %gt3A_1375, %add3A_73, %select_n3A_1374 : vector<16xi1>, vector<16xi32>
      %gt3A_1378 = arith.cmpf ogt, %select_n3A_1321, %select_n3A_1376 : vector<16xf32>
      %select_n3A_1379 = arith.select %gt3A_1378, %select_n3A_1321, %select_n3A_1376 : vector<16xi1>, vector<16xf32>
      %select_n3A_1380 = arith.select %gt3A_1378, %add3A_76, %select_n3A_1377 : vector<16xi1>, vector<16xi32>
      %gt3A_1381 = arith.cmpf ogt, %select_n3A_1325, %select_n3A_1379 : vector<16xf32>
      %select_n3A_1382 = arith.select %gt3A_1381, %select_n3A_1325, %select_n3A_1379 : vector<16xi1>, vector<16xf32>
      %select_n3A_1383 = arith.select %gt3A_1381, %add3A_79, %select_n3A_1380 : vector<16xi1>, vector<16xi32>
      %gt3A_1384 = arith.cmpf ogt, %select_n3A_1329, %select_n3A_1382 : vector<16xf32>
      %select_n3A_1385 = arith.select %gt3A_1384, %select_n3A_1329, %select_n3A_1382 : vector<16xi1>, vector<16xf32>
      %select_n3A_1386 = arith.select %gt3A_1384, %add3A_82, %select_n3A_1383 : vector<16xi1>, vector<16xi32>
      %gt3A_1387 = arith.cmpf ogt, %select_n3A_1333, %select_n3A_1385 : vector<16xf32>
      %select_n3A_1388 = arith.select %gt3A_1387, %select_n3A_1333, %select_n3A_1385 : vector<16xi1>, vector<16xf32>
      %select_n3A_1389 = arith.select %gt3A_1387, %add3A_85, %select_n3A_1386 : vector<16xi1>, vector<16xi32>
      %gt3A_1390 = arith.cmpf ogt, %select_n3A_1337, %select_n3A_1388 : vector<16xf32>
      %select_n3A_1391 = arith.select %gt3A_1390, %select_n3A_1337, %select_n3A_1388 : vector<16xi1>, vector<16xf32>
      %select_n3A_1392 = arith.select %gt3A_1390, %add3A_88, %select_n3A_1389 : vector<16xi1>, vector<16xi32>
      %gt3A_1393 = arith.cmpf ogt, %select_n3A_1341, %select_n3A_1391 : vector<16xf32>
      %select_n3A_1394 = arith.select %gt3A_1393, %select_n3A_1341, %select_n3A_1391 : vector<16xi1>, vector<16xf32>
      %select_n3A_1395 = arith.select %gt3A_1393, %add3A_91, %select_n3A_1392 : vector<16xi1>, vector<16xi32>
      %gt3A_1396 = arith.cmpf ogt, %select_n3A_1345, %select_n3A_1394 : vector<16xf32>
      %select_n3A_1397 = arith.select %gt3A_1396, %select_n3A_1345, %select_n3A_1394 : vector<16xi1>, vector<16xf32>
      %select_n3A_1398 = arith.select %gt3A_1396, %add3A_94, %select_n3A_1395 : vector<16xi1>, vector<16xi32>
      %gt3A_1399 = arith.cmpf ogt, %select_n3A_1349, %select_n3A_1397 : vector<16xf32>
      %select_n3A_1400 = arith.select %gt3A_1399, %select_n3A_1349, %select_n3A_1397 : vector<16xi1>, vector<16xf32>
      %select_n3A_1401 = arith.select %gt3A_1399, %add3A_97, %select_n3A_1398 : vector<16xi1>, vector<16xi32>
      %xor3A_1402 = arith.constant 8 : i32
      %xor3A_1403 = vector.broadcast %xor3A_1402 : i32 to vector<16xi32>
      %xor3A_1404 = arith.xori %iota3A, %xor3A_1403 : vector<16xi32>
      %reshape3A_1405 = vector.shape_cast %xor3A_1404 : vector<16xi32> to vector<16x1xi32>
      %gather3A_1406 = vector.shape_cast %reshape3A_1405 : vector<16x1xi32> to vector<16xi32>
      %gather3A_1407 = tpu.dynamic_gather %select_n3A_1400[%gather3A_1406] in [0] : vector<16xf32>, vector<16xi32> -> vector<16xf32>
      %max3A_1408 = arith.maximumf %select_n3A_1400, %gather3A_1407 : vector<16xf32>
      %xor3A_1409 = arith.constant 4 : i32
      %xor3A_1410 = vector.broadcast %xor3A_1409 : i32 to vector<16xi32>
      %xor3A_1411 = arith.xori %iota3A, %xor3A_1410 : vector<16xi32>
      %reshape3A_1412 = vector.shape_cast %xor3A_1411 : vector<16xi32> to vector<16x1xi32>
      %gather3A_1413 = vector.shape_cast %reshape3A_1412 : vector<16x1xi32> to vector<16xi32>
      %gather3A_1414 = tpu.dynamic_gather %max3A_1408[%gather3A_1413] in [0] : vector<16xf32>, vector<16xi32> -> vector<16xf32>
      %max3A_1415 = arith.maximumf %max3A_1408, %gather3A_1414 : vector<16xf32>
      %xor3A_1416 = arith.constant 2 : i32
      %xor3A_1417 = vector.broadcast %xor3A_1416 : i32 to vector<16xi32>
      %xor3A_1418 = arith.xori %iota3A, %xor3A_1417 : vector<16xi32>
      %reshape3A_1419 = vector.shape_cast %xor3A_1418 : vector<16xi32> to vector<16x1xi32>
      %gather3A_1420 = vector.shape_cast %reshape3A_1419 : vector<16x1xi32> to vector<16xi32>
      %gather3A_1421 = tpu.dynamic_gather %max3A_1415[%gather3A_1420] in [0] : vector<16xf32>, vector<16xi32> -> vector<16xf32>
      %max3A_1422 = arith.maximumf %max3A_1415, %gather3A_1421 : vector<16xf32>
      %xor3A_1423 = arith.constant 1 : i32
      %xor3A_1424 = vector.broadcast %xor3A_1423 : i32 to vector<16xi32>
      %xor3A_1425 = arith.xori %iota3A, %xor3A_1424 : vector<16xi32>
      %reshape3A_1426 = vector.shape_cast %xor3A_1425 : vector<16xi32> to vector<16x1xi32>
      %gather3A_1427 = vector.shape_cast %reshape3A_1426 : vector<16x1xi32> to vector<16xi32>
      %gather3A_1428 = tpu.dynamic_gather %max3A_1422[%gather3A_1427] in [0] : vector<16xf32>, vector<16xi32> -> vector<16xf32>
      %max3A_1429 = arith.maximumf %max3A_1422, %gather3A_1428 : vector<16xf32>
      %eq3A_1430 = arith.cmpf oeq, %select_n3A_1400, %max3A_1429 : vector<16xf32>
      %jit3A_1431 = arith.constant 1073741824 : i32
      %broadcast_in_dim3A_1432 = vector.broadcast %jit3A_1431 : i32 to vector<16xi32>
      %select_n3A_1433 = arith.select %eq3A_1430, %select_n3A_1401, %broadcast_in_dim3A_1432 : vector<16xi1>, vector<16xi32>
      %xor3A_1434 = arith.constant 8 : i32
      %xor3A_1435 = vector.broadcast %xor3A_1434 : i32 to vector<16xi32>
      %xor3A_1436 = arith.xori %iota3A, %xor3A_1435 : vector<16xi32>
      %reshape3A_1437 = vector.shape_cast %xor3A_1436 : vector<16xi32> to vector<16x1xi32>
      %gather3A_1438 = vector.shape_cast %reshape3A_1437 : vector<16x1xi32> to vector<16xi32>
      %gather3A_1439 = tpu.dynamic_gather %select_n3A_1433[%gather3A_1438] in [0] : vector<16xi32>, vector<16xi32> -> vector<16xi32>
      %min3A_1440 = arith.minsi %select_n3A_1433, %gather3A_1439 : vector<16xi32>
      %xor3A_1441 = arith.constant 4 : i32
      %xor3A_1442 = vector.broadcast %xor3A_1441 : i32 to vector<16xi32>
      %xor3A_1443 = arith.xori %iota3A, %xor3A_1442 : vector<16xi32>
      %reshape3A_1444 = vector.shape_cast %xor3A_1443 : vector<16xi32> to vector<16x1xi32>
      %gather3A_1445 = vector.shape_cast %reshape3A_1444 : vector<16x1xi32> to vector<16xi32>
      %gather3A_1446 = tpu.dynamic_gather %min3A_1440[%gather3A_1445] in [0] : vector<16xi32>, vector<16xi32> -> vector<16xi32>
      %min3A_1447 = arith.minsi %min3A_1440, %gather3A_1446 : vector<16xi32>
      %xor3A_1448 = arith.constant 2 : i32
      %xor3A_1449 = vector.broadcast %xor3A_1448 : i32 to vector<16xi32>
      %xor3A_1450 = arith.xori %iota3A, %xor3A_1449 : vector<16xi32>
      %reshape3A_1451 = vector.shape_cast %xor3A_1450 : vector<16xi32> to vector<16x1xi32>
      %gather3A_1452 = vector.shape_cast %reshape3A_1451 : vector<16x1xi32> to vector<16xi32>
      %gather3A_1453 = tpu.dynamic_gather %min3A_1447[%gather3A_1452] in [0] : vector<16xi32>, vector<16xi32> -> vector<16xi32>
      %min3A_1454 = arith.minsi %min3A_1447, %gather3A_1453 : vector<16xi32>
      %xor3A_1455 = arith.constant 1 : i32
      %xor3A_1456 = vector.broadcast %xor3A_1455 : i32 to vector<16xi32>
      %xor3A_1457 = arith.xori %iota3A, %xor3A_1456 : vector<16xi32>
      %reshape3A_1458 = vector.shape_cast %xor3A_1457 : vector<16xi32> to vector<16x1xi32>
      %gather3A_1459 = vector.shape_cast %reshape3A_1458 : vector<16x1xi32> to vector<16xi32>
      %gather3A_1460 = tpu.dynamic_gather %min3A_1454[%gather3A_1459] in [0] : vector<16xi32>, vector<16xi32> -> vector<16xi32>
      %min3A_1461 = arith.minsi %min3A_1454, %gather3A_1460 : vector<16xi32>
      %eq3A_1462 = arith.constant 7 : i32
      %eq3A_1463 = vector.broadcast %eq3A_1462 : i32 to vector<16xi32>
      %eq3A_1464 = arith.cmpi eq, %iota3A, %eq3A_1463 : vector<16xi32>
      %select_n3A_1465 = arith.select %eq3A_1464, %min3A_1461, %select_n3A_1285 : vector<16xi1>, vector<16xi32>
      %eq3A_1466 = arith.cmpi eq, %add3A_52, %min3A_1461 : vector<16xi32>
      %jit3A_1467 = arith.constant -3.000000e+38 : f32
      %broadcast_in_dim3A_1468 = vector.broadcast %jit3A_1467 : f32 to vector<16xf32>
      %select_n3A_1469 = arith.select %eq3A_1466, %broadcast_in_dim3A_1468, %select_n3A_1289 : vector<16xi1>, vector<16xf32>
      %eq3A_1470 = arith.cmpi eq, %add3A_55, %min3A_1461 : vector<16xi32>
      %jit3A_1471 = arith.constant -3.000000e+38 : f32
      %broadcast_in_dim3A_1472 = vector.broadcast %jit3A_1471 : f32 to vector<16xf32>
      %select_n3A_1473 = arith.select %eq3A_1470, %broadcast_in_dim3A_1472, %select_n3A_1293 : vector<16xi1>, vector<16xf32>
      %eq3A_1474 = arith.cmpi eq, %add3A_58, %min3A_1461 : vector<16xi32>
      %jit3A_1475 = arith.constant -3.000000e+38 : f32
      %broadcast_in_dim3A_1476 = vector.broadcast %jit3A_1475 : f32 to vector<16xf32>
      %select_n3A_1477 = arith.select %eq3A_1474, %broadcast_in_dim3A_1476, %select_n3A_1297 : vector<16xi1>, vector<16xf32>
      %eq3A_1478 = arith.cmpi eq, %add3A_61, %min3A_1461 : vector<16xi32>
      %jit3A_1479 = arith.constant -3.000000e+38 : f32
      %broadcast_in_dim3A_1480 = vector.broadcast %jit3A_1479 : f32 to vector<16xf32>
      %select_n3A_1481 = arith.select %eq3A_1478, %broadcast_in_dim3A_1480, %select_n3A_1301 : vector<16xi1>, vector<16xf32>
      %eq3A_1482 = arith.cmpi eq, %add3A_64, %min3A_1461 : vector<16xi32>
      %jit3A_1483 = arith.constant -3.000000e+38 : f32
      %broadcast_in_dim3A_1484 = vector.broadcast %jit3A_1483 : f32 to vector<16xf32>
      %select_n3A_1485 = arith.select %eq3A_1482, %broadcast_in_dim3A_1484, %select_n3A_1305 : vector<16xi1>, vector<16xf32>
      %eq3A_1486 = arith.cmpi eq, %add3A_67, %min3A_1461 : vector<16xi32>
      %jit3A_1487 = arith.constant -3.000000e+38 : f32
      %broadcast_in_dim3A_1488 = vector.broadcast %jit3A_1487 : f32 to vector<16xf32>
      %select_n3A_1489 = arith.select %eq3A_1486, %broadcast_in_dim3A_1488, %select_n3A_1309 : vector<16xi1>, vector<16xf32>
      %eq3A_1490 = arith.cmpi eq, %add3A_70, %min3A_1461 : vector<16xi32>
      %jit3A_1491 = arith.constant -3.000000e+38 : f32
      %broadcast_in_dim3A_1492 = vector.broadcast %jit3A_1491 : f32 to vector<16xf32>
      %select_n3A_1493 = arith.select %eq3A_1490, %broadcast_in_dim3A_1492, %select_n3A_1313 : vector<16xi1>, vector<16xf32>
      %eq3A_1494 = arith.cmpi eq, %add3A_73, %min3A_1461 : vector<16xi32>
      %jit3A_1495 = arith.constant -3.000000e+38 : f32
      %broadcast_in_dim3A_1496 = vector.broadcast %jit3A_1495 : f32 to vector<16xf32>
      %select_n3A_1497 = arith.select %eq3A_1494, %broadcast_in_dim3A_1496, %select_n3A_1317 : vector<16xi1>, vector<16xf32>
      %eq3A_1498 = arith.cmpi eq, %add3A_76, %min3A_1461 : vector<16xi32>
      %jit3A_1499 = arith.constant -3.000000e+38 : f32
      %broadcast_in_dim3A_1500 = vector.broadcast %jit3A_1499 : f32 to vector<16xf32>
      %select_n3A_1501 = arith.select %eq3A_1498, %broadcast_in_dim3A_1500, %select_n3A_1321 : vector<16xi1>, vector<16xf32>
      %eq3A_1502 = arith.cmpi eq, %add3A_79, %min3A_1461 : vector<16xi32>
      %jit3A_1503 = arith.constant -3.000000e+38 : f32
      %broadcast_in_dim3A_1504 = vector.broadcast %jit3A_1503 : f32 to vector<16xf32>
      %select_n3A_1505 = arith.select %eq3A_1502, %broadcast_in_dim3A_1504, %select_n3A_1325 : vector<16xi1>, vector<16xf32>
      %eq3A_1506 = arith.cmpi eq, %add3A_82, %min3A_1461 : vector<16xi32>
      %jit3A_1507 = arith.constant -3.000000e+38 : f32
      %broadcast_in_dim3A_1508 = vector.broadcast %jit3A_1507 : f32 to vector<16xf32>
      %select_n3A_1509 = arith.select %eq3A_1506, %broadcast_in_dim3A_1508, %select_n3A_1329 : vector<16xi1>, vector<16xf32>
      %eq3A_1510 = arith.cmpi eq, %add3A_85, %min3A_1461 : vector<16xi32>
      %jit3A_1511 = arith.constant -3.000000e+38 : f32
      %broadcast_in_dim3A_1512 = vector.broadcast %jit3A_1511 : f32 to vector<16xf32>
      %select_n3A_1513 = arith.select %eq3A_1510, %broadcast_in_dim3A_1512, %select_n3A_1333 : vector<16xi1>, vector<16xf32>
      %eq3A_1514 = arith.cmpi eq, %add3A_88, %min3A_1461 : vector<16xi32>
      %jit3A_1515 = arith.constant -3.000000e+38 : f32
      %broadcast_in_dim3A_1516 = vector.broadcast %jit3A_1515 : f32 to vector<16xf32>
      %select_n3A_1517 = arith.select %eq3A_1514, %broadcast_in_dim3A_1516, %select_n3A_1337 : vector<16xi1>, vector<16xf32>
      %eq3A_1518 = arith.cmpi eq, %add3A_91, %min3A_1461 : vector<16xi32>
      %jit3A_1519 = arith.constant -3.000000e+38 : f32
      %broadcast_in_dim3A_1520 = vector.broadcast %jit3A_1519 : f32 to vector<16xf32>
      %select_n3A_1521 = arith.select %eq3A_1518, %broadcast_in_dim3A_1520, %select_n3A_1341 : vector<16xi1>, vector<16xf32>
      %eq3A_1522 = arith.cmpi eq, %add3A_94, %min3A_1461 : vector<16xi32>
      %jit3A_1523 = arith.constant -3.000000e+38 : f32
      %broadcast_in_dim3A_1524 = vector.broadcast %jit3A_1523 : f32 to vector<16xf32>
      %select_n3A_1525 = arith.select %eq3A_1522, %broadcast_in_dim3A_1524, %select_n3A_1345 : vector<16xi1>, vector<16xf32>
      %eq3A_1526 = arith.cmpi eq, %add3A_97, %min3A_1461 : vector<16xi32>
      %jit3A_1527 = arith.constant -3.000000e+38 : f32
      %broadcast_in_dim3A_1528 = vector.broadcast %jit3A_1527 : f32 to vector<16xf32>
      %select_n3A_1529 = arith.select %eq3A_1526, %broadcast_in_dim3A_1528, %select_n3A_1349 : vector<16xi1>, vector<16xf32>
      %lt3A_1530 = arith.constant 8 : i32
      %lt3A_1531 = vector.broadcast %lt3A_1530 : i32 to vector<16xi32>
      %lt3A_1532 = arith.cmpi slt, %iota3A, %lt3A_1531 : vector<16xi32>
      %jit3A_1533 = arith.constant 0 : i32
      %broadcast_in_dim3A_1534 = vector.broadcast %jit3A_1533 : i32 to vector<16xi32>
      %select_n3A_1535 = arith.select %lt3A_1532, %select_n3A_1465, %broadcast_in_dim3A_1534 : vector<16xi1>, vector<16xi32>
      %swap3A = arith.constant 0 : index
      %swap3A_1536 = tpu.vector_load %arg5[%swap3A] {strides = array<i32>} : memref<16xi32, #tpu.memory_space<vmem>>, vector<16xi32>,
      %swap3A_1537 = vector.shape_cast %swap3A_1536 : vector<16xi32> to vector<16xi32>
      %swap3A_1538 = vector.shape_cast %select_n3A_1535 : vector<16xi32> to vector<16xi32>
      tpu.vector_store %arg5[%swap3A], %swap3A_1538 {strides = array<i32>} : memref<16xi32, #tpu.memory_space<vmem>>, vector<16xi32>,
      "tpu.region"() ({
        %run_scoped3A = tpu.sem_alloc : memref<!tpu.dma_semaphore, #tpu.memory_space<semaphore_mem>>
        %dma_start3A = arith.constant 0 : i32
        %dma_start3A_1539 = tpu.memref_slice %arg3[%add3A, %dma_start3A] : memref<2x16xi32, #tpu.memory_space<hbm>> -> memref<1x16xi32, #tpu.memory_space<hbm>>
        %dma_start3A_1540 = tpu.memref_squeeze %dma_start3A_1539 : memref<1x16xi32, #tpu.memory_space<hbm>> -> memref<16xi32, #tpu.memory_space<hbm>>
        %dma_start3A_1541 = arith.constant 0 : i32
        %dma_start3A_1542 = tpu.memref_slice %arg3[%add3A, %dma_start3A_1541] : memref<2x16xi32, #tpu.memory_space<hbm>> -> memref<1x16xi32, #tpu.memory_space<hbm>>
        %dma_start3A_1543 = tpu.memref_squeeze %dma_start3A_1542 : memref<1x16xi32, #tpu.memory_space<hbm>> -> memref<16xi32, #tpu.memory_space<hbm>>
        tpu.enqueue_dma source(%arg5 : memref<16xi32, #tpu.memory_space<vmem>>) target(%dma_start3A_1543 : memref<16xi32, #tpu.memory_space<hbm>>) target_semaphore(%run_scoped3A : memref<!tpu.dma_semaphore, #tpu.memory_space<semaphore_mem>>)
        %dma_wait3A = arith.constant 0 : i32
        %dma_wait3A_1544 = tpu.memref_slice %arg3[%add3A, %dma_wait3A] : memref<2x16xi32, #tpu.memory_space<hbm>> -> memref<1x16xi32, #tpu.memory_space<hbm>>
        %dma_wait3A_1545 = tpu.memref_squeeze %dma_wait3A_1544 : memref<1x16xi32, #tpu.memory_space<hbm>> -> memref<16xi32, #tpu.memory_space<hbm>>
        %dma_wait3A_1546 = arith.constant 0 : i32
        %dma_wait3A_1547 = tpu.memref_slice %arg3[%add3A, %dma_wait3A_1546] : memref<2x16xi32, #tpu.memory_space<hbm>> -> memref<1x16xi32, #tpu.memory_space<hbm>>
        %dma_wait3A_1548 = tpu.memref_squeeze %dma_wait3A_1547 : memref<1x16xi32, #tpu.memory_space<hbm>> -> memref<16xi32, #tpu.memory_space<hbm>>
        tpu.wait_dma2 semaphore(%run_scoped3A : memref<!tpu.dma_semaphore, #tpu.memory_space<semaphore_mem>>) src(%arg5 : memref<16xi32, #tpu.memory_space<vmem>>) dst(%dma_wait3A_1548 : memref<16xi32, #tpu.memory_space<hbm>>)
        tpu.yield
      }) : () -> ()
    } else {
    }
    return
  }
}

module attributes {stable_mosaic.version = 14 : i64} {
  func.func @_sim_body(%arg0: memref<2x768xf32, #tpu.memory_space<vmem>>, %arg1: memref<2x1024xf32, #tpu.memory_space<vmem>>, %arg2: memref<1024x768xf32, #tpu.memory_space<vmem>>, %arg3: memref<1x1024xf32, #tpu.memory_space<vmem>>, %arg4: memref<1024x1024xf32, #tpu.memory_space<vmem>>, %arg5: memref<1x1024xf32, #tpu.memory_space<vmem>>, %arg6: memref<1x1024xf32, #tpu.memory_space<vmem>>, %arg7: memref<1x1024xf32, #tpu.memory_space<vmem>>, %arg8: memref<256x1024xf32, #tpu.memory_space<vmem>>, %arg9: memref<2x256xf32, #tpu.memory_space<vmem>>) attributes {dimension_semantics = [], scalar_prefetch = 0 : i64, scratch_operands = 0 : i64, tpu.core_type = #tpu.core_type<tc>} {
    %get3A = arith.constant 0 : index
    %get3A_0 = arith.constant 0 : index
    %get3A_1 = vector.load %arg0[%get3A, %get3A_0] : memref<2x768xf32, #tpu.memory_space<vmem>>, vector<2x768xf32>
    %get3A_2 = arith.constant 0 : index
    %get3A_3 = arith.constant 0 : index
    %get3A_4 = vector.load %arg2[%get3A_2, %get3A_3] : memref<1024x768xf32, #tpu.memory_space<vmem>>, vector<1024x768xf32>
    %dot_general3A = arith.constant dense<0.000000e+00> : vector<2x1024xf32>
    %dot_general3A_5 = tpu.matmul %get3A_1, %get3A_4, %dot_general3A {dimension_numbers = #tpu.dot_dimension_numbers<[1], [1], [0], [0], [0, 0, 1, 0], [], []>, transpose_lhs_hint = false} : vector<2x768xf32>, vector<1024x768xf32>, vector<2x1024xf32> -> vector<2x1024xf32>
    %get3A_6 = arith.constant 0 : index
    %get3A_7 = arith.constant 0 : index
    %get3A_8 = vector.load %arg1[%get3A_6, %get3A_7] : memref<2x1024xf32, #tpu.memory_space<vmem>>, vector<2x1024xf32>
    %get3A_9 = arith.constant 0 : index
    %get3A_10 = arith.constant 0 : index
    %get3A_11 = vector.load %arg4[%get3A_9, %get3A_10] : memref<1024x1024xf32, #tpu.memory_space<vmem>>, vector<1024x1024xf32>
    %dot_general3A_12 = arith.constant dense<0.000000e+00> : vector<2x1024xf32>
    %dot_general3A_13 = tpu.matmul %get3A_8, %get3A_11, %dot_general3A_12 {dimension_numbers = #tpu.dot_dimension_numbers<[1], [1], [0], [0], [0, 0, 1, 0], [], []>, transpose_lhs_hint = false} : vector<2x1024xf32>, vector<1024x1024xf32>, vector<2x1024xf32> -> vector<2x1024xf32>
    %add3A = arith.addf %dot_general3A_5, %dot_general3A_13 : vector<2x1024xf32>
    %get3A_14 = arith.constant 0 : index
    %get3A_15 = arith.constant 0 : index
    %get3A_16 = vector.load %arg3[%get3A_14, %get3A_15] : memref<1x1024xf32, #tpu.memory_space<vmem>>, vector<1x1024xf32>
    %add3A_17 = vector.broadcast %get3A_16 : vector<1x1024xf32> to vector<2x1024xf32>
    %add3A_18 = arith.addf %add3A, %add3A_17 : vector<2x1024xf32>
    %get3A_19 = arith.constant 0 : index
    %get3A_20 = arith.constant 0 : index
    %get3A_21 = vector.load %arg5[%get3A_19, %get3A_20] : memref<1x1024xf32, #tpu.memory_space<vmem>>, vector<1x1024xf32>
    %add3A_22 = vector.broadcast %get3A_21 : vector<1x1024xf32> to vector<2x1024xf32>
    %add3A_23 = arith.addf %add3A_18, %add3A_22 : vector<2x1024xf32>
    %reduce_sum3A = arith.constant dense<0.000000e+00> : vector<2xf32>
    %reduce_sum3A_24 = vector.multi_reduction <add>, %add3A_23, %reduce_sum3A [1] : vector<2x1024xf32> to vector<2xf32>
    %broadcast_in_dim3A = vector.shape_cast %reduce_sum3A_24 : vector<2xf32> to vector<2x1xf32>
    %div3A = arith.constant 1.024000e+03 : f32
    %div3A_25 = vector.broadcast %div3A : f32 to vector<2x1xf32>
    %div3A_26 = arith.divf %broadcast_in_dim3A, %div3A_25 : vector<2x1xf32>
    %sub3A = vector.broadcast %div3A_26 : vector<2x1xf32> to vector<2x1024xf32>
    %sub3A_27 = arith.subf %add3A_23, %sub3A : vector<2x1024xf32>
    %mul3A = arith.mulf %sub3A_27, %sub3A_27 : vector<2x1024xf32>
    %reduce_sum3A_28 = arith.constant dense<0.000000e+00> : vector<2xf32>
    %reduce_sum3A_29 = vector.multi_reduction <add>, %mul3A, %reduce_sum3A_28 [1] : vector<2x1024xf32> to vector<2xf32>
    %broadcast_in_dim3A_30 = vector.shape_cast %reduce_sum3A_29 : vector<2xf32> to vector<2x1xf32>
    %div3A_31 = arith.constant 1.024000e+03 : f32
    %div3A_32 = vector.broadcast %div3A_31 : f32 to vector<2x1xf32>
    %div3A_33 = arith.divf %broadcast_in_dim3A_30, %div3A_32 : vector<2x1xf32>
    %add3A_34 = arith.constant 9.99999974E-6 : f32
    %add3A_35 = vector.broadcast %add3A_34 : f32 to vector<2x1xf32>
    %add3A_36 = arith.addf %div3A_33, %add3A_35 : vector<2x1xf32>
    %rsqrt3A = math.rsqrt %add3A_36 : vector<2x1xf32>
    %mul3A_37 = vector.broadcast %rsqrt3A : vector<2x1xf32> to vector<2x1024xf32>
    %mul3A_38 = arith.mulf %sub3A_27, %mul3A_37 : vector<2x1024xf32>
    %get3A_39 = arith.constant 0 : index
    %get3A_40 = arith.constant 0 : index
    %get3A_41 = vector.load %arg6[%get3A_39, %get3A_40] : memref<1x1024xf32, #tpu.memory_space<vmem>>, vector<1x1024xf32>
    %mul3A_42 = vector.broadcast %get3A_41 : vector<1x1024xf32> to vector<2x1024xf32>
    %mul3A_43 = arith.mulf %mul3A_38, %mul3A_42 : vector<2x1024xf32>
    %get3A_44 = arith.constant 0 : index
    %get3A_45 = arith.constant 0 : index
    %get3A_46 = vector.load %arg7[%get3A_44, %get3A_45] : memref<1x1024xf32, #tpu.memory_space<vmem>>, vector<1x1024xf32>
    %add3A_47 = vector.broadcast %get3A_46 : vector<1x1024xf32> to vector<2x1024xf32>
    %add3A_48 = arith.addf %mul3A_43, %add3A_47 : vector<2x1024xf32>
    %mul3A_49 = arith.mulf %add3A_48, %add3A_48 : vector<2x1024xf32>
    %reduce_sum3A_50 = arith.constant dense<0.000000e+00> : vector<2xf32>
    %reduce_sum3A_51 = vector.multi_reduction <add>, %mul3A_49, %reduce_sum3A_50 [1] : vector<2x1024xf32> to vector<2xf32>
    %broadcast_in_dim3A_52 = vector.shape_cast %reduce_sum3A_51 : vector<2xf32> to vector<2x1xf32>
    %sqrt3A = math.sqrt %broadcast_in_dim3A_52 : vector<2x1xf32>
    %max3A = arith.constant 9.99999993E-9 : f32
    %max3A_53 = vector.broadcast %max3A : f32 to vector<2x1xf32>
    %max3A_54 = arith.maximumf %sqrt3A, %max3A_53 : vector<2x1xf32>
    %div3A_55 = vector.broadcast %max3A_54 : vector<2x1xf32> to vector<2x1024xf32>
    %div3A_56 = arith.divf %add3A_48, %div3A_55 : vector<2x1024xf32>
    %get3A_57 = arith.constant 0 : index
    %get3A_58 = arith.constant 0 : index
    %get3A_59 = vector.load %arg8[%get3A_57, %get3A_58] : memref<256x1024xf32, #tpu.memory_space<vmem>>, vector<256x1024xf32>
    %mul3A_60 = arith.mulf %get3A_59, %get3A_59 : vector<256x1024xf32>
    %reduce_sum3A_61 = arith.constant dense<0.000000e+00> : vector<256xf32>
    %reduce_sum3A_62 = vector.multi_reduction <add>, %mul3A_60, %reduce_sum3A_61 [1] : vector<256x1024xf32> to vector<256xf32>
    %broadcast_in_dim3A_63 = vector.shape_cast %reduce_sum3A_62 : vector<256xf32> to vector<256x1xf32>
    %sqrt3A_64 = math.sqrt %broadcast_in_dim3A_63 : vector<256x1xf32>
    %max3A_65 = arith.constant 9.99999993E-9 : f32
    %max3A_66 = vector.broadcast %max3A_65 : f32 to vector<256x1xf32>
    %max3A_67 = arith.maximumf %sqrt3A_64, %max3A_66 : vector<256x1xf32>
    %div3A_68 = vector.broadcast %max3A_67 : vector<256x1xf32> to vector<256x1024xf32>
    %div3A_69 = arith.divf %get3A_59, %div3A_68 : vector<256x1024xf32>
    %dot_general3A_70 = arith.constant dense<0.000000e+00> : vector<2x256xf32>
    %dot_general3A_71 = tpu.matmul %div3A_56, %div3A_69, %dot_general3A_70 {dimension_numbers = #tpu.dot_dimension_numbers<[1], [1], [0], [0], [0, 0, 1, 0], [], []>, transpose_lhs_hint = false} : vector<2x1024xf32>, vector<256x1024xf32>, vector<2x256xf32> -> vector<2x256xf32>
    %swap3A = arith.constant 0 : index
    %swap3A_72 = arith.constant 0 : index
    %swap3A_73 = vector.load %arg9[%swap3A, %swap3A_72] : memref<2x256xf32, #tpu.memory_space<vmem>>, vector<2x256xf32>
    tpu.vector_store %arg9[%swap3A, %swap3A_72], %dot_general3A_71 {strides = array<i32>} : memref<2x256xf32, #tpu.memory_space<vmem>>, vector<2x256xf32>,
    return
  }
}

module attributes {stable_mosaic.version = 14 : i64} {
  func.func @_proj_body(%arg0: memref<256x1024xf32, #tpu.memory_space<vmem>>, %arg1: memref<1024x1024xf32, #tpu.memory_space<vmem>>, %arg2: memref<1x1024xf32, #tpu.memory_space<vmem>>, %arg3: memref<1024x1024xf32, #tpu.memory_space<vmem>>, %arg4: memref<1x1024xf32, #tpu.memory_space<vmem>>, %arg5: memref<256x1024xf32, #tpu.memory_space<vmem>>, %arg6: memref<256x1024xf32, #tpu.memory_space<vmem>>) attributes {dimension_semantics = [], scalar_prefetch = 0 : i64, scratch_operands = 0 : i64, tpu.core_type = #tpu.core_type<tc>} {
    %get3A = arith.constant 0 : index
    %get3A_0 = arith.constant 0 : index
    %get3A_1 = vector.load %arg0[%get3A, %get3A_0] : memref<256x1024xf32, #tpu.memory_space<vmem>>, vector<256x1024xf32>
    %get3A_2 = arith.constant 0 : index
    %get3A_3 = arith.constant 0 : index
    %get3A_4 = vector.load %arg1[%get3A_2, %get3A_3] : memref<1024x1024xf32, #tpu.memory_space<vmem>>, vector<1024x1024xf32>
    %dot_general3A = arith.constant dense<0.000000e+00> : vector<256x1024xf32>
    %dot_general3A_5 = tpu.matmul %get3A_1, %get3A_4, %dot_general3A {dimension_numbers = #tpu.dot_dimension_numbers<[1], [1], [0], [0], [0, 0, 1, 0], [], []>, transpose_lhs_hint = false} : vector<256x1024xf32>, vector<1024x1024xf32>, vector<256x1024xf32> -> vector<256x1024xf32>
    %get3A_6 = arith.constant 0 : index
    %get3A_7 = arith.constant 0 : index
    %get3A_8 = vector.load %arg2[%get3A_6, %get3A_7] : memref<1x1024xf32, #tpu.memory_space<vmem>>, vector<1x1024xf32>
    %add3A = vector.broadcast %get3A_8 : vector<1x1024xf32> to vector<256x1024xf32>
    %add3A_9 = arith.addf %dot_general3A_5, %add3A : vector<256x1024xf32>
    %swap3A = arith.constant 0 : index
    %swap3A_10 = arith.constant 0 : index
    %swap3A_11 = vector.load %arg5[%swap3A, %swap3A_10] : memref<256x1024xf32, #tpu.memory_space<vmem>>, vector<256x1024xf32>
    tpu.vector_store %arg5[%swap3A, %swap3A_10], %add3A_9 {strides = array<i32>} : memref<256x1024xf32, #tpu.memory_space<vmem>>, vector<256x1024xf32>,
    %get3A_12 = arith.constant 0 : index
    %get3A_13 = arith.constant 0 : index
    %get3A_14 = vector.load %arg3[%get3A_12, %get3A_13] : memref<1024x1024xf32, #tpu.memory_space<vmem>>, vector<1024x1024xf32>
    %dot_general3A_15 = arith.constant dense<0.000000e+00> : vector<256x1024xf32>
    %dot_general3A_16 = tpu.matmul %get3A_1, %get3A_14, %dot_general3A_15 {dimension_numbers = #tpu.dot_dimension_numbers<[1], [1], [0], [0], [0, 0, 1, 0], [], []>, transpose_lhs_hint = false} : vector<256x1024xf32>, vector<1024x1024xf32>, vector<256x1024xf32> -> vector<256x1024xf32>
    %get3A_17 = arith.constant 0 : index
    %get3A_18 = arith.constant 0 : index
    %get3A_19 = vector.load %arg4[%get3A_17, %get3A_18] : memref<1x1024xf32, #tpu.memory_space<vmem>>, vector<1x1024xf32>
    %add3A_20 = vector.broadcast %get3A_19 : vector<1x1024xf32> to vector<256x1024xf32>
    %add3A_21 = arith.addf %dot_general3A_16, %add3A_20 : vector<256x1024xf32>
    %swap3A_22 = arith.constant 0 : index
    %swap3A_23 = arith.constant 0 : index
    %swap3A_24 = vector.load %arg6[%swap3A_22, %swap3A_23] : memref<256x1024xf32, #tpu.memory_space<vmem>>, vector<256x1024xf32>
    tpu.vector_store %arg6[%swap3A_22, %swap3A_23], %add3A_21 {strides = array<i32>} : memref<256x1024xf32, #tpu.memory_space<vmem>>, vector<256x1024xf32>,
    return
  }
}

module attributes {stable_mosaic.version = 14 : i64} {
  func.func @_fuse_body(%arg0: i32, %arg1: i32, %arg2: memref<1x16x1xi32, #tpu.memory_space<vmem>>, %arg3: memref<256x1024xf32, #tpu.memory_space<vmem>>, %arg4: memref<256x1024xf32, #tpu.memory_space<vmem>>, %arg5: memref<1024x1024xf32, #tpu.memory_space<vmem>>, %arg6: memref<1x1024xf32, #tpu.memory_space<vmem>>, %arg7: memref<1024x1024xf32, #tpu.memory_space<vmem>>, %arg8: memref<1x1024x1024xf32, #tpu.memory_space<vmem>>, %arg9: memref<1x1024xf32, #tpu.memory_space<vmem>>, %arg10: memref<1x1024xf32, #tpu.memory_space<vmem>>, %arg11: memref<1x1024xf32, #tpu.memory_space<vmem>>, %arg12: memref<1x1024x1024xf32, #tpu.memory_space<vmem>>, %arg13: memref<128x1024xf32, #tpu.memory_space<vmem>>, %arg14: memref<128x1024xf32, #tpu.memory_space<vmem>>, %arg15: memref<1x128xf32, #tpu.memory_space<vmem>>) attributes {dimension_semantics = [#tpu.dimension_semantics<arbitrary>, #tpu.dimension_semantics<arbitrary>], iteration_bounds = array<i64: 2, 2>, scalar_prefetch = 0 : i64, scratch_operands = 3 : i64, tpu.core_type = #tpu.core_type<tc>, window_params = [{transform_indices = @transform_0, window_bounds = array<i64: 1, 16, 1>}, {pipeline_mode = #tpu.pipeline_mode<synchronous>, transform_indices = @transform_1, window_bounds = array<i64: 256, 1024>}, {pipeline_mode = #tpu.pipeline_mode<synchronous>, transform_indices = @transform_2, window_bounds = array<i64: 256, 1024>}, {pipeline_mode = #tpu.pipeline_mode<synchronous>, transform_indices = @transform_3, window_bounds = array<i64: 1024, 1024>}, {pipeline_mode = #tpu.pipeline_mode<synchronous>, transform_indices = @transform_4, window_bounds = array<i64: 1, 1024>}, {pipeline_mode = #tpu.pipeline_mode<synchronous>, transform_indices = @transform_5, window_bounds = array<i64: 1024, 1024>}, {transform_indices = @transform_6, window_bounds = array<i64: 1, 1024, 1024>}, {pipeline_mode = #tpu.pipeline_mode<synchronous>, transform_indices = @transform_7, window_bounds = array<i64: 1, 1024>}, {pipeline_mode = #tpu.pipeline_mode<synchronous>, transform_indices = @transform_8, window_bounds = array<i64: 1, 1024>}, {pipeline_mode = #tpu.pipeline_mode<synchronous>, transform_indices = @transform_9, window_bounds = array<i64: 1, 1024>}, {transform_indices = @transform_10, window_bounds = array<i64: 1, 1024, 1024>}]} {
    %eq3A = arith.constant 0 : i32
    %eq3A_0 = arith.cmpi eq, %arg1, %eq3A : i32
    %convert_element_type3A = arith.extui %eq3A_0 : i1 to i32
    %cond3A = arith.constant 0 : i32
    %cond3A_1 = arith.cmpi ne, %convert_element_type3A, %cond3A : i32
    scf.if %cond3A_1 {
      %get3A_124 = arith.constant 0 : index
      %get3A_125 = arith.constant 0 : index
      %get3A_126 = arith.constant 0 : index
      %get3A_127 = vector.load %arg2[%get3A_124, %get3A_125, %get3A_126] : memref<1x16x1xi32, #tpu.memory_space<vmem>>, vector<1x16x1xi32>
      %get3A_128 = vector.shape_cast %get3A_127 : vector<1x16x1xi32> to vector<16x1xi32>
      %slice3A = vector.extract_strided_slice %get3A_128 {offsets = [0, 0], sizes = [8, 1], strides = [1, 1]} : vector<16x1xi32> to vector<8x1xi32>
      %iota3A_129 = tpu.iota {dimensions = array<i32: 1>} : vector<8x256xi32>
      %eq3A_130 = vector.broadcast %slice3A : vector<8x1xi32> to vector<8x256xi32>
      %eq3A_131 = arith.cmpi eq, %eq3A_130, %iota3A_129 : vector<8x256xi32>
      %convert_element_type3A_132 = arith.extui %eq3A_131 : vector<8x256xi1> to vector<8x256xi32>
      %convert_element_type3A_133 = arith.sitofp %convert_element_type3A_132 : vector<8x256xi32> to vector<8x256xf32>
      %get3A_134 = arith.constant 0 : index
      %get3A_135 = arith.constant 0 : index
      %get3A_136 = vector.load %arg3[%get3A_134, %get3A_135] : memref<256x1024xf32, #tpu.memory_space<vmem>>, vector<256x1024xf32>
      %dot_general3A_137 = arith.constant dense<0.000000e+00> : vector<8x1024xf32>
      %dot_general3A_138 = tpu.matmul %convert_element_type3A_133, %get3A_136, %dot_general3A_137 {dimension_numbers = #tpu.dot_dimension_numbers<[1], [0], [0], [1], [0, 0, 1, 1], [], []>, transpose_lhs_hint = false} : vector<8x256xf32>, vector<256x1024xf32>, vector<8x1024xf32> -> vector<8x1024xf32>
      %get3A_139 = arith.constant 0 : index
      %get3A_140 = arith.constant 0 : index
      %get3A_141 = vector.load %arg4[%get3A_139, %get3A_140] : memref<256x1024xf32, #tpu.memory_space<vmem>>, vector<256x1024xf32>
      %dot_general3A_142 = arith.constant dense<0.000000e+00> : vector<8x1024xf32>
      %dot_general3A_143 = tpu.matmul %convert_element_type3A_133, %get3A_141, %dot_general3A_142 {dimension_numbers = #tpu.dot_dimension_numbers<[1], [0], [0], [1], [0, 0, 1, 1], [], []>, transpose_lhs_hint = false} : vector<8x256xf32>, vector<256x1024xf32>, vector<8x1024xf32> -> vector<8x1024xf32>
      %concatenate3A = tpu.concatenate %dot_general3A_138, %dot_general3A_138, %dot_general3A_138, %dot_general3A_138, %dot_general3A_138, %dot_general3A_138, %dot_general3A_138, %dot_general3A_138, %dot_general3A_138, %dot_general3A_138, %dot_general3A_138, %dot_general3A_138, %dot_general3A_138, %dot_general3A_138, %dot_general3A_138, %dot_general3A_138 in 0 : vector<8x1024xf32>, vector<8x1024xf32>, vector<8x1024xf32>, vector<8x1024xf32>, vector<8x1024xf32>, vector<8x1024xf32>, vector<8x1024xf32>, vector<8x1024xf32>, vector<8x1024xf32>, vector<8x1024xf32>, vector<8x1024xf32>, vector<8x1024xf32>, vector<8x1024xf32>, vector<8x1024xf32>, vector<8x1024xf32>, vector<8x1024xf32> -> vector<128x1024xf32>
      %concatenate3A_144 = tpu.concatenate %dot_general3A_143, %dot_general3A_143, %dot_general3A_143, %dot_general3A_143, %dot_general3A_143, %dot_general3A_143, %dot_general3A_143, %dot_general3A_143, %dot_general3A_143, %dot_general3A_143, %dot_general3A_143, %dot_general3A_143, %dot_general3A_143, %dot_general3A_143, %dot_general3A_143, %dot_general3A_143 in 0 : vector<8x1024xf32>, vector<8x1024xf32>, vector<8x1024xf32>, vector<8x1024xf32>, vector<8x1024xf32>, vector<8x1024xf32>, vector<8x1024xf32>, vector<8x1024xf32>, vector<8x1024xf32>, vector<8x1024xf32>, vector<8x1024xf32>, vector<8x1024xf32>, vector<8x1024xf32>, vector<8x1024xf32>, vector<8x1024xf32>, vector<8x1024xf32> -> vector<128x1024xf32>
      %iota3A_145 = tpu.iota {dimensions = array<i32: 0>} : vector<128x1024xi32>
      %iota3A_146 = tpu.iota {dimensions = array<i32: 1>} : vector<128x1024xi32>
      %jit3A_147 = arith.constant 8 : i32
      %div3A_148 = vector.broadcast %jit3A_147 : i32 to vector<128x1024xi32>
      %div3A_149 = arith.divsi %iota3A_145, %div3A_148 : vector<128x1024xi32>
      %sign3A_150 = arith.constant 0 : i32
      %sign3A_151 = vector.broadcast %sign3A_150 : i32 to vector<128x1024xi32>
      %sign3A_152 = arith.cmpi sgt, %iota3A_145, %sign3A_151 : vector<128x1024xi32>
      %sign3A_153 = arith.extui %sign3A_152 : vector<128x1024xi1> to vector<128x1024xi32>
      %sign3A_154 = arith.constant 0 : i32
      %sign3A_155 = vector.broadcast %sign3A_154 : i32 to vector<128x1024xi32>
      %sign3A_156 = arith.cmpi slt, %iota3A_145, %sign3A_155 : vector<128x1024xi32>
      %sign3A_157 = arith.extui %sign3A_156 : vector<128x1024xi1> to vector<128x1024xi32>
      %sign3A_158 = arith.subi %sign3A_153, %sign3A_157 : vector<128x1024xi32>
      %sign3A_159 = arith.constant 0 : i32
      %sign3A_160 = arith.cmpi sgt, %jit3A_147, %sign3A_159 : i32
      %sign3A_161 = arith.extui %sign3A_160 : i1 to i32
      %sign3A_162 = arith.constant 0 : i32
      %sign3A_163 = arith.cmpi slt, %jit3A_147, %sign3A_162 : i32
      %sign3A_164 = arith.extui %sign3A_163 : i1 to i32
      %sign3A_165 = arith.subi %sign3A_161, %sign3A_164 : i32
      %ne3A_166 = vector.broadcast %sign3A_165 : i32 to vector<128x1024xi32>
      %ne3A_167 = arith.cmpi ne, %sign3A_158, %ne3A_166 : vector<128x1024xi32>
      %rem3A_168 = vector.broadcast %jit3A_147 : i32 to vector<128x1024xi32>
      %rem3A_169 = arith.remsi %iota3A_145, %rem3A_168 : vector<128x1024xi32>
      %ne3A_170 = arith.constant 0 : i32
      %ne3A_171 = vector.broadcast %ne3A_170 : i32 to vector<128x1024xi32>
      %ne3A_172 = arith.cmpi ne, %rem3A_169, %ne3A_171 : vector<128x1024xi32>
      %and3A_173 = arith.andi %ne3A_167, %ne3A_172 : vector<128x1024xi1>
      %sub3A_174 = arith.constant 1 : i32
      %sub3A_175 = vector.broadcast %sub3A_174 : i32 to vector<128x1024xi32>
      %sub3A_176 = arith.subi %div3A_149, %sub3A_175 : vector<128x1024xi32>
      %select_n3A_177 = arith.select %and3A_173, %sub3A_176, %div3A_149 : vector<128x1024xi1>, vector<128x1024xi32>
      %jit3A_178 = arith.constant 64 : i32
      %div3A_179 = vector.broadcast %jit3A_178 : i32 to vector<128x1024xi32>
      %div3A_180 = arith.divsi %iota3A_146, %div3A_179 : vector<128x1024xi32>
      %sign3A_181 = arith.constant 0 : i32
      %sign3A_182 = vector.broadcast %sign3A_181 : i32 to vector<128x1024xi32>
      %sign3A_183 = arith.cmpi sgt, %iota3A_146, %sign3A_182 : vector<128x1024xi32>
      %sign3A_184 = arith.extui %sign3A_183 : vector<128x1024xi1> to vector<128x1024xi32>
      %sign3A_185 = arith.constant 0 : i32
      %sign3A_186 = vector.broadcast %sign3A_185 : i32 to vector<128x1024xi32>
      %sign3A_187 = arith.cmpi slt, %iota3A_146, %sign3A_186 : vector<128x1024xi32>
      %sign3A_188 = arith.extui %sign3A_187 : vector<128x1024xi1> to vector<128x1024xi32>
      %sign3A_189 = arith.subi %sign3A_184, %sign3A_188 : vector<128x1024xi32>
      %sign3A_190 = arith.constant 0 : i32
      %sign3A_191 = arith.cmpi sgt, %jit3A_178, %sign3A_190 : i32
      %sign3A_192 = arith.extui %sign3A_191 : i1 to i32
      %sign3A_193 = arith.constant 0 : i32
      %sign3A_194 = arith.cmpi slt, %jit3A_178, %sign3A_193 : i32
      %sign3A_195 = arith.extui %sign3A_194 : i1 to i32
      %sign3A_196 = arith.subi %sign3A_192, %sign3A_195 : i32
      %ne3A_197 = vector.broadcast %sign3A_196 : i32 to vector<128x1024xi32>
      %ne3A_198 = arith.cmpi ne, %sign3A_189, %ne3A_197 : vector<128x1024xi32>
      %rem3A_199 = vector.broadcast %jit3A_178 : i32 to vector<128x1024xi32>
      %rem3A_200 = arith.remsi %iota3A_146, %rem3A_199 : vector<128x1024xi32>
      %ne3A_201 = arith.constant 0 : i32
      %ne3A_202 = vector.broadcast %ne3A_201 : i32 to vector<128x1024xi32>
      %ne3A_203 = arith.cmpi ne, %rem3A_200, %ne3A_202 : vector<128x1024xi32>
      %and3A_204 = arith.andi %ne3A_198, %ne3A_203 : vector<128x1024xi1>
      %sub3A_205 = arith.constant 1 : i32
      %sub3A_206 = vector.broadcast %sub3A_205 : i32 to vector<128x1024xi32>
      %sub3A_207 = arith.subi %div3A_180, %sub3A_206 : vector<128x1024xi32>
      %select_n3A_208 = arith.select %and3A_204, %sub3A_207, %div3A_180 : vector<128x1024xi1>, vector<128x1024xi32>
      %eq3A_209 = arith.cmpi eq, %select_n3A_177, %select_n3A_208 : vector<128x1024xi32>
      %jit3A_210 = arith.constant 0.000000e+00 : f32
      %broadcast_in_dim3A_211 = vector.broadcast %jit3A_210 : f32 to vector<128x1024xf32>
      %select_n3A_212 = arith.select %eq3A_209, %concatenate3A, %broadcast_in_dim3A_211 : vector<128x1024xi1>, vector<128x1024xf32>
      %jit3A_213 = arith.constant 0.000000e+00 : f32
      %broadcast_in_dim3A_214 = vector.broadcast %jit3A_213 : f32 to vector<128x1024xf32>
      %select_n3A_215 = arith.select %eq3A_209, %concatenate3A_144, %broadcast_in_dim3A_214 : vector<128x1024xi1>, vector<128x1024xf32>
      %get3A_216 = arith.constant 0 : index
      %get3A_217 = arith.constant 0 : index
      %get3A_218 = vector.load %arg5[%get3A_216, %get3A_217] : memref<1024x1024xf32, #tpu.memory_space<vmem>>, vector<1024x1024xf32>
      %dot_general3A_219 = arith.constant dense<0.000000e+00> : vector<128x1024xf32>
      %dot_general3A_220 = tpu.matmul %select_n3A_212, %get3A_218, %dot_general3A_219 {dimension_numbers = #tpu.dot_dimension_numbers<[1], [0], [0], [1], [0, 0, 1, 1], [], []>, transpose_lhs_hint = false} : vector<128x1024xf32>, vector<1024x1024xf32>, vector<128x1024xf32> -> vector<128x1024xf32>
      %mul3A_221 = arith.constant 1.250000e-01 : f32
      %mul3A_222 = vector.broadcast %mul3A_221 : f32 to vector<128x1024xf32>
      %mul3A_223 = arith.mulf %dot_general3A_220, %mul3A_222 : vector<128x1024xf32>
      %swap3A_224 = arith.constant 0 : index
      %swap3A_225 = arith.constant 0 : index
      %swap3A_226 = vector.load %arg13[%swap3A_224, %swap3A_225] : memref<128x1024xf32, #tpu.memory_space<vmem>>, vector<128x1024xf32>
      tpu.vector_store %arg13[%swap3A_224, %swap3A_225], %mul3A_223 {strides = array<i32>} : memref<128x1024xf32, #tpu.memory_space<vmem>>, vector<128x1024xf32>,
      %get3A_227 = arith.constant 0 : index
      %get3A_228 = arith.constant 0 : index
      %get3A_229 = vector.load %arg6[%get3A_227, %get3A_228] : memref<1x1024xf32, #tpu.memory_space<vmem>>, vector<1x1024xf32>
      %dot_general3A_230 = arith.constant dense<0.000000e+00> : vector<1x128xf32>
      %dot_general3A_231 = tpu.matmul %get3A_229, %select_n3A_212, %dot_general3A_230 {dimension_numbers = #tpu.dot_dimension_numbers<[1], [1], [0], [0], [0, 0, 1, 0], [], []>, transpose_lhs_hint = false} : vector<1x1024xf32>, vector<128x1024xf32>, vector<1x128xf32> -> vector<1x128xf32>
      %mul3A_232 = arith.constant 1.250000e-01 : f32
      %mul3A_233 = vector.broadcast %mul3A_232 : f32 to vector<1x128xf32>
      %mul3A_234 = arith.mulf %dot_general3A_231, %mul3A_233 : vector<1x128xf32>
      %swap3A_235 = arith.constant 0 : index
      %swap3A_236 = arith.constant 0 : index
      %swap3A_237 = vector.load %arg15[%swap3A_235, %swap3A_236] : memref<1x128xf32, #tpu.memory_space<vmem>>, vector<1x128xf32>
      tpu.vector_store %arg15[%swap3A_235, %swap3A_236], %mul3A_234 {strides = array<i32>} : memref<1x128xf32, #tpu.memory_space<vmem>>, vector<1x128xf32>,
      %get3A_238 = arith.constant 0 : index
      %get3A_239 = arith.constant 0 : index
      %get3A_240 = vector.load %arg7[%get3A_238, %get3A_239] : memref<1024x1024xf32, #tpu.memory_space<vmem>>, vector<1024x1024xf32>
      %dot_general3A_241 = arith.constant dense<0.000000e+00> : vector<128x1024xf32>
      %dot_general3A_242 = tpu.matmul %select_n3A_215, %get3A_240, %dot_general3A_241 {dimension_numbers = #tpu.dot_dimension_numbers<[1], [1], [0], [0], [0, 0, 1, 0], [], []>, transpose_lhs_hint = false} : vector<128x1024xf32>, vector<1024x1024xf32>, vector<128x1024xf32> -> vector<128x1024xf32>
      %swap3A_243 = arith.constant 0 : index
      %swap3A_244 = arith.constant 0 : index
      %swap3A_245 = vector.load %arg14[%swap3A_243, %swap3A_244] : memref<128x1024xf32, #tpu.memory_space<vmem>>, vector<128x1024xf32>
      tpu.vector_store %arg14[%swap3A_243, %swap3A_244], %dot_general3A_242 {strides = array<i32>} : memref<128x1024xf32, #tpu.memory_space<vmem>>, vector<128x1024xf32>,
    } else {
    }
    %get3A = arith.constant 0 : index
    %get3A_2 = arith.constant 0 : index
    %get3A_3 = arith.constant 0 : index
    %get3A_4 = vector.load %arg8[%get3A, %get3A_2, %get3A_3] : memref<1x1024x1024xf32, #tpu.memory_space<vmem>>, vector<1x1024x1024xf32>
    %get3A_5 = vector.shape_cast %get3A_4 : vector<1x1024x1024xf32> to vector<1024x1024xf32>
    %get3A_6 = arith.constant 0 : index
    %get3A_7 = arith.constant 0 : index
    %get3A_8 = vector.load %arg13[%get3A_6, %get3A_7] : memref<128x1024xf32, #tpu.memory_space<vmem>>, vector<128x1024xf32>
    %dot_general3A = arith.constant dense<0.000000e+00> : vector<1024x128xf32>
    %dot_general3A_9 = tpu.matmul %get3A_5, %get3A_8, %dot_general3A {dimension_numbers = #tpu.dot_dimension_numbers<[1], [1], [0], [0], [0, 0, 1, 0], [], []>, transpose_lhs_hint = false} : vector<1024x1024xf32>, vector<128x1024xf32>, vector<1024x128xf32> -> vector<1024x128xf32>
    %get3A_10 = arith.constant 0 : index
    %get3A_11 = arith.constant 0 : index
    %get3A_12 = vector.load %arg15[%get3A_10, %get3A_11] : memref<1x128xf32, #tpu.memory_space<vmem>>, vector<1x128xf32>
    %add3A = vector.broadcast %get3A_12 : vector<1x128xf32> to vector<1024x128xf32>
    %add3A_13 = arith.addf %dot_general3A_9, %add3A : vector<1024x128xf32>
    %reduce_max3A = arith.constant dense<0xFF800000> : vector<1024xf32>
    %reduce_max3A_14 = vector.multi_reduction <maximumf>, %add3A_13, %reduce_max3A [1] : vector<1024x128xf32> to vector<1024xf32>
    %broadcast_in_dim3A = vector.shape_cast %reduce_max3A_14 : vector<1024xf32> to vector<1024x1xf32>
    %sub3A = vector.broadcast %broadcast_in_dim3A : vector<1024x1xf32> to vector<1024x128xf32>
    %sub3A_15 = arith.subf %add3A_13, %sub3A : vector<1024x128xf32>
    %exp3A = math.exp %sub3A_15 : vector<1024x128xf32>
    %iota3A = tpu.iota {dimensions = array<i32: 0>} : vector<128x128xi32>
    %iota3A_16 = tpu.iota {dimensions = array<i32: 1>} : vector<128x128xi32>
    %jit3A = arith.constant 8 : i32
    %div3A = vector.broadcast %jit3A : i32 to vector<128x128xi32>
    %div3A_17 = arith.divsi %iota3A, %div3A : vector<128x128xi32>
    %sign3A = arith.constant 0 : i32
    %sign3A_18 = vector.broadcast %sign3A : i32 to vector<128x128xi32>
    %sign3A_19 = arith.cmpi sgt, %iota3A, %sign3A_18 : vector<128x128xi32>
    %sign3A_20 = arith.extui %sign3A_19 : vector<128x128xi1> to vector<128x128xi32>
    %sign3A_21 = arith.constant 0 : i32
    %sign3A_22 = vector.broadcast %sign3A_21 : i32 to vector<128x128xi32>
    %sign3A_23 = arith.cmpi slt, %iota3A, %sign3A_22 : vector<128x128xi32>
    %sign3A_24 = arith.extui %sign3A_23 : vector<128x128xi1> to vector<128x128xi32>
    %sign3A_25 = arith.subi %sign3A_20, %sign3A_24 : vector<128x128xi32>
    %sign3A_26 = arith.constant 0 : i32
    %sign3A_27 = arith.cmpi sgt, %jit3A, %sign3A_26 : i32
    %sign3A_28 = arith.extui %sign3A_27 : i1 to i32
    %sign3A_29 = arith.constant 0 : i32
    %sign3A_30 = arith.cmpi slt, %jit3A, %sign3A_29 : i32
    %sign3A_31 = arith.extui %sign3A_30 : i1 to i32
    %sign3A_32 = arith.subi %sign3A_28, %sign3A_31 : i32
    %ne3A = vector.broadcast %sign3A_32 : i32 to vector<128x128xi32>
    %ne3A_33 = arith.cmpi ne, %sign3A_25, %ne3A : vector<128x128xi32>
    %rem3A = vector.broadcast %jit3A : i32 to vector<128x128xi32>
    %rem3A_34 = arith.remsi %iota3A, %rem3A : vector<128x128xi32>
    %ne3A_35 = arith.constant 0 : i32
    %ne3A_36 = vector.broadcast %ne3A_35 : i32 to vector<128x128xi32>
    %ne3A_37 = arith.cmpi ne, %rem3A_34, %ne3A_36 : vector<128x128xi32>
    %and3A = arith.andi %ne3A_33, %ne3A_37 : vector<128x128xi1>
    %sub3A_38 = arith.constant 1 : i32
    %sub3A_39 = vector.broadcast %sub3A_38 : i32 to vector<128x128xi32>
    %sub3A_40 = arith.subi %div3A_17, %sub3A_39 : vector<128x128xi32>
    %select_n3A = arith.select %and3A, %sub3A_40, %div3A_17 : vector<128x128xi1>, vector<128x128xi32>
    %jit3A_41 = arith.constant 8 : i32
    %div3A_42 = vector.broadcast %jit3A_41 : i32 to vector<128x128xi32>
    %div3A_43 = arith.divsi %iota3A_16, %div3A_42 : vector<128x128xi32>
    %sign3A_44 = arith.constant 0 : i32
    %sign3A_45 = vector.broadcast %sign3A_44 : i32 to vector<128x128xi32>
    %sign3A_46 = arith.cmpi sgt, %iota3A_16, %sign3A_45 : vector<128x128xi32>
    %sign3A_47 = arith.extui %sign3A_46 : vector<128x128xi1> to vector<128x128xi32>
    %sign3A_48 = arith.constant 0 : i32
    %sign3A_49 = vector.broadcast %sign3A_48 : i32 to vector<128x128xi32>
    %sign3A_50 = arith.cmpi slt, %iota3A_16, %sign3A_49 : vector<128x128xi32>
    %sign3A_51 = arith.extui %sign3A_50 : vector<128x128xi1> to vector<128x128xi32>
    %sign3A_52 = arith.subi %sign3A_47, %sign3A_51 : vector<128x128xi32>
    %sign3A_53 = arith.constant 0 : i32
    %sign3A_54 = arith.cmpi sgt, %jit3A_41, %sign3A_53 : i32
    %sign3A_55 = arith.extui %sign3A_54 : i1 to i32
    %sign3A_56 = arith.constant 0 : i32
    %sign3A_57 = arith.cmpi slt, %jit3A_41, %sign3A_56 : i32
    %sign3A_58 = arith.extui %sign3A_57 : i1 to i32
    %sign3A_59 = arith.subi %sign3A_55, %sign3A_58 : i32
    %ne3A_60 = vector.broadcast %sign3A_59 : i32 to vector<128x128xi32>
    %ne3A_61 = arith.cmpi ne, %sign3A_52, %ne3A_60 : vector<128x128xi32>
    %rem3A_62 = vector.broadcast %jit3A_41 : i32 to vector<128x128xi32>
    %rem3A_63 = arith.remsi %iota3A_16, %rem3A_62 : vector<128x128xi32>
    %ne3A_64 = arith.constant 0 : i32
    %ne3A_65 = vector.broadcast %ne3A_64 : i32 to vector<128x128xi32>
    %ne3A_66 = arith.cmpi ne, %rem3A_63, %ne3A_65 : vector<128x128xi32>
    %and3A_67 = arith.andi %ne3A_61, %ne3A_66 : vector<128x128xi1>
    %sub3A_68 = arith.constant 1 : i32
    %sub3A_69 = vector.broadcast %sub3A_68 : i32 to vector<128x128xi32>
    %sub3A_70 = arith.subi %div3A_43, %sub3A_69 : vector<128x128xi32>
    %select_n3A_71 = arith.select %and3A_67, %sub3A_70, %div3A_43 : vector<128x128xi1>, vector<128x128xi32>
    %eq3A_72 = arith.cmpi eq, %select_n3A, %select_n3A_71 : vector<128x128xi32>
    %convert_element_type3A_73 = arith.extui %eq3A_72 : vector<128x128xi1> to vector<128x128xi32>
    %convert_element_type3A_74 = arith.sitofp %convert_element_type3A_73 : vector<128x128xi32> to vector<128x128xf32>
    %dot_general3A_75 = arith.constant dense<0.000000e+00> : vector<1024x128xf32>
    %dot_general3A_76 = tpu.matmul %exp3A, %convert_element_type3A_74, %dot_general3A_75 {dimension_numbers = #tpu.dot_dimension_numbers<[1], [0], [0], [1], [0, 0, 1, 1], [], []>, transpose_lhs_hint = false} : vector<1024x128xf32>, vector<128x128xf32>, vector<1024x128xf32> -> vector<1024x128xf32>
    %max3A = arith.constant 9.99999991E-38 : f32
    %max3A_77 = vector.broadcast %max3A : f32 to vector<1024x128xf32>
    %max3A_78 = arith.maximumf %dot_general3A_76, %max3A_77 : vector<1024x128xf32>
    %div3A_79 = arith.divf %exp3A, %max3A_78 : vector<1024x128xf32>
    %get3A_80 = arith.constant 0 : index
    %get3A_81 = arith.constant 0 : index
    %get3A_82 = vector.load %arg14[%get3A_80, %get3A_81] : memref<128x1024xf32, #tpu.memory_space<vmem>>, vector<128x1024xf32>
    %dot_general3A_83 = arith.constant dense<0.000000e+00> : vector<1024x1024xf32>
    %dot_general3A_84 = tpu.matmul %div3A_79, %get3A_82, %dot_general3A_83 {dimension_numbers = #tpu.dot_dimension_numbers<[1], [0], [0], [1], [0, 0, 1, 1], [], []>, transpose_lhs_hint = false} : vector<1024x128xf32>, vector<128x1024xf32>, vector<1024x1024xf32> -> vector<1024x1024xf32>
    %get3A_85 = arith.constant 0 : index
    %get3A_86 = arith.constant 0 : index
    %get3A_87 = vector.load %arg9[%get3A_85, %get3A_86] : memref<1x1024xf32, #tpu.memory_space<vmem>>, vector<1x1024xf32>
    %add3A_88 = vector.broadcast %get3A_87 : vector<1x1024xf32> to vector<1024x1024xf32>
    %add3A_89 = arith.addf %dot_general3A_84, %add3A_88 : vector<1024x1024xf32>
    %add3A_90 = arith.addf %get3A_5, %add3A_89 : vector<1024x1024xf32>
    %reduce_sum3A = arith.constant dense<0.000000e+00> : vector<1024xf32>
    %reduce_sum3A_91 = vector.multi_reduction <add>, %add3A_90, %reduce_sum3A [1] : vector<1024x1024xf32> to vector<1024xf32>
    %broadcast_in_dim3A_92 = vector.shape_cast %reduce_sum3A_91 : vector<1024xf32> to vector<1024x1xf32>
    %div3A_93 = arith.constant 1.024000e+03 : f32
    %div3A_94 = vector.broadcast %div3A_93 : f32 to vector<1024x1xf32>
    %div3A_95 = arith.divf %broadcast_in_dim3A_92, %div3A_94 : vector<1024x1xf32>
    %sub3A_96 = vector.broadcast %div3A_95 : vector<1024x1xf32> to vector<1024x1024xf32>
    %sub3A_97 = arith.subf %add3A_90, %sub3A_96 : vector<1024x1024xf32>
    %mul3A = arith.mulf %sub3A_97, %sub3A_97 : vector<1024x1024xf32>
    %reduce_sum3A_98 = arith.constant dense<0.000000e+00> : vector<1024xf32>
    %reduce_sum3A_99 = vector.multi_reduction <add>, %mul3A, %reduce_sum3A_98 [1] : vector<1024x1024xf32> to vector<1024xf32>
    %broadcast_in_dim3A_100 = vector.shape_cast %reduce_sum3A_99 : vector<1024xf32> to vector<1024x1xf32>
    %div3A_101 = arith.constant 1.024000e+03 : f32
    %div3A_102 = vector.broadcast %div3A_101 : f32 to vector<1024x1xf32>
    %div3A_103 = arith.divf %broadcast_in_dim3A_100, %div3A_102 : vector<1024x1xf32>
    %add3A_104 = arith.constant 9.99999974E-6 : f32
    %add3A_105 = vector.broadcast %add3A_104 : f32 to vector<1024x1xf32>
    %add3A_106 = arith.addf %div3A_103, %add3A_105 : vector<1024x1xf32>
    %rsqrt3A = math.rsqrt %add3A_106 : vector<1024x1xf32>
    %mul3A_107 = vector.broadcast %rsqrt3A : vector<1024x1xf32> to vector<1024x1024xf32>
    %mul3A_108 = arith.mulf %sub3A_97, %mul3A_107 : vector<1024x1024xf32>
    %get3A_109 = arith.constant 0 : index
    %get3A_110 = arith.constant 0 : index
    %get3A_111 = vector.load %arg10[%get3A_109, %get3A_110] : memref<1x1024xf32, #tpu.memory_space<vmem>>, vector<1x1024xf32>
    %mul3A_112 = vector.broadcast %get3A_111 : vector<1x1024xf32> to vector<1024x1024xf32>
    %mul3A_113 = arith.mulf %mul3A_108, %mul3A_112 : vector<1024x1024xf32>
    %get3A_114 = arith.constant 0 : index
    %get3A_115 = arith.constant 0 : index
    %get3A_116 = vector.load %arg11[%get3A_114, %get3A_115] : memref<1x1024xf32, #tpu.memory_space<vmem>>, vector<1x1024xf32>
    %add3A_117 = vector.broadcast %get3A_116 : vector<1x1024xf32> to vector<1024x1024xf32>
    %add3A_118 = arith.addf %mul3A_113, %add3A_117 : vector<1024x1024xf32>
    %swap3A = arith.constant 0 : index
    %swap3A_119 = arith.constant 0 : index
    %swap3A_120 = arith.constant 0 : index
    %swap3A_121 = vector.load %arg12[%swap3A, %swap3A_119, %swap3A_120] : memref<1x1024x1024xf32, #tpu.memory_space<vmem>>, vector<1x1024x1024xf32>
    %swap3A_122 = vector.shape_cast %swap3A_121 : vector<1x1024x1024xf32> to vector<1024x1024xf32>
    %swap3A_123 = vector.shape_cast %add3A_118 : vector<1024x1024xf32> to vector<1x1024x1024xf32>
    tpu.vector_store %arg12[%swap3A, %swap3A_119, %swap3A_120], %swap3A_123 {strides = array<i32>} : memref<1x1024x1024xf32, #tpu.memory_space<vmem>>, vector<1x1024x1024xf32>,
    return
  }
  func.func @transform_0(%arg0: i32, %arg1: i32) -> (i32, i32, i32) {
    %c0_i32 = arith.constant 0 : i32
    %c0_i32_0 = arith.constant 0 : i32
    %c0_i32_1 = arith.constant 0 : i32
    return %arg0, %c0_i32, %c0_i32_0 : i32, i32, i32
  }
  func.func @transform_1(%arg0: i32, %arg1: i32) -> (i32, i32) {
    %c0_i32 = arith.constant 0 : i32
    %c0_i32_0 = arith.constant 0 : i32
    %c0_i32_1 = arith.constant 0 : i32
    return %c0_i32, %c0_i32_0 : i32, i32
  }
  func.func @transform_2(%arg0: i32, %arg1: i32) -> (i32, i32) {
    %c0_i32 = arith.constant 0 : i32
    %c0_i32_0 = arith.constant 0 : i32
    %c0_i32_1 = arith.constant 0 : i32
    return %c0_i32, %c0_i32_0 : i32, i32
  }
  func.func @transform_3(%arg0: i32, %arg1: i32) -> (i32, i32) {
    %c0_i32 = arith.constant 0 : i32
    %c0_i32_0 = arith.constant 0 : i32
    %c0_i32_1 = arith.constant 0 : i32
    return %c0_i32, %c0_i32_0 : i32, i32
  }
  func.func @transform_4(%arg0: i32, %arg1: i32) -> (i32, i32) {
    %c0_i32 = arith.constant 0 : i32
    %c0_i32_0 = arith.constant 0 : i32
    %c0_i32_1 = arith.constant 0 : i32
    return %c0_i32, %c0_i32_0 : i32, i32
  }
  func.func @transform_5(%arg0: i32, %arg1: i32) -> (i32, i32) {
    %c0_i32 = arith.constant 0 : i32
    %c0_i32_0 = arith.constant 0 : i32
    %c0_i32_1 = arith.constant 0 : i32
    return %c0_i32, %c0_i32_0 : i32, i32
  }
  func.func @transform_6(%arg0: i32, %arg1: i32) -> (i32, i32, i32) {
    %c0_i32 = arith.constant 0 : i32
    %c0_i32_0 = arith.constant 0 : i32
    return %arg0, %arg1, %c0_i32 : i32, i32, i32
  }
  func.func @transform_7(%arg0: i32, %arg1: i32) -> (i32, i32) {
    %c0_i32 = arith.constant 0 : i32
    %c0_i32_0 = arith.constant 0 : i32
    %c0_i32_1 = arith.constant 0 : i32
    return %c0_i32, %c0_i32_0 : i32, i32
  }
  func.func @transform_8(%arg0: i32, %arg1: i32) -> (i32, i32) {
    %c0_i32 = arith.constant 0 : i32
    %c0_i32_0 = arith.constant 0 : i32
    %c0_i32_1 = arith.constant 0 : i32
    return %c0_i32, %c0_i32_0 : i32, i32
  }
  func.func @transform_9(%arg0: i32, %arg1: i32) -> (i32, i32) {
    %c0_i32 = arith.constant 0 : i32
    %c0_i32_0 = arith.constant 0 : i32
    %c0_i32_1 = arith.constant 0 : i32
    return %c0_i32, %c0_i32_0 : i32, i32
  }
  func.func @transform_10(%arg0: i32, %arg1: i32) -> (i32, i32, i32) {
    %c0_i32 = arith.constant 0 : i32
    %c0_i32_0 = arith.constant 0 : i32
    return %arg0, %arg1, %c0_i32 : i32, i32, i32
  }
}

</mosaic_0001>

<sc_bundles>
// kernel: kernel.6.cloned.1.call-start
scs
__scs_entry_jumppad:
0x0: {  	(pc) =	sbr.rel $0x88, $3  }
0x1: {  	(tag) =	ssettag $0x0;
	lr =	simm.s32 $0x1  }
0x2: {  	[smem:$0x3F8C] =	sst lr;
	_ =	strace $0xD0000000  }
0x3: {  	_ = 	snop  }
0x4: {  	_ = 	snop  }
0x5: {  	_ = 	snop  }
0x6: {  	_ = 	snop  }
0x7: {  	_ = 	snop  }
__scs_overlays_trampoline_lowered:
0x8: {  	[smem:$0x3F9B] =	sst s0  }
0x9: {  	[smem:$0x3F9C] =	sst s1  }
0xa: {  	[smem:$0x3F9D] =	sst s2  }
0xb: {  	[smem:$0x3F9E] =	sst s3  }
0xc: {  	[smem:$0x3F9F] =	sst s4  }
0xd: {  	[smem:$0x3FA0] =	sst s5  }
0xe: {  	[smem:$0x3FA1] =	sst s6  }
0xf: {  	[smem:$0x3FA2] =	sst s7  }
0x10: {  	[smem:$0x3FA3] =	sst s8  }
0x11: {  	[smem:$0x3FA4] =	sst s9;
	s0 =	simm.s32 @!p0 $0x0  }
0x12: {  	s1 =	sld [smem:$0x3F8A];
	s0 =	simm.s32 @p0 $0x1  }
0x13: {  	[smem:$0x3FA5] =	sst s0;
	s0 =	simm.s32 @!p1 $0x0  }
0x14: {  	s2 =	sld [smem:$0x3F89];
	s0 =	simm.s32 @p1 $0x1  }
0x15: {  	[smem:$0x3FA6] =	sst s0;
	s0 =	simm.s32 @!p2 $0x0  }
0x16: {  	s3 =	sld [smem:$0x3FDB];
	s0 =	simm.s32 @p2 $0x1  }
0x17: {  	s4 =	simm.s32 $0x1BF5;
	[smem:$0x3FA8] =	sst s0  }
0x18: {  	s0 =	sld [smem:$0x3F8B];
	_ =	swait.ge [sflag:s4], $0x0  }
0x19: {  	s7 =	sld [smem:$0x3F8C]  }
0x1a: {  	s8 =	sadd.s32 $0xFFFFE003, lr  }
0x1b: {  	s9 =	sadd.s32 $0xFFFFFEF7, lr;
	s5 =	simm.s32 $0xFFFFFFFF;
	p2 =	slt.u32 s8, $0xFFFFF086  }
0x1c: {  	p1 =	slt.u32 s9, $0xF7A;
	s5 =	simm.s32 @!p2 $0x0  }
0x1d: {  	s5 =	simm.s32 @p1 $0x1;
	p0 =	seq.s32 s7, s2  }
0x1e: {  	s7 =	smul.u32 @!p0 $0xF7A, s2;
	p2 =	seq.s32 @!p0 s5, $0x0  }
0x1f: {  	s9 =	smul.u32 $0xF7A, s1;
	s8 =	simm.s32 @!p0 $0x1BF5;
	p2 =	por !p2, p0  }
0x20: {  	[sflag:s8] =	ssyncset.s32 @!p0 $0xFFFFF086;
	s6 =	sadd.s32 @!p0 s3, s7;
	s7 =	simm.s32 @!p0 $0x108  }
0x21: {  	s3 =	sadd.s32 s3, s9;
	s6 =	sadd.s32 @!p0 $0x88, s6;
	s7 =	simm.s32 @p2 $0x1082  }
0x22: {  	[simem:s7], [sflag:s8] =	dma.local @!p0 [hbm:s6], $0xF7A  }
0x23: {  	s9 =	sor.u32 $0xD0000000, s2;
	s6 =	simm.s32 $0x108;
	_ =	swait.ge @!p0 [sflag:s8], $0x0  }
0x24: {  	s3 =	sadd.s32 $0x88, s3;
	s6 =	simm.s32 @!p1 $0x1082;
	[sflag:s4] =	ssyncset.s32 $0xFFFFF086  }
0x25: {  	[simem:s6], [sflag:s4] =	dma.local [hbm:s3], $0xF7A  }
0x26: {  	[smem:$0x3F8C] =	sst s1;
	(tag) =	ssettag s2;
	_ =	strace s9  }
0x27: {  	s1 =	sld [smem:$0x3F9C]  }
0x28: {  	s2 =	sld [smem:$0x3F9D]  }
0x29: {  	s4 =	sld [smem:$0x3F9F]  }
0x2a: {  	p0 =	seq.s32 s5, $0x0;
	s5 =	sld [smem:$0x3FA0]  }
0x2b: {  	s6 =	sld [smem:$0x3FA1]  }
0x2c: {  	s7 =	sld [smem:$0x3FA2]  }
0x2d: {  	s3 =	simm.s32 $0x108;
	s8 =	sld [smem:$0x3FA3]  }
0x2e: {  	s3 =	simm.s32 @!p0 $0x1082;
	s9 =	sld [smem:$0x3FA4]  }
0x2f: {  	lr =	sadd.s32 s0, s3;
	s0 =	sld [smem:$0x3F9B]  }
0x30: {  	s3 =	sld [smem:$0x3F9E]  }
0x31: {  	[smem:$0x3FA7] =	sst s10  }
0x32: {  	s10 =	sld [smem:$0x3FA5];
	_ =	sdelay $0x3  }
0x33: {  	p0 =	seq.s32 s10, $0x1;
	s10 =	sld [smem:$0x3FA7];
	_ =	sdelay $0x3  }
0x34: {  	[smem:$0x3FA7] =	sst s10  }
0x35: {  	s10 =	sld [smem:$0x3FA6];
	_ =	sdelay $0x3  }
0x36: {  	p1 =	seq.s32 s10, $0x1;
	s10 =	sld [smem:$0x3FA7];
	_ =	sdelay $0x3  }
0x37: {  	[smem:$0x3FA7] =	sst s10  }
0x38: {  	s10 =	sld [smem:$0x3FA8]  }
0x39: {  	_ = 	snop;
	(pc) =	sbr.ind lr, $3  }
0x3a: {  	_ = 	snop  }
0x3b: {  	_ = 	snop  }
0x3c: {  	p2 =	seq.s32 s10, $0x1;
	s10 =	sld [smem:$0x3FA7]  }
0x3d: {  	_ =	shalt  }
0x3e: {  	_ =	shalt  }
0x3f: {  	_ =	shalt  }
0x40: {  	_ =	shalt  }
0x41: {  	_ =	shalt  }
0x42: {  	_ =	shalt  }
0x43: {  	_ =	shalt  }
0x44: {  	_ =	shalt  }
0x45: {  	_ =	shalt  }
0x46: {  	_ =	shalt  }
0x47: {  	_ =	shalt  }
0x48: {  	_ =	shalt  }
0x49: {  	_ =	shalt  }
0x4a: {  	_ =	shalt  }
0x4b: {  	_ =	shalt  }
0x4c: {  	_ =	shalt  }
0x4d: {  	_ =	shalt  }
0x4e: {  	_ =	shalt  }
0x4f: {  	_ =	shalt  }
0x50: {  	_ =	shalt  }
0x51: {  	_ =	shalt  }
0x52: {  	_ =	shalt  }
0x53: {  	_ =	shalt  }
0x54: {  	_ =	shalt  }
0x55: {  	_ =	shalt  }
0x56: {  	_ =	shalt  }
0x57: {  	_ =	shalt  }
0x58: {  	_ =	shalt  }
0x59: {  	_ =	shalt  }
0x5a: {  	_ =	shalt  }
0x5b: {  	_ =	shalt  }
0x5c: {  	_ =	shalt  }
0x5d: {  	_ =	shalt  }
0x5e: {  	_ =	shalt  }
0x5f: {  	_ =	shalt  }
0x60: {  	_ =	shalt  }
0x61: {  	_ =	shalt  }
0x62: {  	_ =	shalt  }
0x63: {  	_ =	shalt  }
0x64: {  	_ =	shalt  }
0x65: {  	_ =	shalt  }
0x66: {  	_ =	shalt  }
0x67: {  	_ =	shalt  }
0x68: {  	_ =	shalt  }
0x69: {  	_ =	shalt  }
0x6a: {  	_ =	shalt  }
0x6b: {  	_ =	shalt  }
0x6c: {  	_ =	shalt  }
0x6d: {  	_ =	shalt  }
0x6e: {  	_ =	shalt  }
0x6f: {  	_ =	shalt  }
0x70: {  	_ =	shalt  }
0x71: {  	_ =	shalt  }
0x72: {  	_ =	shalt  }
0x73: {  	_ =	shalt  }
0x74: {  	_ =	shalt  }
0x75: {  	_ =	shalt  }
0x76: {  	_ =	shalt  }
0x77: {  	_ =	shalt  }
0x78: {  	_ =	shalt  }
0x79: {  	_ =	shalt  }
0x7a: {  	_ =	shalt  }
0x7b: {  	_ =	shalt  }
0x7c: {  	_ =	shalt  }
0x7d: {  	_ =	shalt  }
0x7e: {  	_ =	shalt  }
0x7f: {  	_ =	shalt  }
0x80: {  	_ =	shalt  }
0x81: {  	_ =	shalt  }
0x82: {  	_ =	shalt  }
0x83: {  	_ =	shalt  }
0x84: {  	_ =	shalt  }
0x85: {  	_ =	shalt  }
0x86: {  	_ =	shalt  }
0x87: {  	_ =	shalt  }
.Lfunc_end0:
.L_simem_size_0:
called_computation_lowered:
.L_overlay_start_0:
0x88: {  	s0 =	sld [smem:$0x3FD9]  }
0x89: {  	s1 =	sld [smem:$0x3FFE];
	_ =	sdelay $0x3  }
0x8a: {  	s0 =	sadd.s32 s1, s0  }
0x8b: {  	[smem:$0x3FB3] =	sst s0  }
0x8c: {  	_ = 	snop  }
0x8d: {  	s0 =	sld [smem:$0x3FD0];
	(tm) =	ssettm $0x1  }
0x8e: {  	s16 =	sld [smem:$0x3FFB];
	_ =	sdelay $0x3  }
0x8f: {  	_ =	strace s16  }
0x90: {  	s1 =	sld [smem:$0x3FFC];
	_ =	sdelay $0x3  }
0x91: {  	_ =	strace s1  }
0x92: {  	s1 =	sld [smem:$0x3FFD];
	_ =	sdelay $0x3  }
0x93: {  	_ =	strace s1  }
0x94: {  	_ =	strace $0x8FFFFFFF  }
0x95: {  	s17 =	sld [smem:$0x3FDB];
	_ =	sdelay $0x1  }
0x96: {  	s2 =	simm.s32 $_scs_section_size  }
0x97: {  	s3 =	simm.s32 $_size__tile_overlayer_lowered;
	s4 =	simm.s32 $_tile_overlayer_lowered  }
0x98: {  	s20 =	simm.s32 $0x1BFF;
	s19 =	sshll.u32 s4, $0x1;
	s1 =	sadd.s32 s2, s17  }
0x99: {  	s5 =	simm.s32 $0x0;
	s18 =	sshll.u32 s3, $0x1;
	s3 =	sadd.s32 s19, s1  }
0x9a: {  	[timem:s5], [sflag:s20] =	dma.local [hbm:s3], s18  }
0x9b: {  	_ =	swait.ge [sflag:s20], s18  }
0x9c: {  	s2 =	ssub.s32 $0x0, s18;
	[sflag:s20] =	ssyncset.done $0x0  }
0x9d: {  	[sflag:s20] =	ssyncadd.s32 s2;
	_ =	sdelay $0x1  }
0x9e: {  	s21 =	simm.s32 $0x1B8B  }
0x9f: {  	_ =	swait.ge [sflag:s21], $0x1  }
0xa0: {  	[sflag:s21] =	ssyncset.done $0x0  }
0xa1: {  	s23 =	simm.s32 $0x1B8E;
	s22 =	sld [smem:$0x3FFE];
	[sflag:s21] =	ssyncadd.s32 $0xFFFFFFFF  }
0xa2: {  	s24 =	simm.s32 $execute0_lowered;
	[smem:$0x3FD2] =	sst s23  }
0xa3: {  	s3 =	sshll.u32 s24, $0x1;
	_ =	strace $0x80000046;
	[dreg:$0x1] =	wrdreg $0xFFFFFFFF  }
0xa4: {  	s25 =	simm.s32 $_size_execute0_lowered;
	s1 =	sadd.s32 s1, s3;
	[dreg:$0x0] =	wrdreg $0x0  }
0xa5: {  	s3 =	sshll.u32 s25, $0x1;
	[dreg:$0x2] =	wrdreg s1  }
0xa6: {  	[dreg:$0x3] =	wrdreg s3  }
0xa7: {  	[dreg:$0x4] =	wrdreg $0xC0  }
0xa8: {  	_ =	task [dreg:s5], $0x5FFFF  }
0xa9: {  	[dreg:$0x1] =	wrdreg $0xFFFFFFFF  }
0xaa: {  	[dreg:$0x0] =	wrdreg $0x60  }
0xab: {  	[dreg:$0x2] =	wrdreg s0  }
0xac: {  	[dreg:$0x3] =	wrdreg s22  }
0xad: {  	[dreg:$0x4] =	wrdreg $0x9  }
0xae: {  	_ =	task.clear_ibuf [dreg:s5], $0x5FFFF;
	_ =	strace $0x90000046  }
0xaf: {  	s26 =	simm.s32 $0x9;
	_ =	strace $0x80000048  }
0xb0: {  	_ =	swait.ge [sflag:s26], $0x1  }
0xb1: {  	[sflag:s26] =	ssyncadd.s32 $0xFFFFFFFF  }
0xb2: {  	_ =	strace $0x90000048  }
0xb3: {  	_ =	sfence  }
0xb4: {  	s28 =	sld [smem:$0x0];
	_ =	sdelay $0x1  }
0xb5: {  	s29 =	srdreg.scid  }
0xb6: {  	s30 =	sshll.u32 s29, $0xD;
	s31 =	sshrl.u32 s29, $0x2  }
0xb7: {  	s2 =	sand.u32 $0x4000, s30;
	s1 =	sand.u32 $0x1, s29;
	s0 =	sadd.s32 s31, s28  }
0xb8: {  	s1 =	sor.u32 s2, s1;
	s0 =	sshll.u32 s0, $0x11  }
0xb9: {  	s0 =	sor.u32 s0, s1  }
0xba: {  	s0 =	sadd.s32 $0x8F2B, s0  }
0xbb: {  	[sflag:s0] =	ssyncadd.remote.s32 $0x1  }
0xbc: {  	_ =	sfence.sel $0xFFFF  }
0xbd: {  	[dreg:$0x0] =	wrdreg $0xFFFFFFFF;
	(pc) =	sbr.abs _section_cstart, $3  }
0xbe: {  	[dreg:$0x1] =	wrdreg $0xFFFFFFFF  }
0xbf: {  	_ =	task.clear_ibuf [dreg:s5], $0x2FFFF;
	_ =	strace $0x9FFFFFFF  }
0xc0: {  	(tm) =	ssettm $0x7FFFFFFF  }
0xc1: {  	_ =	shalt  }
tec
execute0_lowered:
.L_overlay_start_1:
0x0: {  	(tag) =	ssettag $0x1  }
0x1: {  	s1 =	stileid.u32  }
0x2: {  	p0 =	sgt.u32 s1, $0x1  }
.Ltmp0:
0x3: {  	_ = 	snop;
	(pc) =	sbr.rel @p0 .LBB2_2-.Ltmp0, $4  }
0x4: {  	s5 =	rddreg [dreg:$0x0]  }
0x5: {  	s3 =	rddreg [dreg:$0x1];
	s2 =	simm.s32 $0x0  }
0x6: {  	[smem:$0x7FF] =	sst s2  }
0x7: {  	s0 =	rddreg [dreg:$0x2];
	_ =	strace $0x80000047  }
0x8: {  	s4 =	sshll.u32 s1, $0x4;
	s7 =	simm.s32 $0x80  }
0x9: {  	s6 =	simm.s32 $0x100;
	s31 =	simm.s32 $0x1;
	s5 =	sadd.s32 s5, s4  }
0xa: {  	[tilespmem:s2], [sflag:$0x1] =	stream.strided.gather [hbm4b:s5+s7], $0x100, s6, s7, $0x38;
	[tilespmem:$0x180] =	vst v63  }
0xb: {  	_ =	swait.ge [sflag:s31], $0x100  }
0xc: {  	[sflag:s31] =	ssyncset.done $0x0  }
0xd: {  	[sflag:s31] =	ssyncadd.s32 $0xFFFFFF00  }
0xe: {  	v36 =	vld [tilespmem:$0x0];
	_ =	sdelay $0x1  }
0xf: {  	v35 =	vld [tilespmem:$0x10];
	_ =	sdelay $0x1  }
0x10: {  	v34 =	vld [tilespmem:$0x20]  }
0x11: {  	vm1 =	vgt.f32 v36, $-3.000000010e+38  }
0x12: {  	v32 =	vld [tilespmem:$0x30];
	v0 =	vnsel vm1, $0xFF61B1E6, v36  }
0x13: {  	vm2 =	vgt.f32 v35, v0  }
0x14: {  	v31 =	vld [tilespmem:$0x40];
	v0 =	vsel vm2, v35, v0  }
0x15: {  	vm3 =	vgt.f32 v34, v0  }
0x16: {  	v29 =	vld [tilespmem:$0x50];
	v0 =	vsel vm3, v34, v0  }
0x17: {  	vm4 =	vgt.f32 v32, v0  }
0x18: {  	v28 =	vld [tilespmem:$0x60];
	v0 =	vsel vm4, v32, v0  }
0x19: {  	vm8 =	vgt.f32 v31, v0  }
0x1a: {  	v27 =	vld [tilespmem:$0x70];
	v0 =	vsel vm8, v31, v0  }
0x1b: {  	vm9 =	vgt.f32 v29, v0  }
0x1c: {  	v25 =	vld [tilespmem:$0x80];
	v0 =	vsel vm9, v29, v0  }
0x1d: {  	vm6 =	vgt.f32 v28, v0  }
0x1e: {  	v9 =	vimm.s32 $0xFEDCBA98;
	v10 =	vimm.s32 $0x76543210;
	v24 =	vld [tilespmem:$0x90];
	v0 =	vsel vm6, v28, v0  }
0x1f: {  	v42 =	vimm.s32 $0xBA98FEDC;
	v13 =	vimm.s32 $0x32107654;
	vm7 =	vgt.f32 v27, v0  }
0x20: {  	v14 =	vimm.s32 $0xDCFE98BA;
	v15 =	vimm.s32 $0x54761032;
	v23 =	vld [tilespmem:$0xA0];
	v0 =	vsel vm7, v27, v0  }
0x21: {  	v47 =	vimm.s32 $0xEFCDAB89;
	v17 =	vimm.s32 $0x67452301;
	vm5 =	vgt.f32 v25, v0  }
0x22: {  	v9 =	vunpack.c.l.s4.s8 v9;
	v10 =	vunpack.c.l.s4.s8 v10;
	v21 =	vld [tilespmem:$0xB0];
	v2 =	vsel vm5, v25, v0  }
0x23: {  	v43 =	vunpack.c.l.s4.s8 v13;
	v15 =	vunpack.c.l.s4.s8 v15;
	vm0 =	vgt.f32 v24, v2  }
0x24: {  	v17 =	vunpack.c.l.s4.s8 v17;
	v9 =	vunpack.c.0.s8.s32 v9;
	v22 =	vld [tilespmem:$0xC0];
	v4 =	vsel vm0, v24, v2  }
0x25: {  	v41 =	vunpack.c.0.s8.s32 v10;
	v10 =	vunpack.c.l.s4.s8 v42;
	vm10 =	vgt.f32 v23, v4  }
0x26: {  	v46 =	vunpack.c.0.s8.s32 v15;
	v15 =	vunpack.c.l.s4.s8 v47;
	v26 =	vld [tilespmem:$0xD0];
	v6 =	vsel vm10, v23, v4  }
0x27: {  	v9 =	vand.u32 $0xF, v9;
	v0 =	vlaneseq.u32;
	vm11 =	vgt.f32 v21, v6  }
0x28: {  	v30 =	vld [tilespmem:$0xE0];
	v3 =	vnsel vm1, $0x0, v0;
	v1 =	vor.u32 $0x10, v0;
	v8 =	vsel vm11, v21, v6  }
0x29: {  	v3 =	vsel vm2, v1, v3;
	v2 =	vor.u32 $0x20, v0;
	vm12 =	vgt.f32 v22, v8  }
0x2a: {  	v33 =	vld [tilespmem:$0xF0];
	v5 =	vsel vm3, v2, v3;
	v3 =	vor.u32 $0x30, v0;
	v8 =	vsel vm12, v22, v8  }
0x2b: {  	v5 =	vsel vm4, v3, v5;
	v4 =	vor.u32 $0x40, v0;
	vm13 =	vgt.f32 v26, v8  }
0x2c: {  	v7 =	vsel vm8, v4, v5;
	v5 =	vor.u32 $0x50, v0;
	v11 =	vsel vm13, v26, v8  }
0x2d: {  	v7 =	vsel vm9, v5, v7;
	v6 =	vor.u32 $0x60, v0;
	vm14 =	vgt.f32 v30, v11  }
0x2e: {  	v7 =	vsel vm6, v6, v7;
	v8 =	vor.u32 $0x70, v0;
	v11 =	vsel vm14, v30, v11  }
0x2f: {  	v10 =	vunpack.c.0.s8.s32 v10;
	v12 =	vsel vm7, v8, v7;
	vm15 =	vgt.f32 v33, v11  }
0x30: {  	v7 =	vcombine.low v9, v41;
	v20 =	vsel vm15, v33, v11;
	v11 =	vunpack.c.0.s8.s32 v43  }
0x31: {  	v14 =	vunpack.c.l.s4.s8 v14;
	v17 =	vunpack.c.0.s8.s32 v17  }
0x32: {  	v19 =	vunpack.c.0.s8.s32 v15;
	v44 =	vperm.xlane v20, v7;
	v10 =	vcombine.low v11, v10  }
0x33: {  	v45 =	vunpack.c.0.s8.s32 v14  }
0x34: {  	v17 =	vcombine.low v17, v19;
	v13 =	vmax.f32 v20, v44;
	v10 =	vand.u32 $0xF, v10  }
0x35: {  	v9 =	vor.u32 $0x80, v0;
	v11 =	vcombine.low v46, v45;
	v18 =	vperm.xlane v13, v10  }
0x36: {  	v14 =	vor.u32 $0xA0, v0;
	v16 =	vsel vm5, v9, v12;
	v12 =	vor.u32 $0x90, v0  }
0x37: {  	v16 =	vsel vm0, v12, v16;
	v18 =	vmax.f32 v13, v18;
	v13 =	vand.u32 $0xF, v11  }
0x38: {  	v15 =	vor.u32 $0xB0, v0;
	v16 =	vsel vm10, v14, v16;
	v11 =	vperm.xlane v18, v13  }
0x39: {  	v48 =	vsel vm11, v15, v16  }
0x3a: {  	v16 =	vor.u32 $0xC0, v0;
	v37 =	vmax.f32 v18, v11;
	v11 =	vand.u32 $0xF, v17  }
0x3b: {  	v49 =	vsel vm12, v16, v48;
	v17 =	vor.u32 $0xD0, v0;
	v38 =	vperm.xlane v37, v11  }
0x3c: {  	v18 =	vor.u32 $0xE0, v0;
	v19 =	vsel vm13, v17, v49  }
0x3d: {  	v39 =	vsel vm14, v18, v19;
	v19 =	vor.u32 $0xF0, v0;
	v37 =	vmax.f32 v37, v38  }
0x3e: {  	v50 =	vsel vm15, v19, v39;
	vm6 =	veq.f32 v20, v37  }
0x3f: {  	v20 =	vnsel vm6, $0x40000000, v50  }
0x40: {  	v51 =	vperm.xlane v20, v7;
	_ =	sdelay $0x1  }
0x41: {  	vm0 =	vlt.s32 v20, v51  }
0x42: {  	v20 =	vsel vm0, v20, v51  }
0x43: {  	v37 =	vperm.xlane v20, v10;
	_ =	sdelay $0x1  }
0x44: {  	vm0 =	vlt.s32 v20, v37  }
0x45: {  	v20 =	vsel vm0, v20, v37  }
0x46: {  	v37 =	vperm.xlane v20, v13;
	_ =	sdelay $0x1  }
0x47: {  	vm0 =	vlt.s32 v20, v37  }
0x48: {  	v20 =	vsel vm0, v20, v37  }
0x49: {  	v37 =	vperm.xlane v20, v11;
	_ =	sdelay $0x1  }
0x4a: {  	vm0 =	vlt.s32 v20, v37  }
0x4b: {  	v20 =	vsel vm0, v20, v37  }
0x4c: {  	vm0 =	veq.s32 v20, v0  }
0x4d: {  	v36 =	vsel vm0, $0xFF61B1E6, v36  }
0x4e: {  	vm7 =	veq.s32 v20, v1;
	vm0 =	vgt.f32 v36, $-3.000000010e+38  }
0x4f: {  	v35 =	vsel vm7, $0xFF61B1E6, v35;
	v52 =	vnsel vm0, $0xFF61B1E6, v36  }
0x50: {  	vm8 =	veq.s32 v20, v2;
	vm1 =	vgt.f32 v35, v52  }
0x51: {  	v34 =	vsel vm8, $0xFF61B1E6, v34;
	v37 =	vsel vm1, v35, v52  }
0x52: {  	vm9 =	veq.s32 v20, v3;
	vm2 =	vgt.f32 v34, v37  }
0x53: {  	v32 =	vsel vm9, $0xFF61B1E6, v32;
	v37 =	vsel vm2, v34, v37  }
0x54: {  	vm10 =	veq.s32 v20, v4;
	vm3 =	vgt.f32 v32, v37  }
0x55: {  	v31 =	vsel vm10, $0xFF61B1E6, v31;
	v37 =	vsel vm3, v32, v37  }
0x56: {  	vm11 =	veq.s32 v20, v5;
	vm4 =	vgt.f32 v31, v37  }
0x57: {  	v29 =	vsel vm11, $0xFF61B1E6, v29;
	v37 =	vsel vm4, v31, v37  }
0x58: {  	vm12 =	veq.s32 v20, v6;
	vm5 =	vgt.f32 v29, v37  }
0x59: {  	v28 =	vsel vm12, $0xFF61B1E6, v28;
	v37 =	vsel vm5, v29, v37  }
0x5a: {  	vm13 =	veq.s32 v20, v8;
	vm6 =	vgt.f32 v28, v37  }
0x5b: {  	v27 =	vsel vm13, $0xFF61B1E6, v27;
	v37 =	vsel vm6, v28, v37  }
0x5c: {  	vm14 =	veq.s32 v20, v9;
	vm7 =	vgt.f32 v27, v37  }
0x5d: {  	v25 =	vsel vm14, $0xFF61B1E6, v25;
	v37 =	vsel vm7, v27, v37  }
0x5e: {  	vm15 =	veq.s32 v20, v12;
	vm8 =	vgt.f32 v25, v37  }
0x5f: {  	v24 =	vsel vm15, $0xFF61B1E6, v24;
	v37 =	vsel vm8, v25, v37  }
0x60: {  	vm10 =	veq.s32 v20, v14;
	vm9 =	vgt.f32 v24, v37  }
0x61: {  	v23 =	vsel vm10, $0xFF61B1E6, v23;
	v37 =	vsel vm9, v24, v37  }
0x62: {  	vm11 =	veq.s32 v20, v15;
	vm10 =	vgt.f32 v23, v37  }
0x63: {  	v53 =	vsel vm11, $0xFF61B1E6, v21;
	v54 =	vsel vm10, v23, v37  }
0x64: {  	vm12 =	veq.s32 v20, v16;
	vm11 =	vgt.f32 v53, v54  }
0x65: {  	v22 =	vsel vm12, $0xFF61B1E6, v22;
	v21 =	vsel vm11, v53, v54  }
0x66: {  	vm12 =	veq.s32 v20, v17;
	vm13 =	vgt.f32 v22, v21  }
0x67: {  	v26 =	vsel vm12, $0xFF61B1E6, v26;
	v21 =	vsel vm13, v22, v21  }
0x68: {  	vm12 =	veq.s32 v20, v18;
	vm14 =	vgt.f32 v26, v21  }
0x69: {  	v30 =	vsel vm12, $0xFF61B1E6, v30;
	v21 =	vsel vm14, v26, v21  }
0x6a: {  	vm12 =	veq.s32 v20, v19;
	vm15 =	vgt.f32 v30, v21  }
0x6b: {  	v55 =	vnsel vm0, $0x0, v0;
	v33 =	vsel vm12, $0xFF61B1E6, v33;
	v21 =	vsel vm15, v30, v21  }
0x6c: {  	v37 =	vsel vm1, v1, v55;
	vm12 =	vgt.f32 v33, v21  }
0x6d: {  	v37 =	vsel vm2, v2, v37;
	v21 =	vsel vm12, v33, v21  }
0x6e: {  	v37 =	vsel vm3, v3, v37;
	v56 =	vperm.xlane v21, v7  }
0x6f: {  	v37 =	vsel vm4, v4, v37  }
0x70: {  	v37 =	vsel vm5, v5, v37;
	v39 =	vmax.f32 v21, v56  }
0x71: {  	v37 =	vsel vm6, v6, v37;
	v40 =	vperm.xlane v39, v10  }
0x72: {  	v37 =	vsel vm7, v8, v37  }
0x73: {  	v37 =	vsel vm8, v9, v37;
	v39 =	vmax.f32 v39, v40  }
0x74: {  	v37 =	vsel vm9, v12, v37;
	v40 =	vperm.xlane v39, v13  }
0x75: {  	v37 =	vsel vm10, v14, v37  }
0x76: {  	v37 =	vsel vm11, v15, v37;
	v39 =	vmax.f32 v39, v40  }
0x77: {  	v37 =	vsel vm13, v16, v37;
	v40 =	vperm.xlane v39, v11  }
0x78: {  	v37 =	vsel vm14, v17, v37  }
0x79: {  	v37 =	vsel vm15, v18, v37;
	v39 =	vmax.f32 v39, v40  }
0x7a: {  	v37 =	vsel vm12, v19, v37;
	vm4 =	veq.f32 v21, v39  }
0x7b: {  	v21 =	vnsel vm4, $0x40000000, v37  }
0x7c: {  	v37 =	vperm.xlane v21, v7;
	_ =	sdelay $0x1  }
0x7d: {  	vm0 =	vlt.s32 v21, v37  }
0x7e: {  	v21 =	vsel vm0, v21, v37  }
0x7f: {  	v37 =	vperm.xlane v21, v10;
	_ =	sdelay $0x1  }
0x80: {  	vm0 =	vlt.s32 v21, v37  }
0x81: {  	v21 =	vsel vm0, v21, v37  }
0x82: {  	v37 =	vperm.xlane v21, v13;
	_ =	sdelay $0x1  }
0x83: {  	vm0 =	vlt.s32 v21, v37  }
0x84: {  	v21 =	vsel vm0, v21, v37  }
0x85: {  	v37 =	vperm.xlane v21, v11;
	_ =	sdelay $0x1  }
0x86: {  	vm0 =	vlt.s32 v21, v37  }
0x87: {  	v21 =	vsel vm0, v21, v37  }
0x88: {  	vm0 =	veq.s32 v21, v0  }
0x89: {  	v36 =	vsel vm0, $0xFF61B1E6, v36  }
0x8a: {  	vm5 =	veq.s32 v21, v1;
	vm0 =	vgt.f32 v36, $-3.000000010e+38  }
0x8b: {  	v35 =	vsel vm5, $0xFF61B1E6, v35;
	v57 =	vnsel vm0, $0xFF61B1E6, v36  }
0x8c: {  	vm6 =	veq.s32 v21, v2;
	vm1 =	vgt.f32 v35, v57  }
0x8d: {  	v34 =	vsel vm6, $0xFF61B1E6, v34;
	v37 =	vsel vm1, v35, v57  }
0x8e: {  	vm7 =	veq.s32 v21, v3;
	vm2 =	vgt.f32 v34, v37  }
0x8f: {  	v32 =	vsel vm7, $0xFF61B1E6, v32;
	v37 =	vsel vm2, v34, v37  }
0x90: {  	vm8 =	veq.s32 v21, v4;
	vm3 =	vgt.f32 v32, v37  }
0x91: {  	v31 =	vsel vm8, $0xFF61B1E6, v31;
	v37 =	vsel vm3, v32, v37  }
0x92: {  	vm9 =	veq.s32 v21, v5;
	vm4 =	vgt.f32 v31, v37  }
0x93: {  	v29 =	vsel vm9, $0xFF61B1E6, v29;
	v37 =	vsel vm4, v31, v37  }
0x94: {  	vm10 =	veq.s32 v21, v6;
	vm5 =	vgt.f32 v29, v37  }
0x95: {  	v28 =	vsel vm10, $0xFF61B1E6, v28;
	v37 =	vsel vm5, v29, v37  }
0x96: {  	vm11 =	veq.s32 v21, v8;
	vm6 =	vgt.f32 v28, v37  }
0x97: {  	v27 =	vsel vm11, $0xFF61B1E6, v27;
	v37 =	vsel vm6, v28, v37  }
0x98: {  	vm12 =	veq.s32 v21, v9;
	vm7 =	vgt.f32 v27, v37  }
0x99: {  	v25 =	vsel vm12, $0xFF61B1E6, v25;
	v37 =	vsel vm7, v27, v37  }
0x9a: {  	vm13 =	veq.s32 v21, v12;
	vm8 =	vgt.f32 v25, v37  }
0x9b: {  	v24 =	vsel vm13, $0xFF61B1E6, v24;
	v37 =	vsel vm8, v25, v37  }
0x9c: {  	vm14 =	veq.s32 v21, v14;
	vm9 =	vgt.f32 v24, v37  }
0x9d: {  	v23 =	vsel vm14, $0xFF61B1E6, v23;
	v37 =	vsel vm9, v24, v37  }
0x9e: {  	vm15 =	veq.s32 v21, v15;
	vm10 =	vgt.f32 v23, v37  }
0x9f: {  	v38 =	vsel vm15, $0xFF61B1E6, v53;
	v37 =	vsel vm10, v23, v37  }
0xa0: {  	vm12 =	veq.s32 v21, v16;
	vm11 =	vgt.f32 v38, v37  }
0xa1: {  	v58 =	vsel vm12, $0xFF61B1E6, v22;
	v59 =	vsel vm11, v38, v37  }
0xa2: {  	vm12 =	veq.s32 v21, v17;
	vm13 =	vgt.f32 v58, v59  }
0xa3: {  	v26 =	vsel vm12, $0xFF61B1E6, v26;
	v22 =	vsel vm13, v58, v59  }
0xa4: {  	vm12 =	veq.s32 v21, v18;
	vm14 =	vgt.f32 v26, v22  }
0xa5: {  	v30 =	vsel vm12, $0xFF61B1E6, v30;
	v22 =	vsel vm14, v26, v22  }
0xa6: {  	vm12 =	veq.s32 v21, v19;
	vm15 =	vgt.f32 v30, v22  }
0xa7: {  	v60 =	vnsel vm0, $0x0, v0;
	v33 =	vsel vm12, $0xFF61B1E6, v33;
	v22 =	vsel vm15, v30, v22  }
0xa8: {  	v37 =	vsel vm1, v1, v60;
	vm12 =	vgt.f32 v33, v22  }
0xa9: {  	v37 =	vsel vm2, v2, v37;
	v22 =	vsel vm12, v33, v22  }
0xaa: {  	v37 =	vsel vm3, v3, v37;
	v61 =	vperm.xlane v22, v7  }
0xab: {  	v37 =	vsel vm4, v4, v37  }
0xac: {  	v37 =	vsel vm5, v5, v37;
	v40 =	vmax.f32 v22, v61  }
0xad: {  	v37 =	vsel vm6, v6, v37;
	v41 =	vperm.xlane v40, v10  }
0xae: {  	v37 =	vsel vm7, v8, v37  }
0xaf: {  	v37 =	vsel vm8, v9, v37;
	v40 =	vmax.f32 v40, v41  }
0xb0: {  	v37 =	vsel vm9, v12, v37;
	v41 =	vperm.xlane v40, v13  }
0xb1: {  	v37 =	vsel vm10, v14, v37  }
0xb2: {  	v37 =	vsel vm11, v15, v37;
	v40 =	vmax.f32 v40, v41  }
0xb3: {  	v37 =	vsel vm13, v16, v37;
	v41 =	vperm.xlane v40, v11  }
0xb4: {  	v37 =	vsel vm14, v17, v37  }
0xb5: {  	v37 =	vsel vm15, v18, v37;
	v40 =	vmax.f32 v40, v41  }
0xb6: {  	v37 =	vsel vm12, v19, v37;
	vm4 =	veq.f32 v22, v40  }
0xb7: {  	v22 =	vnsel vm4, $0x40000000, v37  }
0xb8: {  	v37 =	vperm.xlane v22, v7;
	_ =	sdelay $0x1  }
0xb9: {  	vm0 =	vlt.s32 v22, v37  }
0xba: {  	v22 =	vsel vm0, v22, v37  }
0xbb: {  	v37 =	vperm.xlane v22, v10;
	_ =	sdelay $0x1  }
0xbc: {  	vm0 =	vlt.s32 v22, v37  }
0xbd: {  	v22 =	vsel vm0, v22, v37  }
0xbe: {  	v37 =	vperm.xlane v22, v13;
	_ =	sdelay $0x1  }
0xbf: {  	vm0 =	vlt.s32 v22, v37  }
0xc0: {  	v22 =	vsel vm0, v22, v37  }
0xc1: {  	v37 =	vperm.xlane v22, v11;
	_ =	sdelay $0x1  }
0xc2: {  	vm0 =	vlt.s32 v22, v37  }
0xc3: {  	v22 =	vsel vm0, v22, v37  }
0xc4: {  	vm0 =	veq.s32 v22, v0  }
0xc5: {  	v36 =	vsel vm0, $0xFF61B1E6, v36  }
0xc6: {  	vm5 =	veq.s32 v22, v1;
	vm0 =	vgt.f32 v36, $-3.000000010e+38  }
0xc7: {  	v35 =	vsel vm5, $0xFF61B1E6, v35;
	v62 =	vnsel vm0, $0xFF61B1E6, v36  }
0xc8: {  	vm6 =	veq.s32 v22, v2;
	vm1 =	vgt.f32 v35, v62  }
0xc9: {  	v34 =	vsel vm6, $0xFF61B1E6, v34;
	v37 =	vsel vm1, v35, v62  }
0xca: {  	vm7 =	veq.s32 v22, v3;
	vm2 =	vgt.f32 v34, v37  }
0xcb: {  	v32 =	vsel vm7, $0xFF61B1E6, v32;
	v37 =	vsel vm2, v34, v37  }
0xcc: {  	vm8 =	veq.s32 v22, v4;
	vm3 =	vgt.f32 v32, v37  }
0xcd: {  	v31 =	vsel vm8, $0xFF61B1E6, v31;
	v37 =	vsel vm3, v32, v37  }
0xce: {  	vm9 =	veq.s32 v22, v5;
	vm4 =	vgt.f32 v31, v37  }
0xcf: {  	v29 =	vsel vm9, $0xFF61B1E6, v29;
	v37 =	vsel vm4, v31, v37  }
0xd0: {  	vm10 =	veq.s32 v22, v6;
	vm5 =	vgt.f32 v29, v37  }
0xd1: {  	v28 =	vsel vm10, $0xFF61B1E6, v28;
	v37 =	vsel vm5, v29, v37  }
0xd2: {  	vm11 =	veq.s32 v22, v8;
	vm6 =	vgt.f32 v28, v37  }
0xd3: {  	v27 =	vsel vm11, $0xFF61B1E6, v27;
	v37 =	vsel vm6, v28, v37  }
0xd4: {  	vm12 =	veq.s32 v22, v9;
	vm7 =	vgt.f32 v27, v37  }
0xd5: {  	v25 =	vsel vm12, $0xFF61B1E6, v25;
	v37 =	vsel vm7, v27, v37  }
0xd6: {  	vm13 =	veq.s32 v22, v12;
	vm8 =	vgt.f32 v25, v37  }
0xd7: {  	v24 =	vsel vm13, $0xFF61B1E6, v24;
	v37 =	vsel vm8, v25, v37  }
0xd8: {  	vm14 =	veq.s32 v22, v14;
	vm9 =	vgt.f32 v24, v37  }
0xd9: {  	v63 =	vsel vm14, $0xFF61B1E6, v23;
	v44 =	vsel vm9, v24, v37  }
0xda: {  	vm15 =	veq.s32 v22, v15;
	vm10 =	vgt.f32 v63, v44  }
0xdb: {  	v45 =	vsel vm15, $0xFF61B1E6, v38;
	v23 =	vsel vm10, v63, v44  }
0xdc: {  	vm12 =	veq.s32 v22, v16;
	vm11 =	vgt.f32 v45, v23  }
0xdd: {  	v46 =	vsel vm12, $0xFF61B1E6, v58;
	v23 =	vsel vm11, v45, v23  }
0xde: {  	vm12 =	veq.s32 v22, v17;
	vm13 =	vgt.f32 v46, v23  }
0xdf: {  	v26 =	vsel vm12, $0xFF61B1E6, v26;
	v23 =	vsel vm13, v46, v23  }
0xe0: {  	vm12 =	veq.s32 v22, v18;
	vm14 =	vgt.f32 v26, v23  }
0xe1: {  	v30 =	vsel vm12, $0xFF61B1E6, v30;
	v23 =	vsel vm14, v26, v23  }
0xe2: {  	vm12 =	veq.s32 v22, v19;
	vm15 =	vgt.f32 v30, v23  }
0xe3: {  	v47 =	vnsel vm0, $0x0, v0;
	v33 =	vsel vm12, $0xFF61B1E6, v33;
	v23 =	vsel vm15, v30, v23  }
0xe4: {  	v39 =	vsel vm1, v1, v47;
	vm12 =	vgt.f32 v33, v23  }
0xe5: {  	v39 =	vsel vm2, v2, v39;
	v23 =	vsel vm12, v33, v23  }
0xe6: {  	v39 =	vsel vm3, v3, v39;
	v48 =	vperm.xlane v23, v7  }
0xe7: {  	v39 =	vsel vm4, v4, v39  }
0xe8: {  	v39 =	vsel vm5, v5, v39;
	v41 =	vmax.f32 v23, v48  }
0xe9: {  	v39 =	vsel vm6, v6, v39;
	v42 =	vperm.xlane v41, v10  }
0xea: {  	v39 =	vsel vm7, v8, v39  }
0xeb: {  	v39 =	vsel vm8, v9, v39;
	v41 =	vmax.f32 v41, v42  }
0xec: {  	v39 =	vsel vm9, v12, v39;
	v42 =	vperm.xlane v41, v13  }
0xed: {  	v39 =	vsel vm10, v14, v39  }
0xee: {  	v39 =	vsel vm11, v15, v39;
	v41 =	vmax.f32 v41, v42  }
0xef: {  	v39 =	vsel vm13, v16, v39;
	v42 =	vperm.xlane v41, v11  }
0xf0: {  	v39 =	vsel vm14, v17, v39  }
0xf1: {  	v39 =	vsel vm15, v18, v39;
	v41 =	vmax.f32 v41, v42  }
0xf2: {  	v39 =	vsel vm12, v19, v39;
	vm4 =	veq.f32 v23, v41  }
0xf3: {  	v23 =	vnsel vm4, $0x40000000, v39  }
0xf4: {  	v39 =	vperm.xlane v23, v7;
	_ =	sdelay $0x1  }
0xf5: {  	vm0 =	vlt.s32 v23, v39  }
0xf6: {  	v23 =	vsel vm0, v23, v39  }
0xf7: {  	v39 =	vperm.xlane v23, v10;
	_ =	sdelay $0x1  }
0xf8: {  	vm0 =	vlt.s32 v23, v39  }
0xf9: {  	v23 =	vsel vm0, v23, v39  }
0xfa: {  	v39 =	vperm.xlane v23, v13;
	_ =	sdelay $0x1  }
0xfb: {  	vm0 =	vlt.s32 v23, v39  }
0xfc: {  	v23 =	vsel vm0, v23, v39  }
0xfd: {  	v39 =	vperm.xlane v23, v11;
	_ =	sdelay $0x1  }
0xfe: {  	vm0 =	vlt.s32 v23, v39  }
0xff: {  	v23 =	vsel vm0, v23, v39  }
0x100: {  	vm0 =	veq.s32 v23, v0  }
0x101: {  	v36 =	vsel vm0, $0xFF61B1E6, v36  }
0x102: {  	vm5 =	veq.s32 v23, v1;
	vm0 =	vgt.f32 v36, $-3.000000010e+38  }
0x103: {  	v35 =	vsel vm5, $0xFF61B1E6, v35;
	v49 =	vnsel vm0, $0xFF61B1E6, v36  }
0x104: {  	vm6 =	veq.s32 v23, v2;
	vm1 =	vgt.f32 v35, v49  }
0x105: {  	v34 =	vsel vm6, $0xFF61B1E6, v34;
	v39 =	vsel vm1, v35, v49  }
0x106: {  	vm7 =	veq.s32 v23, v3;
	vm2 =	vgt.f32 v34, v39  }
0x107: {  	v32 =	vsel vm7, $0xFF61B1E6, v32;
	v39 =	vsel vm2, v34, v39  }
0x108: {  	vm8 =	veq.s32 v23, v4;
	vm3 =	vgt.f32 v32, v39  }
0x109: {  	v31 =	vsel vm8, $0xFF61B1E6, v31;
	v39 =	vsel vm3, v32, v39  }
0x10a: {  	vm9 =	veq.s32 v23, v5;
	vm4 =	vgt.f32 v31, v39  }
0x10b: {  	v29 =	vsel vm9, $0xFF61B1E6, v29;
	v39 =	vsel vm4, v31, v39  }
0x10c: {  	vm10 =	veq.s32 v23, v6;
	vm5 =	vgt.f32 v29, v39  }
0x10d: {  	v28 =	vsel vm10, $0xFF61B1E6, v28;
	v39 =	vsel vm5, v29, v39  }
0x10e: {  	vm11 =	veq.s32 v23, v8;
	vm6 =	vgt.f32 v28, v39  }
0x10f: {  	v27 =	vsel vm11, $0xFF61B1E6, v27;
	v39 =	vsel vm6, v28, v39  }
0x110: {  	vm12 =	veq.s32 v23, v9;
	vm7 =	vgt.f32 v27, v39  }
0x111: {  	v25 =	vsel vm12, $0xFF61B1E6, v25;
	v39 =	vsel vm7, v27, v39  }
0x112: {  	vm13 =	veq.s32 v23, v12;
	vm8 =	vgt.f32 v25, v39  }
0x113: {  	v50 =	vsel vm13, $0xFF61B1E6, v24;
	v51 =	vsel vm8, v25, v39  }
0x114: {  	vm14 =	veq.s32 v23, v14;
	vm9 =	vgt.f32 v50, v51  }
0x115: {  	v52 =	vsel vm14, $0xFF61B1E6, v63;
	v24 =	vsel vm9, v50, v51  }
0x116: {  	vm15 =	veq.s32 v23, v15;
	vm10 =	vgt.f32 v52, v24  }
0x117: {  	v37 =	vsel vm15, $0xFF61B1E6, v45;
	v24 =	vsel vm10, v52, v24  }
0x118: {  	vm12 =	veq.s32 v23, v16;
	vm11 =	vgt.f32 v37, v24  }
0x119: {  	v38 =	vsel vm12, $0xFF61B1E6, v46;
	v24 =	vsel vm11, v37, v24  }
0x11a: {  	vm12 =	veq.s32 v23, v17;
	vm13 =	vgt.f32 v38, v24  }
0x11b: {  	v26 =	vsel vm12, $0xFF61B1E6, v26;
	v24 =	vsel vm13, v38, v24  }
0x11c: {  	vm12 =	veq.s32 v23, v18;
	vm14 =	vgt.f32 v26, v24  }
0x11d: {  	v30 =	vsel vm12, $0xFF61B1E6, v30;
	v24 =	vsel vm14, v26, v24  }
0x11e: {  	vm12 =	veq.s32 v23, v19;
	vm15 =	vgt.f32 v30, v24  }
0x11f: {  	v53 =	vnsel vm0, $0x0, v0;
	v33 =	vsel vm12, $0xFF61B1E6, v33;
	v24 =	vsel vm15, v30, v24  }
0x120: {  	v40 =	vsel vm1, v1, v53;
	vm12 =	vgt.f32 v33, v24  }
0x121: {  	v40 =	vsel vm2, v2, v40;
	v24 =	vsel vm12, v33, v24  }
0x122: {  	v40 =	vsel vm3, v3, v40;
	v54 =	vperm.xlane v24, v7  }
0x123: {  	v40 =	vsel vm4, v4, v40  }
0x124: {  	v40 =	vsel vm5, v5, v40;
	v42 =	vmax.f32 v24, v54  }
0x125: {  	v40 =	vsel vm6, v6, v40;
	v43 =	vperm.xlane v42, v10  }
0x126: {  	v40 =	vsel vm7, v8, v40  }
0x127: {  	v40 =	vsel vm8, v9, v40;
	v42 =	vmax.f32 v42, v43  }
0x128: {  	v40 =	vsel vm9, v12, v40;
	v43 =	vperm.xlane v42, v13  }
0x129: {  	v40 =	vsel vm10, v14, v40  }
0x12a: {  	v40 =	vsel vm11, v15, v40;
	v42 =	vmax.f32 v42, v43  }
0x12b: {  	v40 =	vsel vm13, v16, v40;
	v43 =	vperm.xlane v42, v11  }
0x12c: {  	v40 =	vsel vm14, v17, v40  }
0x12d: {  	v40 =	vsel vm15, v18, v40;
	v42 =	vmax.f32 v42, v43  }
0x12e: {  	v40 =	vsel vm12, v19, v40;
	vm4 =	veq.f32 v24, v42  }
0x12f: {  	v24 =	vnsel vm4, $0x40000000, v40  }
0x130: {  	v40 =	vperm.xlane v24, v7;
	_ =	sdelay $0x1  }
0x131: {  	vm0 =	vlt.s32 v24, v40  }
0x132: {  	v24 =	vsel vm0, v24, v40  }
0x133: {  	v40 =	vperm.xlane v24, v10;
	_ =	sdelay $0x1  }
0x134: {  	vm0 =	vlt.s32 v24, v40  }
0x135: {  	v24 =	vsel vm0, v24, v40  }
0x136: {  	v40 =	vperm.xlane v24, v13;
	_ =	sdelay $0x1  }
0x137: {  	vm0 =	vlt.s32 v24, v40  }
0x138: {  	v24 =	vsel vm0, v24, v40  }
0x139: {  	v40 =	vperm.xlane v24, v11;
	_ =	sdelay $0x1  }
0x13a: {  	vm0 =	vlt.s32 v24, v40  }
0x13b: {  	v24 =	vsel vm0, v24, v40  }
0x13c: {  	vm0 =	veq.s32 v24, v0  }
0x13d: {  	v36 =	vsel vm0, $0xFF61B1E6, v36  }
0x13e: {  	vm5 =	veq.s32 v24, v1;
	vm0 =	vgt.f32 v36, $-3.000000010e+38  }
0x13f: {  	v35 =	vsel vm5, $0xFF61B1E6, v35;
	v55 =	vnsel vm0, $0xFF61B1E6, v36  }
0x140: {  	vm6 =	veq.s32 v24, v2;
	vm1 =	vgt.f32 v35, v55  }
0x141: {  	v34 =	vsel vm6, $0xFF61B1E6, v34;
	v40 =	vsel vm1, v35, v55  }
0x142: {  	vm7 =	veq.s32 v24, v3;
	vm2 =	vgt.f32 v34, v40  }
0x143: {  	v32 =	vsel vm7, $0xFF61B1E6, v32;
	v40 =	vsel vm2, v34, v40  }
0x144: {  	vm8 =	veq.s32 v24, v4;
	vm3 =	vgt.f32 v32, v40  }
0x145: {  	v31 =	vsel vm8, $0xFF61B1E6, v31;
	v40 =	vsel vm3, v32, v40  }
0x146: {  	vm9 =	veq.s32 v24, v5;
	vm4 =	vgt.f32 v31, v40  }
0x147: {  	v29 =	vsel vm9, $0xFF61B1E6, v29;
	v40 =	vsel vm4, v31, v40  }
0x148: {  	vm10 =	veq.s32 v24, v6;
	vm5 =	vgt.f32 v29, v40  }
0x149: {  	v28 =	vsel vm10, $0xFF61B1E6, v28;
	v40 =	vsel vm5, v29, v40  }
0x14a: {  	vm11 =	veq.s32 v24, v8;
	vm6 =	vgt.f32 v28, v40  }
0x14b: {  	v27 =	vsel vm11, $0xFF61B1E6, v27;
	v40 =	vsel vm6, v28, v40  }
0x14c: {  	vm12 =	veq.s32 v24, v9;
	vm7 =	vgt.f32 v27, v40  }
0x14d: {  	v56 =	vsel vm12, $0xFF61B1E6, v25;
	v57 =	vsel vm7, v27, v40  }
0x14e: {  	vm13 =	veq.s32 v24, v12;
	vm8 =	vgt.f32 v56, v57  }
0x14f: {  	v58 =	vsel vm13, $0xFF61B1E6, v50;
	v25 =	vsel vm8, v56, v57  }
0x150: {  	vm14 =	veq.s32 v24, v14;
	vm9 =	vgt.f32 v58, v25  }
0x151: {  	v39 =	vsel vm14, $0xFF61B1E6, v52;
	v25 =	vsel vm9, v58, v25  }
0x152: {  	vm15 =	veq.s32 v24, v15;
	vm10 =	vgt.f32 v39, v25  }
0x153: {  	v37 =	vsel vm15, $0xFF61B1E6, v37;
	v25 =	vsel vm10, v39, v25  }
0x154: {  	vm12 =	veq.s32 v24, v16;
	vm11 =	vgt.f32 v37, v25  }
0x155: {  	v38 =	vsel vm12, $0xFF61B1E6, v38;
	v25 =	vsel vm11, v37, v25  }
0x156: {  	vm12 =	veq.s32 v24, v17;
	vm13 =	vgt.f32 v38, v25  }
0x157: {  	v26 =	vsel vm12, $0xFF61B1E6, v26;
	v25 =	vsel vm13, v38, v25  }
0x158: {  	vm12 =	veq.s32 v24, v18;
	vm14 =	vgt.f32 v26, v25  }
0x159: {  	v30 =	vsel vm12, $0xFF61B1E6, v30;
	v25 =	vsel vm14, v26, v25  }
0x15a: {  	vm12 =	veq.s32 v24, v19;
	vm15 =	vgt.f32 v30, v25  }
0x15b: {  	v59 =	vnsel vm0, $0x0, v0;
	v33 =	vsel vm12, $0xFF61B1E6, v33;
	v25 =	vsel vm15, v30, v25  }
0x15c: {  	v41 =	vsel vm1, v1, v59;
	vm12 =	vgt.f32 v33, v25  }
0x15d: {  	v41 =	vsel vm2, v2, v41;
	v25 =	vsel vm12, v33, v25  }
0x15e: {  	v41 =	vsel vm3, v3, v41;
	v60 =	vperm.xlane v25, v7  }
0x15f: {  	v41 =	vsel vm4, v4, v41  }
0x160: {  	v41 =	vsel vm5, v5, v41;
	v43 =	vmax.f32 v25, v60  }
0x161: {  	v41 =	vsel vm6, v6, v41;
	v44 =	vperm.xlane v43, v10  }
0x162: {  	v41 =	vsel vm7, v8, v41  }
0x163: {  	v41 =	vsel vm8, v9, v41;
	v43 =	vmax.f32 v43, v44  }
0x164: {  	v41 =	vsel vm9, v12, v41;
	v44 =	vperm.xlane v43, v13  }
0x165: {  	v41 =	vsel vm10, v14, v41  }
0x166: {  	v41 =	vsel vm11, v15, v41;
	v43 =	vmax.f32 v43, v44  }
0x167: {  	v41 =	vsel vm13, v16, v41;
	v44 =	vperm.xlane v43, v11  }
0x168: {  	v41 =	vsel vm14, v17, v41  }
0x169: {  	v41 =	vsel vm15, v18, v41;
	v43 =	vmax.f32 v43, v44  }
0x16a: {  	v41 =	vsel vm12, v19, v41;
	vm4 =	veq.f32 v25, v43  }
0x16b: {  	v25 =	vnsel vm4, $0x40000000, v41  }
0x16c: {  	v41 =	vperm.xlane v25, v7;
	_ =	sdelay $0x1  }
0x16d: {  	vm0 =	vlt.s32 v25, v41  }
0x16e: {  	v25 =	vsel vm0, v25, v41  }
0x16f: {  	v41 =	vperm.xlane v25, v10;
	_ =	sdelay $0x1  }
0x170: {  	vm0 =	vlt.s32 v25, v41  }
0x171: {  	v25 =	vsel vm0, v25, v41  }
0x172: {  	v41 =	vperm.xlane v25, v13;
	_ =	sdelay $0x1  }
0x173: {  	vm0 =	vlt.s32 v25, v41  }
0x174: {  	v25 =	vsel vm0, v25, v41  }
0x175: {  	v41 =	vperm.xlane v25, v11;
	_ =	sdelay $0x1  }
0x176: {  	vm0 =	vlt.s32 v25, v41  }
0x177: {  	v25 =	vsel vm0, v25, v41  }
0x178: {  	vm0 =	veq.s32 v25, v0  }
0x179: {  	v36 =	vsel vm0, $0xFF61B1E6, v36  }
0x17a: {  	vm5 =	veq.s32 v25, v1;
	vm0 =	vgt.f32 v36, $-3.000000010e+38  }
0x17b: {  	v35 =	vsel vm5, $0xFF61B1E6, v35;
	v61 =	vnsel vm0, $0xFF61B1E6, v36  }
0x17c: {  	vm6 =	veq.s32 v25, v2;
	vm1 =	vgt.f32 v35, v61  }
0x17d: {  	v34 =	vsel vm6, $0xFF61B1E6, v34;
	v41 =	vsel vm1, v35, v61  }
0x17e: {  	vm7 =	veq.s32 v25, v3;
	vm2 =	vgt.f32 v34, v41  }
0x17f: {  	v32 =	vsel vm7, $0xFF61B1E6, v32;
	v41 =	vsel vm2, v34, v41  }
0x180: {  	vm8 =	veq.s32 v25, v4;
	vm3 =	vgt.f32 v32, v41  }
0x181: {  	v31 =	vsel vm8, $0xFF61B1E6, v31;
	v41 =	vsel vm3, v32, v41  }
0x182: {  	vm9 =	veq.s32 v25, v5;
	vm4 =	vgt.f32 v31, v41  }
0x183: {  	v29 =	vsel vm9, $0xFF61B1E6, v29;
	v41 =	vsel vm4, v31, v41  }
0x184: {  	vm10 =	veq.s32 v25, v6;
	vm5 =	vgt.f32 v29, v41  }
0x185: {  	v28 =	vsel vm10, $0xFF61B1E6, v28;
	v41 =	vsel vm5, v29, v41  }
0x186: {  	vm11 =	veq.s32 v25, v8;
	vm6 =	vgt.f32 v28, v41  }
0x187: {  	v27 =	vsel vm11, $0xFF61B1E6, v27;
	v41 =	vsel vm6, v28, v41  }
0x188: {  	vm12 =	veq.s32 v25, v9;
	vm7 =	vgt.f32 v27, v41  }
0x189: {  	v42 =	vsel vm12, $0xFF61B1E6, v56;
	v41 =	vsel vm7, v27, v41  }
0x18a: {  	vm13 =	veq.s32 v25, v12;
	vm8 =	vgt.f32 v42, v41  }
0x18b: {  	v40 =	vsel vm13, $0xFF61B1E6, v58;
	v41 =	vsel vm8, v42, v41  }
0x18c: {  	vm14 =	veq.s32 v25, v14;
	vm9 =	vgt.f32 v40, v41  }
0x18d: {  	v39 =	vsel vm14, $0xFF61B1E6, v39;
	v41 =	vsel vm9, v40, v41  }
0x18e: {  	vm15 =	veq.s32 v25, v15;
	vm10 =	vgt.f32 v39, v41  }
0x18f: {  	v37 =	vsel vm15, $0xFF61B1E6, v37;
	v41 =	vsel vm10, v39, v41  }
0x190: {  	vm12 =	veq.s32 v25, v16;
	vm11 =	vgt.f32 v37, v41  }
0x191: {  	v38 =	vsel vm12, $0xFF61B1E6, v38;
	v41 =	vsel vm11, v37, v41  }
0x192: {  	vm12 =	veq.s32 v25, v17;
	vm13 =	vgt.f32 v38, v41  }
0x193: {  	v26 =	vsel vm12, $0xFF61B1E6, v26;
	v41 =	vsel vm13, v38, v41  }
0x194: {  	vm12 =	veq.s32 v25, v18;
	vm14 =	vgt.f32 v26, v41  }
0x195: {  	v30 =	vsel vm12, $0xFF61B1E6, v30;
	v41 =	vsel vm14, v26, v41  }
0x196: {  	vm12 =	veq.s32 v25, v19;
	vm15 =	vgt.f32 v30, v41  }
0x197: {  	v62 =	vnsel vm0, $0x0, v0;
	v33 =	vsel vm12, $0xFF61B1E6, v33;
	v41 =	vsel vm15, v30, v41  }
0x198: {  	v43 =	vsel vm1, v1, v62;
	vm12 =	vgt.f32 v33, v41  }
0x199: {  	v43 =	vsel vm2, v2, v43;
	v41 =	vsel vm12, v33, v41  }
0x19a: {  	v43 =	vsel vm3, v3, v43;
	v63 =	vperm.xlane v41, v7  }
0x19b: {  	v43 =	vsel vm4, v4, v43  }
0x19c: {  	v43 =	vsel vm5, v5, v43;
	v44 =	vmax.f32 v41, v63  }
0x19d: {  	v43 =	vsel vm6, v6, v43;
	v45 =	vperm.xlane v44, v10  }
0x19e: {  	v43 =	vsel vm7, v8, v43  }
0x19f: {  	v43 =	vsel vm8, v9, v43;
	v44 =	vmax.f32 v44, v45  }
0x1a0: {  	v43 =	vsel vm9, v12, v43;
	v45 =	vperm.xlane v44, v13  }
0x1a1: {  	v43 =	vsel vm10, v14, v43  }
0x1a2: {  	v43 =	vsel vm11, v15, v43;
	v44 =	vmax.f32 v44, v45  }
0x1a3: {  	v43 =	vsel vm13, v16, v43;
	v45 =	vperm.xlane v44, v11  }
0x1a4: {  	v43 =	vsel vm14, v17, v43  }
0x1a5: {  	v43 =	vsel vm15, v18, v43;
	v44 =	vmax.f32 v44, v45  }
0x1a6: {  	v48 =	vsel vm12, v19, v43;
	vm15 =	veq.f32 v41, v44  }
0x1a7: {  	v41 =	vnsel vm15, $0x40000000, v48  }
0x1a8: {  	v49 =	vperm.xlane v41, v7;
	_ =	sdelay $0x1  }
0x1a9: {  	vm4 =	vlt.s32 v41, v49  }
0x1aa: {  	v41 =	vsel vm4, v41, v49  }
0x1ab: {  	v43 =	vperm.xlane v41, v10;
	_ =	sdelay $0x1  }
0x1ac: {  	vm0 =	vlt.s32 v41, v43  }
0x1ad: {  	v41 =	vsel vm0, v41, v43  }
0x1ae: {  	v43 =	vperm.xlane v41, v13;
	_ =	sdelay $0x1  }
0x1af: {  	vm0 =	vlt.s32 v41, v43  }
0x1b0: {  	v41 =	vsel vm0, v41, v43  }
0x1b1: {  	v43 =	vperm.xlane v41, v11;
	_ =	sdelay $0x1  }
0x1b2: {  	vm0 =	vlt.s32 v41, v43  }
0x1b3: {  	v41 =	vsel vm0, v41, v43  }
0x1b4: {  	vm0 =	veq.s32 v41, v0  }
0x1b5: {  	v36 =	vsel vm0, $0xFF61B1E6, v36  }
0x1b6: {  	vm5 =	veq.s32 v41, v1;
	vm0 =	vgt.f32 v36, $-3.000000010e+38  }
0x1b7: {  	v35 =	vsel vm5, $0xFF61B1E6, v35;
	v36 =	vnsel vm0, $0xFF61B1E6, v36  }
0x1b8: {  	vm6 =	veq.s32 v41, v2;
	vm1 =	vgt.f32 v35, v36  }
0x1b9: {  	v34 =	vsel vm6, $0xFF61B1E6, v34;
	v35 =	vsel vm1, v35, v36  }
0x1ba: {  	vm7 =	veq.s32 v41, v3;
	vm2 =	vgt.f32 v34, v35  }
0x1bb: {  	v32 =	vsel vm7, $0xFF61B1E6, v32;
	v34 =	vsel vm2, v34, v35  }
0x1bc: {  	vm8 =	veq.s32 v41, v4;
	vm3 =	vgt.f32 v32, v34  }
0x1bd: {  	v31 =	vsel vm8, $0xFF61B1E6, v31;
	v32 =	vsel vm3, v32, v34  }
0x1be: {  	vm9 =	veq.s32 v41, v5;
	vm4 =	vgt.f32 v31, v32  }
0x1bf: {  	v29 =	vsel vm9, $0xFF61B1E6, v29;
	v31 =	vsel vm4, v31, v32  }
0x1c0: {  	vm10 =	veq.s32 v41, v6;
	vm5 =	vgt.f32 v29, v31  }
0x1c1: {  	v28 =	vsel vm10, $0xFF61B1E6, v28;
	v29 =	vsel vm5, v29, v31  }
0x1c2: {  	vm11 =	veq.s32 v41, v8;
	vm6 =	vgt.f32 v28, v29  }
0x1c3: {  	v27 =	vsel vm11, $0xFF61B1E6, v27;
	v28 =	vsel vm6, v28, v29  }
0x1c4: {  	vm12 =	veq.s32 v41, v9;
	vm7 =	vgt.f32 v27, v28  }
0x1c5: {  	v50 =	vsel vm12, $0xFF61B1E6, v42;
	v27 =	vsel vm7, v27, v28  }
0x1c6: {  	vm13 =	veq.s32 v41, v12;
	vm8 =	vgt.f32 v50, v27  }
0x1c7: {  	v51 =	vsel vm13, $0xFF61B1E6, v40;
	v27 =	vsel vm8, v50, v27  }
0x1c8: {  	vm14 =	veq.s32 v41, v14;
	vm9 =	vgt.f32 v51, v27  }
0x1c9: {  	v52 =	vsel vm14, $0xFF61B1E6, v39;
	v27 =	vsel vm9, v51, v27  }
0x1ca: {  	vm15 =	veq.s32 v41, v15;
	vm10 =	vgt.f32 v52, v27  }
0x1cb: {  	v53 =	vsel vm15, $0xFF61B1E6, v37;
	v27 =	vsel vm10, v52, v27  }
0x1cc: {  	vm12 =	veq.s32 v41, v16;
	vm11 =	vgt.f32 v53, v27  }
0x1cd: {  	v54 =	vsel vm12, $0xFF61B1E6, v38;
	v27 =	vsel vm11, v53, v27  }
0x1ce: {  	vm12 =	veq.s32 v41, v17;
	vm13 =	vgt.f32 v54, v27  }
0x1cf: {  	v26 =	vsel vm12, $0xFF61B1E6, v26;
	v27 =	vsel vm13, v54, v27  }
0x1d0: {  	vm12 =	veq.s32 v41, v18;
	vm14 =	vgt.f32 v26, v27  }
0x1d1: {  	v55 =	vsel vm12, $0xFF61B1E6, v30;
	v26 =	vsel vm14, v26, v27  }
0x1d2: {  	vm12 =	veq.s32 v41, v19;
	vm15 =	vgt.f32 v55, v26  }
0x1d3: {  	v0 =	vnsel vm0, $0x0, v0;
	v56 =	vsel vm12, $0xFF61B1E6, v33;
	v26 =	vsel vm15, v55, v26  }
0x1d4: {  	v0 =	vsel vm1, v1, v0;
	vm12 =	vgt.f32 v56, v26  }
0x1d5: {  	v0 =	vsel vm2, v2, v0;
	v57 =	vsel vm12, v56, v26  }
0x1d6: {  	v0 =	vsel vm3, v3, v0;
	v58 =	vperm.xlane v57, v7  }
0x1d7: {  	v0 =	vsel vm4, v4, v0  }
0x1d8: {  	v0 =	vsel vm5, v5, v0;
	v2 =	vmax.f32 v57, v58  }
0x1d9: {  	v0 =	vsel vm6, v6, v0;
	v59 =	vperm.xlane v2, v10  }
0x1da: {  	v0 =	vsel vm7, v8, v0  }
0x1db: {  	v0 =	vsel vm8, v9, v0;
	v2 =	vmax.f32 v2, v59  }
0x1dc: {  	v0 =	vsel vm9, v12, v0;
	v3 =	vperm.xlane v2, v13  }
0x1dd: {  	v0 =	vsel vm10, v14, v0  }
0x1de: {  	v0 =	vsel vm11, v15, v0;
	v2 =	vmax.f32 v2, v3  }
0x1df: {  	v0 =	vsel vm13, v16, v0;
	v3 =	vperm.xlane v2, v11  }
0x1e0: {  	v0 =	vsel vm14, v17, v0  }
0x1e1: {  	v0 =	vsel vm15, v18, v0;
	v2 =	vmax.f32 v2, v3  }
0x1e2: {  	v0 =	vsel vm12, v19, v0;
	vm6 =	veq.f32 v57, v2  }
0x1e3: {  	v0 =	vnsel vm6, $0x40000000, v0  }
0x1e4: {  	v60 =	vperm.xlane v0, v7;
	_ =	sdelay $0x1  }
0x1e5: {  	vm0 =	vlt.s32 v0, v60  }
0x1e6: {  	v0 =	vsel vm0, v0, v60  }
0x1e7: {  	v1 =	vperm.xlane v0, v10;
	_ =	sdelay $0x1  }
0x1e8: {  	vm0 =	vlt.s32 v0, v1  }
0x1e9: {  	v0 =	vsel vm0, v0, v1  }
0x1ea: {  	v1 =	vperm.xlane v0, v13  }
0x1eb: {  	vm7 =	vmmov $0x1  }
0x1ec: {  	v61 =	vsel vm7, v20, v21;
	vm8 =	vmmov $0x3;
	vm9 =	vlt.s32 v0, v1  }
0x1ed: {  	vm10 =	vmmov $0x7;
	v2 =	vsel vm8, v61, v22;
	v0 =	vsel vm9, v0, v1  }
0x1ee: {  	vm11 =	vmmov $0xf;
	v62 =	vsel vm10, v2, v23;
	v63 =	vperm.xlane v0, v11  }
0x1ef: {  	vm12 =	vmmov $0x1f;
	v1 =	vsel vm11, v62, v24  }
0x1f0: {  	vm13 =	vmmov $0x3f;
	v1 =	vsel vm12, v1, v25;
	vm1 =	vlt.s32 v0, v63  }
0x1f1: {  	vm14 =	vmmov $0x7f;
	v1 =	vsel vm13, v1, v41;
	v0 =	vsel vm1, v0, v63  }
0x1f2: {  	vm15 =	vmmov $0xff;
	v0 =	vsel vm14, v1, v0  }
0x1f3: {  	s3 =	sadd.s32 $0x3000, s3;
	v0 =	vnsel vm15, $0x0, v0  }
0x1f4: {  	s3 =	sadd.s32 s3, s4;
	[tilespmem:$0x100] =	vst v0  }
0x1f5: {  	[hbm4b:s3+s2] =	stream.linear.scatter [tilespmem:s6], [sflag:$0x1], $0x80, $0x38;
	[tilespmem:$0x180] =	vst v63  }
0x1f6: {  	_ =	swait.ge [sflag:s31], $0x80  }
0x1f7: {  	[sflag:s31] =	ssyncset.done $0x0  }
0x1f8: {  	[sflag:s31] =	ssyncadd.s32 $0xFFFFFF80  }
.LBB2_2:
0x1f9: {  	_ =	sfence.sel $0x180000  }
0x1fa: {  	[bflag:$0x0] =	sbarrier.arrive $0xFFFF  }
0x1fb: {  	p0 =	sne.s32 s1, $0x0;
	_ =	strace $0x90000047  }
0x1fc: {  	s0 =	sadd.s32 @!p0 $0x100000, s0;
	[bflag:$0x2] =	sbarrier.arrive $0xFFFF  }
0x1fd: {  	[sflag:s0] =	ssyncadd.tile.s32 @!p0 $0x1;
	_ =	shalt  }
.Lfunc_end2:
_tile_overlayer_lowered:
.L_overlay_start_2:
0x1fe: {  	(tag) =	ssettag $0x2  }
0x1ff: {  	s0 =	rddreg [dreg:$0x0];
	s2 =	stileid.u32  }
0x200: {  	s1 =	rddreg [dreg:$0x1];
	p0 =	sne.s32 s2, $0x0  }
0x201: {  	s3 =	rddreg [dreg:$0x2];
	[bflag:$0x3] =	sbarrier.arrive $0xFFFF;
	s2 =	simm.s32 @!p0 $0x1C01  }
0x202: {  	[timem:s3], [sflag:s2] =	dma.local @!p0 [hbm:s0], s1  }
0x203: {  	s0 =	simm.s32 @!p0 $0x1  }
0x204: {  	_ =	swait.ge @!p0 [sflag:s0], s1  }
0x205: {  	s1 =	ssub.s32 @!p0 $0x0, s1;
	[sflag:s0] =	ssyncset.done @!p0 $0x0  }
0x206: {  	[sflag:s0] =	ssyncadd.s32 @!p0 s1  }
0x207: {  	[bflag:$0x3] =	sbarrier.arrive $0xFFFF  }
0x208: {  	_ =	shalt  }

</sc_bundles>
